<compile_context>
chip_gen: v7x
topology: tpu7x:2x2x1
jax: 0.10.2.dev20260603
libtpu: 0.0.44.dev20260713+nightly
codegen_flags: <defaults>
</compile_context>

<pallas_src>
import jax
import jax.numpy as jnp
from jax import lax
from jax.experimental import pallas as pl
from jax.experimental.pallas import tpu as pltpu
from jax.experimental.pallas import tpu_sc as plsc

N = 10000
E = 320000
IN_F = 128
H_F = 128
OUT_F = 64

NC = 2
NS = 16
NW = NC * NS
CHUNK = 128
NCHUNKS = E // CHUNK
NCH_MAX = (NCHUNKS + NW - 1) // NW
N_PAD = 10000
RPT = N_PAD // NS

_MESH = plsc.VectorSubcoreMesh(core_axis_name="c", subcore_axis_name="s")
_SC_PARAMS = pltpu.CompilerParams(use_tc_tiling_on_sc=False,
                                  disable_bounds_checks=True)


def _tile_range(wid):
    lo = wid * NCHUNKS // NW
    hi = (wid + 1) * NCHUNKS // NW
    return lo, hi - lo


def _deg_call(dst2, ones_d, zeros_d):

    def body(dst_hbm, ones_hbm, zeros_hbm, out_hbm, dst_v, ones_v, acc_sh, sem):
        c = lax.axis_index("c")
        s = lax.axis_index("s")
        wid = c * NS + s
        lo, cnt = _tile_range(wid)
        pltpu.sync_copy(zeros_hbm.at[pl.ds(s * RPT, RPT)],
                        acc_sh.at[pl.ds(s * RPT, RPT)])
        pltpu.sync_copy(dst_hbm.at[pl.ds(lo, NCH_MAX)], dst_v)
        pltpu.sync_copy(ones_hbm, ones_v)
        plsc.subcore_barrier()

        @pl.loop(0, NCH_MAX)
        def _(j):
            @pl.when(j < cnt)
            def _():
                pltpu.async_copy(ones_v, acc_sh.at[dst_v.at[j]], sem,
                                 add=True).wait()

        plsc.subcore_barrier()
        pltpu.sync_copy(acc_sh.at[pl.ds(s * RPT, RPT)],
                        out_hbm.at[c].at[pl.ds(s * RPT, RPT)])

    fn = pl.kernel(
        body,
        out_type=jax.ShapeDtypeStruct((NC, N_PAD, 16), jnp.float32),
        mesh=_MESH,
        scratch_types=[
            pltpu.VMEM((NCH_MAX, CHUNK), jnp.int32),
            pltpu.VMEM((CHUNK, 16), jnp.float32),
            pltpu.VMEM_SHARED((N_PAD, 16), jnp.float32),
            pltpu.SemaphoreType.DMA,
        ],
        compiler_params=_SC_PARAMS,
    )
    return fn(dst2, ones_d, zeros_d)


def _edge_sum_call(y, src2, dst2, zeros, d):

    def body(y_hbm, src_hbm, dst_hbm, zeros_hbm, out_hbm,
             src_v, dst_v, rows_a, rows_b, rows_c,
             sem_ia, sem_ib, sem_ic, sem_ga, sem_gb, sem_gc, sem_s, acc_sh):
        c = lax.axis_index("c")
        s = lax.axis_index("s")
        wid = c * NS + s
        lo, cnt = _tile_range(wid)
        pltpu.sync_copy(zeros_hbm.at[pl.ds(s * RPT, RPT)],
                        acc_sh.at[pl.ds(s * RPT, RPT)])
        plsc.subcore_barrier()

        rows = (rows_a, rows_b, rows_c)
        isems = (sem_ia, sem_ib, sem_ic)
        gsems = (sem_ga, sem_gb, sem_gc)

        def i_start(j, slot):
            pltpu.make_async_copy(src_hbm.at[j], src_v.at[slot],
                                  isems[slot]).start()
            pltpu.make_async_copy(dst_hbm.at[j], dst_v.at[slot],
                                  isems[slot]).start()

        def i_wait(j, slot):
            pltpu.make_async_copy(src_hbm.at[j], src_v.at[slot],
                                  isems[slot]).wait()
            pltpu.make_async_copy(dst_hbm.at[j], dst_v.at[slot],
                                  isems[slot]).wait()

        def g_start(slot):
            pltpu.make_async_copy(y_hbm.at[src_v.at[slot]], rows[slot],
                                  gsems[slot]).start()

        def g_wait(slot):
            pltpu.make_async_copy(y_hbm.at[src_v.at[slot]], rows[slot],
                                  gsems[slot]).wait()

        def sc_start(slot):
            return pltpu.async_copy(rows[slot], acc_sh.at[dst_v.at[slot]],
                                    sem_s, add=True)

        i_start(lo, 0)
        i_start(lo + 1, 1)
        i_start(lo + 2, 2)

        @pl.loop(0, (NCH_MAX - 1) // 3)
        def _(jt):
            j = lo + 3 * jt
            i_wait(j, 0)
            g_start(0)
            i_wait(j + 1, 1)
            g_start(1)
            i_wait(j + 2, 2)
            g_start(2)
            g_wait(0)
            sc0 = sc_start(0)
            g_wait(1)
            sc0.wait()

            @pl.when(3 * jt + 3 < cnt)
            def _():
                i_start(j + 3, 0)

            sc1 = sc_start(1)
            g_wait(2)
            sc1.wait()

            @pl.when(3 * jt + 4 < cnt)
            def _():
                i_start(j + 4, 1)

            sc2 = sc_start(2)
            sc2.wait()

            @pl.when(3 * jt + 5 < cnt)
            def _():
                i_start(j + 5, 2)

        @pl.when(cnt > NCH_MAX - 1)
        def _():
            j = lo + NCH_MAX - 1
            i_wait(j, 0)
            g_start(0)
            g_wait(0)
            sc_start(0).wait()

        plsc.subcore_barrier()
        pltpu.sync_copy(acc_sh.at[pl.ds(s * RPT, RPT)],
                        out_hbm.at[c].at[pl.ds(s * RPT, RPT)])

    fn = pl.kernel(
        body,
        out_type=jax.ShapeDtypeStruct((NC, N_PAD, d), jnp.float32),
        mesh=_MESH,
        scratch_types=[
            pltpu.VMEM((3, CHUNK), jnp.int32),
            pltpu.VMEM((3, CHUNK), jnp.int32),
            pltpu.VMEM((CHUNK, d), jnp.float32),
            pltpu.VMEM((CHUNK, d), jnp.float32),
            pltpu.VMEM((CHUNK, d), jnp.float32),
            pltpu.SemaphoreType.DMA,
            pltpu.SemaphoreType.DMA,
            pltpu.SemaphoreType.DMA,
            pltpu.SemaphoreType.DMA,
            pltpu.SemaphoreType.DMA,
            pltpu.SemaphoreType.DMA,
            pltpu.SemaphoreType.DMA,
            pltpu.VMEM_SHARED((N_PAD, d), jnp.float32),
        ],
        compiler_params=_SC_PARAMS,
    )
    return fn(y, src2, dst2, zeros)


BLK = 2000


def _mm1_call(x, W1):
    def body(x_ref, w_ref, o_ref):
        o_ref[...] = jnp.dot(x_ref[...], w_ref[...],
                             preferred_element_type=jnp.float32)

    return pl.pallas_call(
        body,
        grid=(N // BLK,),
        in_specs=[pl.BlockSpec((BLK, IN_F), lambda i: (i, 0)),
                  pl.BlockSpec((IN_F, H_F), lambda i: (0, 0))],
        out_specs=pl.BlockSpec((BLK, H_F), lambda i: (i, 0)),
        out_shape=jax.ShapeDtypeStruct((N, H_F), jnp.float32),
    )(x, W1)


def _ew1_call(degp, xw1):

    def body(degp_ref, xw_ref, y_ref, dinv_ref):
        deg = degp_ref[0, :, 0:1] + degp_ref[1, :, 0:1]
        dinv = lax.rsqrt(deg + 1.0)
        y_ref[...] = xw_ref[...] * dinv
        dinv_ref[...] = dinv

    return pl.pallas_call(
        body,
        grid=(N // BLK,),
        in_specs=[pl.BlockSpec((NC, BLK, 16), lambda i: (0, i, 0)),
                  pl.BlockSpec((BLK, H_F), lambda i: (i, 0))],
        out_specs=[pl.BlockSpec((BLK, H_F), lambda i: (i, 0)),
                   pl.BlockSpec((BLK, 1), lambda i: (i, 0))],
        out_shape=[jax.ShapeDtypeStruct((N, H_F), jnp.float32),
                   jax.ShapeDtypeStruct((N, 1), jnp.float32)],
    )(degp, xw1)


def _fused2_call(s1p, y1, dinv, b1, W2):

    def body(s_ref, y_ref, dinv_ref, b_ref, w_ref, o_ref):
        sacc = s_ref[0] + s_ref[1]
        h = jnp.maximum(dinv_ref[...] * (sacc + y_ref[...]) + b_ref[...], 0.0)
        o_ref[...] = jnp.dot(h, w_ref[...],
                             preferred_element_type=jnp.float32) * dinv_ref[...]

    return pl.pallas_call(
        body,
        grid=(N // BLK,),
        in_specs=[pl.BlockSpec((NC, BLK, H_F), lambda i: (0, i, 0)),
                  pl.BlockSpec((BLK, H_F), lambda i: (i, 0)),
                  pl.BlockSpec((BLK, 1), lambda i: (i, 0)),
                  pl.BlockSpec((1, H_F), lambda i: (0, 0)),
                  pl.BlockSpec((H_F, OUT_F), lambda i: (0, 0))],
        out_specs=pl.BlockSpec((BLK, OUT_F), lambda i: (i, 0)),
        out_shape=jax.ShapeDtypeStruct((N, OUT_F), jnp.float32),
    )(s1p, y1, dinv, b1, W2)


def _ew3_call(s2p, y2, dinv, b2):

    def body(s_ref, y_ref, dinv_ref, b_ref, o_ref):
        sacc = s_ref[0] + s_ref[1]
        o_ref[...] = dinv_ref[...] * (sacc + y_ref[...]) + b_ref[...]

    return pl.pallas_call(
        body,
        grid=(N // BLK,),
        in_specs=[pl.BlockSpec((NC, BLK, OUT_F), lambda i: (0, i, 0)),
                  pl.BlockSpec((BLK, OUT_F), lambda i: (i, 0)),
                  pl.BlockSpec((BLK, 1), lambda i: (i, 0)),
                  pl.BlockSpec((1, OUT_F), lambda i: (0, 0))],
        out_specs=pl.BlockSpec((BLK, OUT_F), lambda i: (i, 0)),
        out_shape=jax.ShapeDtypeStruct((N, OUT_F), jnp.float32),
    )(s2p, y2, dinv, b2)


def kernel(x, edge_index, W1, b1, W2, b2):
    src2 = edge_index[0].astype(jnp.int32).reshape(NCHUNKS, CHUNK)
    dst2 = edge_index[1].astype(jnp.int32).reshape(NCHUNKS, CHUNK)

    ones_d = jnp.ones((CHUNK, 16), jnp.float32)
    zeros_d = jnp.zeros((N_PAD, 16), jnp.float32)
    zeros_h = jnp.zeros((N_PAD, H_F), jnp.float32)
    zeros_o = jnp.zeros((N_PAD, OUT_F), jnp.float32)

    degp = _deg_call(dst2, ones_d, zeros_d)
    xw1 = _mm1_call(x, W1)
    y1, dinv = _ew1_call(degp, xw1)
    s1p = _edge_sum_call(y1, src2, dst2, zeros_h, H_F)
    y2 = _fused2_call(s1p, y1, dinv, b1.reshape(1, H_F), W2)
    s2p = _edge_sum_call(y2, src2, dst2, zeros_o, OUT_F)
    out = _ew3_call(s2p, y2, dinv, b2.reshape(1, OUT_F))
    return out

# --- scband reference (transcript-rebuilt; emitter-appended) ---
"""Pipeline reference for scband-gcn-28802050687441 (READ-ONLY COPY).

The authoritative reference and input builder live on the scoring server;
editing this copy changes nothing except your own understanding.
"""

import jax, jax.numpy as jnp
import numpy as np

N_NODES = 10000
N_EDGES = 320000
IN_FEATS = 128
H_FEATS = 128
OUT_FEATS = 64


def setup_inputs(seed: int = 0) -> dict:
    key = jax.random.key(seed)
    k1, k2, k3, k4, k5, k6 = jax.random.split(key, 6)
    x = jax.random.normal(k1, (N_NODES, IN_FEATS), dtype=jnp.float32)
    edge_index = jax.random.randint(k2, (2, N_EDGES), 0, N_NODES, dtype=jnp.int64)
    W1 = jax.random.normal(k3, (IN_FEATS, H_FEATS), dtype=jnp.float32) * (1.0 / np.sqrt(IN_FEATS))
    b1 = jax.random.normal(k4, (H_FEATS,), dtype=jnp.float32) * 0.01
    W2 = jax.random.normal(k5, (H_FEATS, OUT_FEATS), dtype=jnp.float32) * (1.0 / np.sqrt(H_FEATS))
    b2 = jax.random.normal(k6, (OUT_FEATS,), dtype=jnp.float32) * 0.01
    return {"x": x, "edge_index": edge_index, "W1": W1, "b1": b1, "W2": W2, "b2": b2}


def _gcn_conv(x, src, dst, norm, W, b):
    # GCNConv: out = D^{-1/2} (A + I) D^{-1/2} X W + b
    xw = x @ W
    msg = jnp.take(xw, src, axis=0) * norm[:, None]
    out = jnp.zeros((x.shape[0], W.shape[1]), dtype=x.dtype).at[dst].add(msg)
    return out + b


def _build_norm(edge_index, n_nodes):
    # add self-loops, compute symmetric normalization coefficients per edge
    loop = jnp.arange(n_nodes, dtype=edge_index.dtype)
    src = jnp.concatenate([edge_index[0], loop])
    dst = jnp.concatenate([edge_index[1], loop])
    ones = jnp.ones(src.shape[0], dtype=jnp.float32)
    deg = jnp.zeros(n_nodes, dtype=jnp.float32).at[dst].add(ones)
    dinv = jnp.where(deg > 0, 1.0 / jnp.sqrt(deg), 0.0)
    norm = jnp.take(dinv, src) * jnp.take(dinv, dst)
    return src, dst, norm


def reference(x, edge_index, W1, b1, W2, b2):
    # dropout(p=0.6) is identity in eval mode
    src, dst, norm = _build_norm(edge_index, x.shape[0])
    x_hidden = jax.nn.relu(_gcn_conv(x, src, dst, norm, W1, b1))
    out = _gcn_conv(x_hidden, src, dst, norm, W2, b2)
    return out

if __name__ == "__main__":
    import jax
    _d = setup_inputs()
    print(jax.jit(kernel)(*tuple(_d.values())))

</pallas_src>

<mosaic_0001>
#map = affine_map<(d0, d1) -> (0, 0)>
#map1 = affine_map<(d0, d1) -> (0, 0, 0)>
module attributes {stable_mosaic.version = 14 : i64} {
  func.func @body(%arg0: i32, %arg1: i32, %arg2: memref<10000x128xf32, #tpu.memory_space<hbm>>, %arg3: memref<2500x128xi32, #tpu.memory_space<hbm>>, %arg4: memref<2500x128xi32, #tpu.memory_space<hbm>>, %arg5: memref<10000x128xf32, #tpu.memory_space<hbm>>, %arg6: memref<2x10000x128xf32, #tpu.memory_space<hbm>>, %arg7: memref<3x128xi32, #tpu.memory_space<vmem>>, %arg8: memref<3x128xi32, #tpu.memory_space<vmem>>, %arg9: memref<128x128xf32, #tpu.memory_space<vmem>>, %arg10: memref<128x128xf32, #tpu.memory_space<vmem>>, %arg11: memref<128x128xf32, #tpu.memory_space<vmem>>, %arg12: memref<!tpu.dma_semaphore, #tpu.memory_space<semaphore_mem>>, %arg13: memref<!tpu.dma_semaphore, #tpu.memory_space<semaphore_mem>>, %arg14: memref<!tpu.dma_semaphore, #tpu.memory_space<semaphore_mem>>, %arg15: memref<!tpu.dma_semaphore, #tpu.memory_space<semaphore_mem>>, %arg16: memref<!tpu.dma_semaphore, #tpu.memory_space<semaphore_mem>>, %arg17: memref<!tpu.dma_semaphore, #tpu.memory_space<semaphore_mem>>, %arg18: memref<!tpu.dma_semaphore, #tpu.memory_space<semaphore_mem>>, %arg19: memref<10000x128xf32, #tpu.memory_space<vmem_shared>>) attributes {dimension_semantics = [#tpu.dimension_semantics<core_parallel>, #tpu.dimension_semantics<subcore_parallel>], iteration_bounds = array<i64: 2, 16>, scalar_prefetch = 0 : i64, scratch_operands = 13 : i64, tpu.core_type = #tpu.core_type<sc_vector_subcore>, window_params = [{transform_indices = #map}, {transform_indices = #map}, {transform_indices = #map}, {transform_indices = #map}, {transform_indices = #map1}]} {
    %mul3A = arith.constant 16 : i32
    %mul3A_0 = arith.muli %arg0, %mul3A : i32
    %add3A = arith.addi %mul3A_0, %arg1 : i32
    %mul3A_1 = arith.constant 2500 : i32
    %mul3A_2 = arith.muli %add3A, %mul3A_1 : i32
    %jit3A = arith.constant 32 : i32
    %div3A = arith.divsi %mul3A_2, %jit3A : i32
    %sign3A = arith.constant 0 : i32
    %sign3A_3 = arith.cmpi sgt, %mul3A_2, %sign3A : i32
    %sign3A_4 = arith.extui %sign3A_3 : i1 to i32
    %sign3A_5 = arith.constant 0 : i32
    %sign3A_6 = arith.cmpi slt, %mul3A_2, %sign3A_5 : i32
    %sign3A_7 = arith.extui %sign3A_6 : i1 to i32
    %sign3A_8 = arith.subi %sign3A_4, %sign3A_7 : i32
    %sign3A_9 = arith.constant 0 : i32
    %sign3A_10 = arith.cmpi sgt, %jit3A, %sign3A_9 : i32
    %sign3A_11 = arith.extui %sign3A_10 : i1 to i32
    %sign3A_12 = arith.constant 0 : i32
    %sign3A_13 = arith.cmpi slt, %jit3A, %sign3A_12 : i32
    %sign3A_14 = arith.extui %sign3A_13 : i1 to i32
    %sign3A_15 = arith.subi %sign3A_11, %sign3A_14 : i32
    %ne3A = arith.cmpi ne, %sign3A_8, %sign3A_15 : i32
    %rem3A = arith.remsi %mul3A_2, %jit3A : i32
    %ne3A_16 = arith.constant 0 : i32
    %ne3A_17 = arith.cmpi ne, %rem3A, %ne3A_16 : i32
    %and3A = arith.andi %ne3A, %ne3A_17 : i1
    %sub3A = arith.constant 1 : i32
    %sub3A_18 = arith.subi %div3A, %sub3A : i32
    %select_n3A = arith.select %and3A, %sub3A_18, %div3A : i32
    %add3A_19 = arith.constant 1 : i32
    %add3A_20 = arith.addi %add3A, %add3A_19 : i32
    %mul3A_21 = arith.constant 2500 : i32
    %mul3A_22 = arith.muli %add3A_20, %mul3A_21 : i32
    %jit3A_23 = arith.constant 32 : i32
    %div3A_24 = arith.divsi %mul3A_22, %jit3A_23 : i32
    %sign3A_25 = arith.constant 0 : i32
    %sign3A_26 = arith.cmpi sgt, %mul3A_22, %sign3A_25 : i32
    %sign3A_27 = arith.extui %sign3A_26 : i1 to i32
    %sign3A_28 = arith.constant 0 : i32
    %sign3A_29 = arith.cmpi slt, %mul3A_22, %sign3A_28 : i32
    %sign3A_30 = arith.extui %sign3A_29 : i1 to i32
    %sign3A_31 = arith.subi %sign3A_27, %sign3A_30 : i32
    %sign3A_32 = arith.constant 0 : i32
    %sign3A_33 = arith.cmpi sgt, %jit3A_23, %sign3A_32 : i32
    %sign3A_34 = arith.extui %sign3A_33 : i1 to i32
    %sign3A_35 = arith.constant 0 : i32
    %sign3A_36 = arith.cmpi slt, %jit3A_23, %sign3A_35 : i32
    %sign3A_37 = arith.extui %sign3A_36 : i1 to i32
    %sign3A_38 = arith.subi %sign3A_34, %sign3A_37 : i32
    %ne3A_39 = arith.cmpi ne, %sign3A_31, %sign3A_38 : i32
    %rem3A_40 = arith.remsi %mul3A_22, %jit3A_23 : i32
    %ne3A_41 = arith.constant 0 : i32
    %ne3A_42 = arith.cmpi ne, %rem3A_40, %ne3A_41 : i32
    %and3A_43 = arith.andi %ne3A_39, %ne3A_42 : i1
    %sub3A_44 = arith.constant 1 : i32
    %sub3A_45 = arith.subi %div3A_24, %sub3A_44 : i32
    %select_n3A_46 = arith.select %and3A_43, %sub3A_45, %div3A_24 : i32
    %sub3A_47 = arith.subi %select_n3A_46, %select_n3A : i32
    %mul3A_48 = arith.constant 625 : i32
    %mul3A_49 = arith.muli %arg1, %mul3A_48 : i32
    %mul3A_50 = arith.constant 625 : i32
    %mul3A_51 = arith.muli %arg1, %mul3A_50 : i32
    "tpu.region"() ({
      %run_scoped3A = tpu.sem_alloc : memref<!tpu.dma_semaphore, #tpu.memory_space<semaphore_mem>>
      %dma_start3A_144 = arith.constant 0 : i32
      %dma_start3A_145 = tpu.memref_slice %arg19[%mul3A_51, %dma_start3A_144] : memref<10000x128xf32, #tpu.memory_space<vmem_shared>> -> memref<625x128xf32, #tpu.memory_space<vmem_shared>>
      %dma_start3A_146 = arith.constant 0 : i32
      %dma_start3A_147 = tpu.memref_slice %arg5[%mul3A_49, %dma_start3A_146] : memref<10000x128xf32, #tpu.memory_space<hbm>> -> memref<625x128xf32, #tpu.memory_space<hbm>>
      tpu.enqueue_dma source(%dma_start3A_147 : memref<625x128xf32, #tpu.memory_space<hbm>>) target(%dma_start3A_145 : memref<625x128xf32, #tpu.memory_space<vmem_shared>>) target_semaphore(%run_scoped3A : memref<!tpu.dma_semaphore, #tpu.memory_space<semaphore_mem>>)
      %dma_wait3A = arith.constant 0 : i32
      %dma_wait3A_148 = tpu.memref_slice %arg19[%mul3A_51, %dma_wait3A] : memref<10000x128xf32, #tpu.memory_space<vmem_shared>> -> memref<625x128xf32, #tpu.memory_space<vmem_shared>>
      %dma_wait3A_149 = arith.constant 0 : i32
      %dma_wait3A_150 = tpu.memref_slice %arg5[%mul3A_49, %dma_wait3A_149] : memref<10000x128xf32, #tpu.memory_space<hbm>> -> memref<625x128xf32, #tpu.memory_space<hbm>>
      tpu.wait_dma2 semaphore(%run_scoped3A : memref<!tpu.dma_semaphore, #tpu.memory_space<semaphore_mem>>) src(%dma_wait3A_150 : memref<625x128xf32, #tpu.memory_space<hbm>>) dst(%dma_wait3A_148 : memref<625x128xf32, #tpu.memory_space<vmem_shared>>)
      tpu.yield
    }) : () -> ()
    %barrier3A = arith.constant 0 : index
    tpu.barrier barrier_id(%barrier3A)
    %dma_start3A = arith.constant 0 : i32
    %dma_start3A_52 = arith.constant 0 : i32
    %dma_start3A_53 = tpu.memref_slice %arg7[%dma_start3A, %dma_start3A_52] : memref<3x128xi32, #tpu.memory_space<vmem>> -> memref<1x128xi32, #tpu.memory_space<vmem>>
    %dma_start3A_54 = tpu.memref_squeeze %dma_start3A_53 : memref<1x128xi32, #tpu.memory_space<vmem>> -> memref<128xi32, #tpu.memory_space<vmem>>
    %dma_start3A_55 = arith.constant 0 : i32
    %dma_start3A_56 = tpu.memref_slice %arg3[%select_n3A, %dma_start3A_55] : memref<2500x128xi32, #tpu.memory_space<hbm>> -> memref<1x128xi32, #tpu.memory_space<hbm>>
    %dma_start3A_57 = tpu.memref_squeeze %dma_start3A_56 : memref<1x128xi32, #tpu.memory_space<hbm>> -> memref<128xi32, #tpu.memory_space<hbm>>
    %dma_start3A_58 = arith.constant 0 : i32
    %dma_start3A_59 = tpu.memref_slice %arg7[%dma_start3A, %dma_start3A_58] : memref<3x128xi32, #tpu.memory_space<vmem>> -> memref<1x128xi32, #tpu.memory_space<vmem>>
    %dma_start3A_60 = tpu.memref_squeeze %dma_start3A_59 : memref<1x128xi32, #tpu.memory_space<vmem>> -> memref<128xi32, #tpu.memory_space<vmem>>
    %dma_start3A_61 = arith.constant 0 : i32
    %dma_start3A_62 = tpu.memref_slice %arg3[%select_n3A, %dma_start3A_61] : memref<2500x128xi32, #tpu.memory_space<hbm>> -> memref<1x128xi32, #tpu.memory_space<hbm>>
    %dma_start3A_63 = tpu.memref_squeeze %dma_start3A_62 : memref<1x128xi32, #tpu.memory_space<hbm>> -> memref<128xi32, #tpu.memory_space<hbm>>
    tpu.enqueue_dma source(%dma_start3A_63 : memref<128xi32, #tpu.memory_space<hbm>>) target(%dma_start3A_60 : memref<128xi32, #tpu.memory_space<vmem>>) target_semaphore(%arg12 : memref<!tpu.dma_semaphore, #tpu.memory_space<semaphore_mem>>)
    %dma_start3A_64 = arith.constant 0 : i32
    %dma_start3A_65 = arith.constant 0 : i32
    %dma_start3A_66 = tpu.memref_slice %arg8[%dma_start3A_64, %dma_start3A_65] : memref<3x128xi32, #tpu.memory_space<vmem>> -> memref<1x128xi32, #tpu.memory_space<vmem>>
    %dma_start3A_67 = tpu.memref_squeeze %dma_start3A_66 : memref<1x128xi32, #tpu.memory_space<vmem>> -> memref<128xi32, #tpu.memory_space<vmem>>
    %dma_start3A_68 = arith.constant 0 : i32
    %dma_start3A_69 = tpu.memref_slice %arg4[%select_n3A, %dma_start3A_68] : memref<2500x128xi32, #tpu.memory_space<hbm>> -> memref<1x128xi32, #tpu.memory_space<hbm>>
    %dma_start3A_70 = tpu.memref_squeeze %dma_start3A_69 : memref<1x128xi32, #tpu.memory_space<hbm>> -> memref<128xi32, #tpu.memory_space<hbm>>
    %dma_start3A_71 = arith.constant 0 : i32
    %dma_start3A_72 = tpu.memref_slice %arg8[%dma_start3A_64, %dma_start3A_71] : memref<3x128xi32, #tpu.memory_space<vmem>> -> memref<1x128xi32, #tpu.memory_space<vmem>>
    %dma_start3A_73 = tpu.memref_squeeze %dma_start3A_72 : memref<1x128xi32, #tpu.memory_space<vmem>> -> memref<128xi32, #tpu.memory_space<vmem>>
    %dma_start3A_74 = arith.constant 0 : i32
    %dma_start3A_75 = tpu.memref_slice %arg4[%select_n3A, %dma_start3A_74] : memref<2500x128xi32, #tpu.memory_space<hbm>> -> memref<1x128xi32, #tpu.memory_space<hbm>>
    %dma_start3A_76 = tpu.memref_squeeze %dma_start3A_75 : memref<1x128xi32, #tpu.memory_space<hbm>> -> memref<128xi32, #tpu.memory_space<hbm>>
    tpu.enqueue_dma source(%dma_start3A_76 : memref<128xi32, #tpu.memory_space<hbm>>) target(%dma_start3A_73 : memref<128xi32, #tpu.memory_space<vmem>>) target_semaphore(%arg12 : memref<!tpu.dma_semaphore, #tpu.memory_space<semaphore_mem>>)
    %add3A_77 = arith.constant 1 : i32
    %add3A_78 = arith.addi %select_n3A, %add3A_77 : i32
    %dma_start3A_79 = arith.constant 1 : i32
    %dma_start3A_80 = arith.constant 0 : i32
    %dma_start3A_81 = tpu.memref_slice %arg7[%dma_start3A_79, %dma_start3A_80] : memref<3x128xi32, #tpu.memory_space<vmem>> -> memref<1x128xi32, #tpu.memory_space<vmem>>
    %dma_start3A_82 = tpu.memref_squeeze %dma_start3A_81 : memref<1x128xi32, #tpu.memory_space<vmem>> -> memref<128xi32, #tpu.memory_space<vmem>>
    %dma_start3A_83 = arith.constant 0 : i32
    %dma_start3A_84 = tpu.memref_slice %arg3[%add3A_78, %dma_start3A_83] : memref<2500x128xi32, #tpu.memory_space<hbm>> -> memref<1x128xi32, #tpu.memory_space<hbm>>
    %dma_start3A_85 = tpu.memref_squeeze %dma_start3A_84 : memref<1x128xi32, #tpu.memory_space<hbm>> -> memref<128xi32, #tpu.memory_space<hbm>>
    %dma_start3A_86 = arith.constant 0 : i32
    %dma_start3A_87 = tpu.memref_slice %arg7[%dma_start3A_79, %dma_start3A_86] : memref<3x128xi32, #tpu.memory_space<vmem>> -> memref<1x128xi32, #tpu.memory_space<vmem>>
    %dma_start3A_88 = tpu.memref_squeeze %dma_start3A_87 : memref<1x128xi32, #tpu.memory_space<vmem>> -> memref<128xi32, #tpu.memory_space<vmem>>
    %dma_start3A_89 = arith.constant 0 : i32
    %dma_start3A_90 = tpu.memref_slice %arg3[%add3A_78, %dma_start3A_89] : memref<2500x128xi32, #tpu.memory_space<hbm>> -> memref<1x128xi32, #tpu.memory_space<hbm>>
    %dma_start3A_91 = tpu.memref_squeeze %dma_start3A_90 : memref<1x128xi32, #tpu.memory_space<hbm>> -> memref<128xi32, #tpu.memory_space<hbm>>
    tpu.enqueue_dma source(%dma_start3A_91 : memref<128xi32, #tpu.memory_space<hbm>>) target(%dma_start3A_88 : memref<128xi32, #tpu.memory_space<vmem>>) target_semaphore(%arg13 : memref<!tpu.dma_semaphore, #tpu.memory_space<semaphore_mem>>)
    %dma_start3A_92 = arith.constant 1 : i32
    %dma_start3A_93 = arith.constant 0 : i32
    %dma_start3A_94 = tpu.memref_slice %arg8[%dma_start3A_92, %dma_start3A_93] : memref<3x128xi32, #tpu.memory_space<vmem>> -> memref<1x128xi32, #tpu.memory_space<vmem>>
    %dma_start3A_95 = tpu.memref_squeeze %dma_start3A_94 : memref<1x128xi32, #tpu.memory_space<vmem>> -> memref<128xi32, #tpu.memory_space<vmem>>
    %dma_start3A_96 = arith.constant 0 : i32
    %dma_start3A_97 = tpu.memref_slice %arg4[%add3A_78, %dma_start3A_96] : memref<2500x128xi32, #tpu.memory_space<hbm>> -> memref<1x128xi32, #tpu.memory_space<hbm>>
    %dma_start3A_98 = tpu.memref_squeeze %dma_start3A_97 : memref<1x128xi32, #tpu.memory_space<hbm>> -> memref<128xi32, #tpu.memory_space<hbm>>
    %dma_start3A_99 = arith.constant 0 : i32
    %dma_start3A_100 = tpu.memref_slice %arg8[%dma_start3A_92, %dma_start3A_99] : memref<3x128xi32, #tpu.memory_space<vmem>> -> memref<1x128xi32, #tpu.memory_space<vmem>>
    %dma_start3A_101 = tpu.memref_squeeze %dma_start3A_100 : memref<1x128xi32, #tpu.memory_space<vmem>> -> memref<128xi32, #tpu.memory_space<vmem>>
    %dma_start3A_102 = arith.constant 0 : i32
    %dma_start3A_103 = tpu.memref_slice %arg4[%add3A_78, %dma_start3A_102] : memref<2500x128xi32, #tpu.memory_space<hbm>> -> memref<1x128xi32, #tpu.memory_space<hbm>>
    %dma_start3A_104 = tpu.memref_squeeze %dma_start3A_103 : memref<1x128xi32, #tpu.memory_space<hbm>> -> memref<128xi32, #tpu.memory_space<hbm>>
    tpu.enqueue_dma source(%dma_start3A_104 : memref<128xi32, #tpu.memory_space<hbm>>) target(%dma_start3A_101 : memref<128xi32, #tpu.memory_space<vmem>>) target_semaphore(%arg13 : memref<!tpu.dma_semaphore, #tpu.memory_space<semaphore_mem>>)
    %add3A_105 = arith.constant 2 : i32
    %add3A_106 = arith.addi %select_n3A, %add3A_105 : i32
    %dma_start3A_107 = arith.constant 2 : i32
    %dma_start3A_108 = arith.constant 0 : i32
    %dma_start3A_109 = tpu.memref_slice %arg7[%dma_start3A_107, %dma_start3A_108] : memref<3x128xi32, #tpu.memory_space<vmem>> -> memref<1x128xi32, #tpu.memory_space<vmem>>
    %dma_start3A_110 = tpu.memref_squeeze %dma_start3A_109 : memref<1x128xi32, #tpu.memory_space<vmem>> -> memref<128xi32, #tpu.memory_space<vmem>>
    %dma_start3A_111 = arith.constant 0 : i32
    %dma_start3A_112 = tpu.memref_slice %arg3[%add3A_106, %dma_start3A_111] : memref<2500x128xi32, #tpu.memory_space<hbm>> -> memref<1x128xi32, #tpu.memory_space<hbm>>
    %dma_start3A_113 = tpu.memref_squeeze %dma_start3A_112 : memref<1x128xi32, #tpu.memory_space<hbm>> -> memref<128xi32, #tpu.memory_space<hbm>>
    %dma_start3A_114 = arith.constant 0 : i32
    %dma_start3A_115 = tpu.memref_slice %arg7[%dma_start3A_107, %dma_start3A_114] : memref<3x128xi32, #tpu.memory_space<vmem>> -> memref<1x128xi32, #tpu.memory_space<vmem>>
    %dma_start3A_116 = tpu.memref_squeeze %dma_start3A_115 : memref<1x128xi32, #tpu.memory_space<vmem>> -> memref<128xi32, #tpu.memory_space<vmem>>
    %dma_start3A_117 = arith.constant 0 : i32
    %dma_start3A_118 = tpu.memref_slice %arg3[%add3A_106, %dma_start3A_117] : memref<2500x128xi32, #tpu.memory_space<hbm>> -> memref<1x128xi32, #tpu.memory_space<hbm>>
    %dma_start3A_119 = tpu.memref_squeeze %dma_start3A_118 : memref<1x128xi32, #tpu.memory_space<hbm>> -> memref<128xi32, #tpu.memory_space<hbm>>
    tpu.enqueue_dma source(%dma_start3A_119 : memref<128xi32, #tpu.memory_space<hbm>>) target(%dma_start3A_116 : memref<128xi32, #tpu.memory_space<vmem>>) target_semaphore(%arg14 : memref<!tpu.dma_semaphore, #tpu.memory_space<semaphore_mem>>)
    %dma_start3A_120 = arith.constant 2 : i32
    %dma_start3A_121 = arith.constant 0 : i32
    %dma_start3A_122 = tpu.memref_slice %arg8[%dma_start3A_120, %dma_start3A_121] : memref<3x128xi32, #tpu.memory_space<vmem>> -> memref<1x128xi32, #tpu.memory_space<vmem>>
    %dma_start3A_123 = tpu.memref_squeeze %dma_start3A_122 : memref<1x128xi32, #tpu.memory_space<vmem>> -> memref<128xi32, #tpu.memory_space<vmem>>
    %dma_start3A_124 = arith.constant 0 : i32
    %dma_start3A_125 = tpu.memref_slice %arg4[%add3A_106, %dma_start3A_124] : memref<2500x128xi32, #tpu.memory_space<hbm>> -> memref<1x128xi32, #tpu.memory_space<hbm>>
    %dma_start3A_126 = tpu.memref_squeeze %dma_start3A_125 : memref<1x128xi32, #tpu.memory_space<hbm>> -> memref<128xi32, #tpu.memory_space<hbm>>
    %dma_start3A_127 = arith.constant 0 : i32
    %dma_start3A_128 = tpu.memref_slice %arg8[%dma_start3A_120, %dma_start3A_127] : memref<3x128xi32, #tpu.memory_space<vmem>> -> memref<1x128xi32, #tpu.memory_space<vmem>>
    %dma_start3A_129 = tpu.memref_squeeze %dma_start3A_128 : memref<1x128xi32, #tpu.memory_space<vmem>> -> memref<128xi32, #tpu.memory_space<vmem>>
    %dma_start3A_130 = arith.constant 0 : i32
    %dma_start3A_131 = tpu.memref_slice %arg4[%add3A_106, %dma_start3A_130] : memref<2500x128xi32, #tpu.memory_space<hbm>> -> memref<1x128xi32, #tpu.memory_space<hbm>>
    %dma_start3A_132 = tpu.memref_squeeze %dma_start3A_131 : memref<1x128xi32, #tpu.memory_space<hbm>> -> memref<128xi32, #tpu.memory_space<hbm>>
    tpu.enqueue_dma source(%dma_start3A_132 : memref<128xi32, #tpu.memory_space<hbm>>) target(%dma_start3A_129 : memref<128xi32, #tpu.memory_space<vmem>>) target_semaphore(%arg14 : memref<!tpu.dma_semaphore, #tpu.memory_space<semaphore_mem>>)
    %scan3A = arith.constant 0 : i32
    %scan3A_133 = arith.constant 26 : i32
    %scan3A_134 = arith.addi %scan3A, %scan3A_133 : i32
    %scan3A_135 = arith.constant 1 : i32
    scf.for %scan3A_144 = %scan3A to %scan3A_134 step %scan3A_135  : i32 {
      %mul3A_145 = arith.constant 1 : i32
      %mul3A_146 = arith.muli %scan3A_144, %mul3A_145 : i32
      %add3A_147 = arith.constant 0 : i32
      %add3A_148 = arith.addi %add3A_147, %mul3A_146 : i32
      %mul3A_149 = arith.constant 3 : i32
      %mul3A_150 = arith.muli %mul3A_149, %add3A_148 : i32
      %add3A_151 = arith.addi %select_n3A, %mul3A_150 : i32
      %dma_wait3A = arith.constant 0 : i32
      %dma_wait3A_152 = arith.constant 0 : i32
      %dma_wait3A_153 = tpu.memref_slice %arg7[%dma_wait3A, %dma_wait3A_152] : memref<3x128xi32, #tpu.memory_space<vmem>> -> memref<1x128xi32, #tpu.memory_space<vmem>>
      %dma_wait3A_154 = tpu.memref_squeeze %dma_wait3A_153 : memref<1x128xi32, #tpu.memory_space<vmem>> -> memref<128xi32, #tpu.memory_space<vmem>>
      %dma_wait3A_155 = arith.constant 0 : i32
      %dma_wait3A_156 = tpu.memref_slice %arg3[%add3A_151, %dma_wait3A_155] : memref<2500x128xi32, #tpu.memory_space<hbm>> -> memref<1x128xi32, #tpu.memory_space<hbm>>
      %dma_wait3A_157 = tpu.memref_squeeze %dma_wait3A_156 : memref<1x128xi32, #tpu.memory_space<hbm>> -> memref<128xi32, #tpu.memory_space<hbm>>
      %dma_wait3A_158 = arith.constant 0 : i32
      %dma_wait3A_159 = tpu.memref_slice %arg7[%dma_wait3A, %dma_wait3A_158] : memref<3x128xi32, #tpu.memory_space<vmem>> -> memref<1x128xi32, #tpu.memory_space<vmem>>
      %dma_wait3A_160 = tpu.memref_squeeze %dma_wait3A_159 : memref<1x128xi32, #tpu.memory_space<vmem>> -> memref<128xi32, #tpu.memory_space<vmem>>
      %dma_wait3A_161 = arith.constant 0 : i32
      %dma_wait3A_162 = tpu.memref_slice %arg3[%add3A_151, %dma_wait3A_161] : memref<2500x128xi32, #tpu.memory_space<hbm>> -> memref<1x128xi32, #tpu.memory_space<hbm>>
      %dma_wait3A_163 = tpu.memref_squeeze %dma_wait3A_162 : memref<1x128xi32, #tpu.memory_space<hbm>> -> memref<128xi32, #tpu.memory_space<hbm>>
      tpu.wait_dma2 semaphore(%arg12 : memref<!tpu.dma_semaphore, #tpu.memory_space<semaphore_mem>>) src(%dma_wait3A_163 : memref<128xi32, #tpu.memory_space<hbm>>) dst(%dma_wait3A_160 : memref<128xi32, #tpu.memory_space<vmem>>)
      %dma_wait3A_164 = arith.constant 0 : i32
      %dma_wait3A_165 = arith.constant 0 : i32
      %dma_wait3A_166 = tpu.memref_slice %arg8[%dma_wait3A_164, %dma_wait3A_165] : memref<3x128xi32, #tpu.memory_space<vmem>> -> memref<1x128xi32, #tpu.memory_space<vmem>>
      %dma_wait3A_167 = tpu.memref_squeeze %dma_wait3A_166 : memref<1x128xi32, #tpu.memory_space<vmem>> -> memref<128xi32, #tpu.memory_space<vmem>>
      %dma_wait3A_168 = arith.constant 0 : i32
      %dma_wait3A_169 = tpu.memref_slice %arg4[%add3A_151, %dma_wait3A_168] : memref<2500x128xi32, #tpu.memory_space<hbm>> -> memref<1x128xi32, #tpu.memory_space<hbm>>
      %dma_wait3A_170 = tpu.memref_squeeze %dma_wait3A_169 : memref<1x128xi32, #tpu.memory_space<hbm>> -> memref<128xi32, #tpu.memory_space<hbm>>
      %dma_wait3A_171 = arith.constant 0 : i32
      %dma_wait3A_172 = tpu.memref_slice %arg8[%dma_wait3A_164, %dma_wait3A_171] : memref<3x128xi32, #tpu.memory_space<vmem>> -> memref<1x128xi32, #tpu.memory_space<vmem>>
      %dma_wait3A_173 = tpu.memref_squeeze %dma_wait3A_172 : memref<1x128xi32, #tpu.memory_space<vmem>> -> memref<128xi32, #tpu.memory_space<vmem>>
      %dma_wait3A_174 = arith.constant 0 : i32
      %dma_wait3A_175 = tpu.memref_slice %arg4[%add3A_151, %dma_wait3A_174] : memref<2500x128xi32, #tpu.memory_space<hbm>> -> memref<1x128xi32, #tpu.memory_space<hbm>>
      %dma_wait3A_176 = tpu.memref_squeeze %dma_wait3A_175 : memref<1x128xi32, #tpu.memory_space<hbm>> -> memref<128xi32, #tpu.memory_space<hbm>>
      tpu.wait_dma2 semaphore(%arg12 : memref<!tpu.dma_semaphore, #tpu.memory_space<semaphore_mem>>) src(%dma_wait3A_176 : memref<128xi32, #tpu.memory_space<hbm>>) dst(%dma_wait3A_173 : memref<128xi32, #tpu.memory_space<vmem>>)
      %dma_start3A_177 = arith.constant 0 : i32
      %dma_start3A_178 = arith.constant 0 : i32
      %dma_start3A_179 = tpu.memref_slice %arg7[%dma_start3A_177, %dma_start3A_178] : memref<3x128xi32, #tpu.memory_space<vmem>> -> memref<1x128xi32, #tpu.memory_space<vmem>>
      %dma_start3A_180 = tpu.memref_squeeze %dma_start3A_179 : memref<1x128xi32, #tpu.memory_space<vmem>> -> memref<128xi32, #tpu.memory_space<vmem>>
      %dma_start3A_181 = arith.constant 0 : i32
      %dma_start3A_182 = arith.constant 0 : i32
      %dma_start3A_183 = tpu.memref_slice %arg2[%dma_start3A_181, %dma_start3A_182] : memref<10000x128xf32, #tpu.memory_space<hbm>> -> memref<10000x128xf32, #tpu.memory_space<hbm>>
      tpu.enqueue_indirect_dma source(%dma_start3A_183 : memref<10000x128xf32, #tpu.memory_space<hbm>>) target(%arg9 : memref<128x128xf32, #tpu.memory_space<vmem>>) offsets(%dma_start3A_180 : memref<128xi32, #tpu.memory_space<vmem>>) semaphore(%arg15 : memref<!tpu.dma_semaphore, #tpu.memory_space<semaphore_mem>>)
      %add3A_184 = arith.constant 1 : i32
      %add3A_185 = arith.addi %add3A_151, %add3A_184 : i32
      %dma_wait3A_186 = arith.constant 1 : i32
      %dma_wait3A_187 = arith.constant 0 : i32
      %dma_wait3A_188 = tpu.memref_slice %arg7[%dma_wait3A_186, %dma_wait3A_187] : memref<3x128xi32, #tpu.memory_space<vmem>> -> memref<1x128xi32, #tpu.memory_space<vmem>>
      %dma_wait3A_189 = tpu.memref_squeeze %dma_wait3A_188 : memref<1x128xi32, #tpu.memory_space<vmem>> -> memref<128xi32, #tpu.memory_space<vmem>>
      %dma_wait3A_190 = arith.constant 0 : i32
      %dma_wait3A_191 = tpu.memref_slice %arg3[%add3A_185, %dma_wait3A_190] : memref<2500x128xi32, #tpu.memory_space<hbm>> -> memref<1x128xi32, #tpu.memory_space<hbm>>
      %dma_wait3A_192 = tpu.memref_squeeze %dma_wait3A_191 : memref<1x128xi32, #tpu.memory_space<hbm>> -> memref<128xi32, #tpu.memory_space<hbm>>
      %dma_wait3A_193 = arith.constant 0 : i32
      %dma_wait3A_194 = tpu.memref_slice %arg7[%dma_wait3A_186, %dma_wait3A_193] : memref<3x128xi32, #tpu.memory_space<vmem>> -> memref<1x128xi32, #tpu.memory_space<vmem>>
      %dma_wait3A_195 = tpu.memref_squeeze %dma_wait3A_194 : memref<1x128xi32, #tpu.memory_space<vmem>> -> memref<128xi32, #tpu.memory_space<vmem>>
      %dma_wait3A_196 = arith.constant 0 : i32
      %dma_wait3A_197 = tpu.memref_slice %arg3[%add3A_185, %dma_wait3A_196] : memref<2500x128xi32, #tpu.memory_space<hbm>> -> memref<1x128xi32, #tpu.memory_space<hbm>>
      %dma_wait3A_198 = tpu.memref_squeeze %dma_wait3A_197 : memref<1x128xi32, #tpu.memory_space<hbm>> -> memref<128xi32, #tpu.memory_space<hbm>>
      tpu.wait_dma2 semaphore(%arg13 : memref<!tpu.dma_semaphore, #tpu.memory_space<semaphore_mem>>) src(%dma_wait3A_198 : memref<128xi32, #tpu.memory_space<hbm>>) dst(%dma_wait3A_195 : memref<128xi32, #tpu.memory_space<vmem>>)
      %dma_wait3A_199 = arith.constant 1 : i32
      %dma_wait3A_200 = arith.constant 0 : i32
      %dma_wait3A_201 = tpu.memref_slice %arg8[%dma_wait3A_199, %dma_wait3A_200] : memref<3x128xi32, #tpu.memory_space<vmem>> -> memref<1x128xi32, #tpu.memory_space<vmem>>
      %dma_wait3A_202 = tpu.memref_squeeze %dma_wait3A_201 : memref<1x128xi32, #tpu.memory_space<vmem>> -> memref<128xi32, #tpu.memory_space<vmem>>
      %dma_wait3A_203 = arith.constant 0 : i32
      %dma_wait3A_204 = tpu.memref_slice %arg4[%add3A_185, %dma_wait3A_203] : memref<2500x128xi32, #tpu.memory_space<hbm>> -> memref<1x128xi32, #tpu.memory_space<hbm>>
      %dma_wait3A_205 = tpu.memref_squeeze %dma_wait3A_204 : memref<1x128xi32, #tpu.memory_space<hbm>> -> memref<128xi32, #tpu.memory_space<hbm>>
      %dma_wait3A_206 = arith.constant 0 : i32
      %dma_wait3A_207 = tpu.memref_slice %arg8[%dma_wait3A_199, %dma_wait3A_206] : memref<3x128xi32, #tpu.memory_space<vmem>> -> memref<1x128xi32, #tpu.memory_space<vmem>>
      %dma_wait3A_208 = tpu.memref_squeeze %dma_wait3A_207 : memref<1x128xi32, #tpu.memory_space<vmem>> -> memref<128xi32, #tpu.memory_space<vmem>>
      %dma_wait3A_209 = arith.constant 0 : i32
      %dma_wait3A_210 = tpu.memref_slice %arg4[%add3A_185, %dma_wait3A_209] : memref<2500x128xi32, #tpu.memory_space<hbm>> -> memref<1x128xi32, #tpu.memory_space<hbm>>
      %dma_wait3A_211 = tpu.memref_squeeze %dma_wait3A_210 : memref<1x128xi32, #tpu.memory_space<hbm>> -> memref<128xi32, #tpu.memory_space<hbm>>
      tpu.wait_dma2 semaphore(%arg13 : memref<!tpu.dma_semaphore, #tpu.memory_space<semaphore_mem>>) src(%dma_wait3A_211 : memref<128xi32, #tpu.memory_space<hbm>>) dst(%dma_wait3A_208 : memref<128xi32, #tpu.memory_space<vmem>>)
      %dma_start3A_212 = arith.constant 1 : i32
      %dma_start3A_213 = arith.constant 0 : i32
      %dma_start3A_214 = tpu.memref_slice %arg7[%dma_start3A_212, %dma_start3A_213] : memref<3x128xi32, #tpu.memory_space<vmem>> -> memref<1x128xi32, #tpu.memory_space<vmem>>
      %dma_start3A_215 = tpu.memref_squeeze %dma_start3A_214 : memref<1x128xi32, #tpu.memory_space<vmem>> -> memref<128xi32, #tpu.memory_space<vmem>>
      %dma_start3A_216 = arith.constant 0 : i32
      %dma_start3A_217 = arith.constant 0 : i32
      %dma_start3A_218 = tpu.memref_slice %arg2[%dma_start3A_216, %dma_start3A_217] : memref<10000x128xf32, #tpu.memory_space<hbm>> -> memref<10000x128xf32, #tpu.memory_space<hbm>>
      tpu.enqueue_indirect_dma source(%dma_start3A_218 : memref<10000x128xf32, #tpu.memory_space<hbm>>) target(%arg10 : memref<128x128xf32, #tpu.memory_space<vmem>>) offsets(%dma_start3A_215 : memref<128xi32, #tpu.memory_space<vmem>>) semaphore(%arg16 : memref<!tpu.dma_semaphore, #tpu.memory_space<semaphore_mem>>)
      %add3A_219 = arith.constant 2 : i32
      %add3A_220 = arith.addi %add3A_151, %add3A_219 : i32
      %dma_wait3A_221 = arith.constant 2 : i32
      %dma_wait3A_222 = arith.constant 0 : i32
      %dma_wait3A_223 = tpu.memref_slice %arg7[%dma_wait3A_221, %dma_wait3A_222] : memref<3x128xi32, #tpu.memory_space<vmem>> -> memref<1x128xi32, #tpu.memory_space<vmem>>
      %dma_wait3A_224 = tpu.memref_squeeze %dma_wait3A_223 : memref<1x128xi32, #tpu.memory_space<vmem>> -> memref<128xi32, #tpu.memory_space<vmem>>
      %dma_wait3A_225 = arith.constant 0 : i32
      %dma_wait3A_226 = tpu.memref_slice %arg3[%add3A_220, %dma_wait3A_225] : memref<2500x128xi32, #tpu.memory_space<hbm>> -> memref<1x128xi32, #tpu.memory_space<hbm>>
      %dma_wait3A_227 = tpu.memref_squeeze %dma_wait3A_226 : memref<1x128xi32, #tpu.memory_space<hbm>> -> memref<128xi32, #tpu.memory_space<hbm>>
      %dma_wait3A_228 = arith.constant 0 : i32
      %dma_wait3A_229 = tpu.memref_slice %arg7[%dma_wait3A_221, %dma_wait3A_228] : memref<3x128xi32, #tpu.memory_space<vmem>> -> memref<1x128xi32, #tpu.memory_space<vmem>>
      %dma_wait3A_230 = tpu.memref_squeeze %dma_wait3A_229 : memref<1x128xi32, #tpu.memory_space<vmem>> -> memref<128xi32, #tpu.memory_space<vmem>>
      %dma_wait3A_231 = arith.constant 0 : i32
      %dma_wait3A_232 = tpu.memref_slice %arg3[%add3A_220, %dma_wait3A_231] : memref<2500x128xi32, #tpu.memory_space<hbm>> -> memref<1x128xi32, #tpu.memory_space<hbm>>
      %dma_wait3A_233 = tpu.memref_squeeze %dma_wait3A_232 : memref<1x128xi32, #tpu.memory_space<hbm>> -> memref<128xi32, #tpu.memory_space<hbm>>
      tpu.wait_dma2 semaphore(%arg14 : memref<!tpu.dma_semaphore, #tpu.memory_space<semaphore_mem>>) src(%dma_wait3A_233 : memref<128xi32, #tpu.memory_space<hbm>>) dst(%dma_wait3A_230 : memref<128xi32, #tpu.memory_space<vmem>>)
      %dma_wait3A_234 = arith.constant 2 : i32
      %dma_wait3A_235 = arith.constant 0 : i32
      %dma_wait3A_236 = tpu.memref_slice %arg8[%dma_wait3A_234, %dma_wait3A_235] : memref<3x128xi32, #tpu.memory_space<vmem>> -> memref<1x128xi32, #tpu.memory_space<vmem>>
      %dma_wait3A_237 = tpu.memref_squeeze %dma_wait3A_236 : memref<1x128xi32, #tpu.memory_space<vmem>> -> memref<128xi32, #tpu.memory_space<vmem>>
      %dma_wait3A_238 = arith.constant 0 : i32
      %dma_wait3A_239 = tpu.memref_slice %arg4[%add3A_220, %dma_wait3A_238] : memref<2500x128xi32, #tpu.memory_space<hbm>> -> memref<1x128xi32, #tpu.memory_space<hbm>>
      %dma_wait3A_240 = tpu.memref_squeeze %dma_wait3A_239 : memref<1x128xi32, #tpu.memory_space<hbm>> -> memref<128xi32, #tpu.memory_space<hbm>>
      %dma_wait3A_241 = arith.constant 0 : i32
      %dma_wait3A_242 = tpu.memref_slice %arg8[%dma_wait3A_234, %dma_wait3A_241] : memref<3x128xi32, #tpu.memory_space<vmem>> -> memref<1x128xi32, #tpu.memory_space<vmem>>
      %dma_wait3A_243 = tpu.memref_squeeze %dma_wait3A_242 : memref<1x128xi32, #tpu.memory_space<vmem>> -> memref<128xi32, #tpu.memory_space<vmem>>
      %dma_wait3A_244 = arith.constant 0 : i32
      %dma_wait3A_245 = tpu.memref_slice %arg4[%add3A_220, %dma_wait3A_244] : memref<2500x128xi32, #tpu.memory_space<hbm>> -> memref<1x128xi32, #tpu.memory_space<hbm>>
      %dma_wait3A_246 = tpu.memref_squeeze %dma_wait3A_245 : memref<1x128xi32, #tpu.memory_space<hbm>> -> memref<128xi32, #tpu.memory_space<hbm>>
      tpu.wait_dma2 semaphore(%arg14 : memref<!tpu.dma_semaphore, #tpu.memory_space<semaphore_mem>>) src(%dma_wait3A_246 : memref<128xi32, #tpu.memory_space<hbm>>) dst(%dma_wait3A_243 : memref<128xi32, #tpu.memory_space<vmem>>)
      %dma_start3A_247 = arith.constant 2 : i32
      %dma_start3A_248 = arith.constant 0 : i32
      %dma_start3A_249 = tpu.memref_slice %arg7[%dma_start3A_247, %dma_start3A_248] : memref<3x128xi32, #tpu.memory_space<vmem>> -> memref<1x128xi32, #tpu.memory_space<vmem>>
      %dma_start3A_250 = tpu.memref_squeeze %dma_start3A_249 : memref<1x128xi32, #tpu.memory_space<vmem>> -> memref<128xi32, #tpu.memory_space<vmem>>
      %dma_start3A_251 = arith.constant 0 : i32
      %dma_start3A_252 = arith.constant 0 : i32
      %dma_start3A_253 = tpu.memref_slice %arg2[%dma_start3A_251, %dma_start3A_252] : memref<10000x128xf32, #tpu.memory_space<hbm>> -> memref<10000x128xf32, #tpu.memory_space<hbm>>
      tpu.enqueue_indirect_dma source(%dma_start3A_253 : memref<10000x128xf32, #tpu.memory_space<hbm>>) target(%arg11 : memref<128x128xf32, #tpu.memory_space<vmem>>) offsets(%dma_start3A_250 : memref<128xi32, #tpu.memory_space<vmem>>) semaphore(%arg17 : memref<!tpu.dma_semaphore, #tpu.memory_space<semaphore_mem>>)
      %dma_wait3A_254 = arith.constant 0 : i32
      %dma_wait3A_255 = arith.constant 0 : i32
      %dma_wait3A_256 = tpu.memref_slice %arg7[%dma_wait3A_254, %dma_wait3A_255] : memref<3x128xi32, #tpu.memory_space<vmem>> -> memref<1x128xi32, #tpu.memory_space<vmem>>
      %dma_wait3A_257 = tpu.memref_squeeze %dma_wait3A_256 : memref<1x128xi32, #tpu.memory_space<vmem>> -> memref<128xi32, #tpu.memory_space<vmem>>
      %dma_wait3A_258 = arith.constant 0 : i32
      %dma_wait3A_259 = arith.constant 0 : i32
      %dma_wait3A_260 = tpu.memref_slice %arg2[%dma_wait3A_258, %dma_wait3A_259] : memref<10000x128xf32, #tpu.memory_space<hbm>> -> memref<10000x128xf32, #tpu.memory_space<hbm>>
      tpu.wait_indirect_dma semaphore(%arg15 : memref<!tpu.dma_semaphore, #tpu.memory_space<semaphore_mem>>) src(%dma_wait3A_260 : memref<10000x128xf32, #tpu.memory_space<hbm>>) dst(%arg9 : memref<128x128xf32, #tpu.memory_space<vmem>>)
      %dma_start3A_261 = arith.constant 0 : i32
      %dma_start3A_262 = arith.constant 0 : i32
      %dma_start3A_263 = tpu.memref_slice %arg8[%dma_start3A_261, %dma_start3A_262] : memref<3x128xi32, #tpu.memory_space<vmem>> -> memref<1x128xi32, #tpu.memory_space<vmem>>
      %dma_start3A_264 = tpu.memref_squeeze %dma_start3A_263 : memref<1x128xi32, #tpu.memory_space<vmem>> -> memref<128xi32, #tpu.memory_space<vmem>>
      %dma_start3A_265 = arith.constant 0 : i32
      %dma_start3A_266 = arith.constant 0 : i32
      %dma_start3A_267 = tpu.memref_slice %arg19[%dma_start3A_265, %dma_start3A_266] : memref<10000x128xf32, #tpu.memory_space<vmem_shared>> -> memref<10000x128xf32, #tpu.memory_space<vmem_shared>>
      tpu.enqueue_indirect_dma source(%arg9 : memref<128x128xf32, #tpu.memory_space<vmem>>) target(%dma_start3A_267 : memref<10000x128xf32, #tpu.memory_space<vmem_shared>>) offsets(%dma_start3A_264 : memref<128xi32, #tpu.memory_space<vmem>>) semaphore(%arg18 : memref<!tpu.dma_semaphore, #tpu.memory_space<semaphore_mem>>) {add = true}
      %dma_wait3A_268 = arith.constant 1 : i32
      %dma_wait3A_269 = arith.constant 0 : i32
      %dma_wait3A_270 = tpu.memref_slice %arg7[%dma_wait3A_268, %dma_wait3A_269] : memref<3x128xi32, #tpu.memory_space<vmem>> -> memref<1x128xi32, #tpu.memory_space<vmem>>
      %dma_wait3A_271 = tpu.memref_squeeze %dma_wait3A_270 : memref<1x128xi32, #tpu.memory_space<vmem>> -> memref<128xi32, #tpu.memory_space<vmem>>
      %dma_wait3A_272 = arith.constant 0 : i32
      %dma_wait3A_273 = arith.constant 0 : i32
      %dma_wait3A_274 = tpu.memref_slice %arg2[%dma_wait3A_272, %dma_wait3A_273] : memref<10000x128xf32, #tpu.memory_space<hbm>> -> memref<10000x128xf32, #tpu.memory_space<hbm>>
      tpu.wait_indirect_dma semaphore(%arg16 : memref<!tpu.dma_semaphore, #tpu.memory_space<semaphore_mem>>) src(%dma_wait3A_274 : memref<10000x128xf32, #tpu.memory_space<hbm>>) dst(%arg10 : memref<128x128xf32, #tpu.memory_space<vmem>>)
      %dma_wait3A_275 = arith.constant 0 : i32
      %dma_wait3A_276 = arith.constant 0 : i32
      %dma_wait3A_277 = tpu.memref_slice %arg8[%dma_wait3A_275, %dma_wait3A_276] : memref<3x128xi32, #tpu.memory_space<vmem>> -> memref<1x128xi32, #tpu.memory_space<vmem>>
      %dma_wait3A_278 = tpu.memref_squeeze %dma_wait3A_277 : memref<1x128xi32, #tpu.memory_space<vmem>> -> memref<128xi32, #tpu.memory_space<vmem>>
      %dma_wait3A_279 = arith.constant 0 : i32
      %dma_wait3A_280 = arith.constant 0 : i32
      %dma_wait3A_281 = tpu.memref_slice %arg19[%dma_wait3A_279, %dma_wait3A_280] : memref<10000x128xf32, #tpu.memory_space<vmem_shared>> -> memref<10000x128xf32, #tpu.memory_space<vmem_shared>>
      tpu.wait_indirect_dma semaphore(%arg18 : memref<!tpu.dma_semaphore, #tpu.memory_space<semaphore_mem>>) src(%arg9 : memref<128x128xf32, #tpu.memory_space<vmem>>) dst(%dma_wait3A_281 : memref<10000x128xf32, #tpu.memory_space<vmem_shared>>)
      %mul3A_282 = arith.constant 3 : i32
      %mul3A_283 = arith.muli %mul3A_282, %add3A_148 : i32
      %add3A_284 = arith.constant 3 : i32
      %add3A_285 = arith.addi %mul3A_283, %add3A_284 : i32
      %lt3A = arith.cmpi slt, %add3A_285, %sub3A_47 : i32
      %convert_element_type3A_286 = arith.extui %lt3A : i1 to i32
      %cond3A_287 = arith.constant 0 : i32
      %cond3A_288 = arith.cmpi ne, %convert_element_type3A_286, %cond3A_287 : i32
      scf.if %cond3A_288 {
        %add3A_340 = arith.constant 3 : i32
        %add3A_341 = arith.addi %add3A_151, %add3A_340 : i32
        %dma_start3A_342 = arith.constant 0 : i32
        %dma_start3A_343 = arith.constant 0 : i32
        %dma_start3A_344 = tpu.memref_slice %arg7[%dma_start3A_342, %dma_start3A_343] : memref<3x128xi32, #tpu.memory_space<vmem>> -> memref<1x128xi32, #tpu.memory_space<vmem>>
        %dma_start3A_345 = tpu.memref_squeeze %dma_start3A_344 : memref<1x128xi32, #tpu.memory_space<vmem>> -> memref<128xi32, #tpu.memory_space<vmem>>
        %dma_start3A_346 = arith.constant 0 : i32
        %dma_start3A_347 = tpu.memref_slice %arg3[%add3A_341, %dma_start3A_346] : memref<2500x128xi32, #tpu.memory_space<hbm>> -> memref<1x128xi32, #tpu.memory_space<hbm>>
        %dma_start3A_348 = tpu.memref_squeeze %dma_start3A_347 : memref<1x128xi32, #tpu.memory_space<hbm>> -> memref<128xi32, #tpu.memory_space<hbm>>
        %dma_start3A_349 = arith.constant 0 : i32
        %dma_start3A_350 = tpu.memref_slice %arg7[%dma_start3A_342, %dma_start3A_349] : memref<3x128xi32, #tpu.memory_space<vmem>> -> memref<1x128xi32, #tpu.memory_space<vmem>>
        %dma_start3A_351 = tpu.memref_squeeze %dma_start3A_350 : memref<1x128xi32, #tpu.memory_space<vmem>> -> memref<128xi32, #tpu.memory_space<vmem>>
        %dma_start3A_352 = arith.constant 0 : i32
        %dma_start3A_353 = tpu.memref_slice %arg3[%add3A_341, %dma_start3A_352] : memref<2500x128xi32, #tpu.memory_space<hbm>> -> memref<1x128xi32, #tpu.memory_space<hbm>>
        %dma_start3A_354 = tpu.memref_squeeze %dma_start3A_353 : memref<1x128xi32, #tpu.memory_space<hbm>> -> memref<128xi32, #tpu.memory_space<hbm>>
        tpu.enqueue_dma source(%dma_start3A_354 : memref<128xi32, #tpu.memory_space<hbm>>) target(%dma_start3A_351 : memref<128xi32, #tpu.memory_space<vmem>>) target_semaphore(%arg12 : memref<!tpu.dma_semaphore, #tpu.memory_space<semaphore_mem>>)
        %dma_start3A_355 = arith.constant 0 : i32
        %dma_start3A_356 = arith.constant 0 : i32
        %dma_start3A_357 = tpu.memref_slice %arg8[%dma_start3A_355, %dma_start3A_356] : memref<3x128xi32, #tpu.memory_space<vmem>> -> memref<1x128xi32, #tpu.memory_space<vmem>>
        %dma_start3A_358 = tpu.memref_squeeze %dma_start3A_357 : memref<1x128xi32, #tpu.memory_space<vmem>> -> memref<128xi32, #tpu.memory_space<vmem>>
        %dma_start3A_359 = arith.constant 0 : i32
        %dma_start3A_360 = tpu.memref_slice %arg4[%add3A_341, %dma_start3A_359] : memref<2500x128xi32, #tpu.memory_space<hbm>> -> memref<1x128xi32, #tpu.memory_space<hbm>>
        %dma_start3A_361 = tpu.memref_squeeze %dma_start3A_360 : memref<1x128xi32, #tpu.memory_space<hbm>> -> memref<128xi32, #tpu.memory_space<hbm>>
        %dma_start3A_362 = arith.constant 0 : i32
        %dma_start3A_363 = tpu.memref_slice %arg8[%dma_start3A_355, %dma_start3A_362] : memref<3x128xi32, #tpu.memory_space<vmem>> -> memref<1x128xi32, #tpu.memory_space<vmem>>
        %dma_start3A_364 = tpu.memref_squeeze %dma_start3A_363 : memref<1x128xi32, #tpu.memory_space<vmem>> -> memref<128xi32, #tpu.memory_space<vmem>>
        %dma_start3A_365 = arith.constant 0 : i32
        %dma_start3A_366 = tpu.memref_slice %arg4[%add3A_341, %dma_start3A_365] : memref<2500x128xi32, #tpu.memory_space<hbm>> -> memref<1x128xi32, #tpu.memory_space<hbm>>
        %dma_start3A_367 = tpu.memref_squeeze %dma_start3A_366 : memref<1x128xi32, #tpu.memory_space<hbm>> -> memref<128xi32, #tpu.memory_space<hbm>>
        tpu.enqueue_dma source(%dma_start3A_367 : memref<128xi32, #tpu.memory_space<hbm>>) target(%dma_start3A_364 : memref<128xi32, #tpu.memory_space<vmem>>) target_semaphore(%arg12 : memref<!tpu.dma_semaphore, #tpu.memory_space<semaphore_mem>>)
      } else {
      }
      %dma_start3A_289 = arith.constant 1 : i32
      %dma_start3A_290 = arith.constant 0 : i32
      %dma_start3A_291 = tpu.memref_slice %arg8[%dma_start3A_289, %dma_start3A_290] : memref<3x128xi32, #tpu.memory_space<vmem>> -> memref<1x128xi32, #tpu.memory_space<vmem>>
      %dma_start3A_292 = tpu.memref_squeeze %dma_start3A_291 : memref<1x128xi32, #tpu.memory_space<vmem>> -> memref<128xi32, #tpu.memory_space<vmem>>
      %dma_start3A_293 = arith.constant 0 : i32
      %dma_start3A_294 = arith.constant 0 : i32
      %dma_start3A_295 = tpu.memref_slice %arg19[%dma_start3A_293, %dma_start3A_294] : memref<10000x128xf32, #tpu.memory_space<vmem_shared>> -> memref<10000x128xf32, #tpu.memory_space<vmem_shared>>
      tpu.enqueue_indirect_dma source(%arg10 : memref<128x128xf32, #tpu.memory_space<vmem>>) target(%dma_start3A_295 : memref<10000x128xf32, #tpu.memory_space<vmem_shared>>) offsets(%dma_start3A_292 : memref<128xi32, #tpu.memory_space<vmem>>) semaphore(%arg18 : memref<!tpu.dma_semaphore, #tpu.memory_space<semaphore_mem>>) {add = true}
      %dma_wait3A_296 = arith.constant 2 : i32
      %dma_wait3A_297 = arith.constant 0 : i32
      %dma_wait3A_298 = tpu.memref_slice %arg7[%dma_wait3A_296, %dma_wait3A_297] : memref<3x128xi32, #tpu.memory_space<vmem>> -> memref<1x128xi32, #tpu.memory_space<vmem>>
      %dma_wait3A_299 = tpu.memref_squeeze %dma_wait3A_298 : memref<1x128xi32, #tpu.memory_space<vmem>> -> memref<128xi32, #tpu.memory_space<vmem>>
      %dma_wait3A_300 = arith.constant 0 : i32
      %dma_wait3A_301 = arith.constant 0 : i32
      %dma_wait3A_302 = tpu.memref_slice %arg2[%dma_wait3A_300, %dma_wait3A_301] : memref<10000x128xf32, #tpu.memory_space<hbm>> -> memref<10000x128xf32, #tpu.memory_space<hbm>>
      tpu.wait_indirect_dma semaphore(%arg17 : memref<!tpu.dma_semaphore, #tpu.memory_space<semaphore_mem>>) src(%dma_wait3A_302 : memref<10000x128xf32, #tpu.memory_space<hbm>>) dst(%arg11 : memref<128x128xf32, #tpu.memory_space<vmem>>)
      %dma_wait3A_303 = arith.constant 1 : i32
      %dma_wait3A_304 = arith.constant 0 : i32
      %dma_wait3A_305 = tpu.memref_slice %arg8[%dma_wait3A_303, %dma_wait3A_304] : memref<3x128xi32, #tpu.memory_space<vmem>> -> memref<1x128xi32, #tpu.memory_space<vmem>>
      %dma_wait3A_306 = tpu.memref_squeeze %dma_wait3A_305 : memref<1x128xi32, #tpu.memory_space<vmem>> -> memref<128xi32, #tpu.memory_space<vmem>>
      %dma_wait3A_307 = arith.constant 0 : i32
      %dma_wait3A_308 = arith.constant 0 : i32
      %dma_wait3A_309 = tpu.memref_slice %arg19[%dma_wait3A_307, %dma_wait3A_308] : memref<10000x128xf32, #tpu.memory_space<vmem_shared>> -> memref<10000x128xf32, #tpu.memory_space<vmem_shared>>
      tpu.wait_indirect_dma semaphore(%arg18 : memref<!tpu.dma_semaphore, #tpu.memory_space<semaphore_mem>>) src(%arg10 : memref<128x128xf32, #tpu.memory_space<vmem>>) dst(%dma_wait3A_309 : memref<10000x128xf32, #tpu.memory_space<vmem_shared>>)
      %mul3A_310 = arith.constant 3 : i32
      %mul3A_311 = arith.muli %mul3A_310, %add3A_148 : i32
      %add3A_312 = arith.constant 4 : i32
      %add3A_313 = arith.addi %mul3A_311, %add3A_312 : i32
      %lt3A_314 = arith.cmpi slt, %add3A_313, %sub3A_47 : i32
      %convert_element_type3A_315 = arith.extui %lt3A_314 : i1 to i32
      %cond3A_316 = arith.constant 0 : i32
      %cond3A_317 = arith.cmpi ne, %convert_element_type3A_315, %cond3A_316 : i32
      scf.if %cond3A_317 {
        %add3A_340 = arith.constant 4 : i32
        %add3A_341 = arith.addi %add3A_151, %add3A_340 : i32
        %dma_start3A_342 = arith.constant 1 : i32
        %dma_start3A_343 = arith.constant 0 : i32
        %dma_start3A_344 = tpu.memref_slice %arg7[%dma_start3A_342, %dma_start3A_343] : memref<3x128xi32, #tpu.memory_space<vmem>> -> memref<1x128xi32, #tpu.memory_space<vmem>>
        %dma_start3A_345 = tpu.memref_squeeze %dma_start3A_344 : memref<1x128xi32, #tpu.memory_space<vmem>> -> memref<128xi32, #tpu.memory_space<vmem>>
        %dma_start3A_346 = arith.constant 0 : i32
        %dma_start3A_347 = tpu.memref_slice %arg3[%add3A_341, %dma_start3A_346] : memref<2500x128xi32, #tpu.memory_space<hbm>> -> memref<1x128xi32, #tpu.memory_space<hbm>>
        %dma_start3A_348 = tpu.memref_squeeze %dma_start3A_347 : memref<1x128xi32, #tpu.memory_space<hbm>> -> memref<128xi32, #tpu.memory_space<hbm>>
        %dma_start3A_349 = arith.constant 0 : i32
        %dma_start3A_350 = tpu.memref_slice %arg7[%dma_start3A_342, %dma_start3A_349] : memref<3x128xi32, #tpu.memory_space<vmem>> -> memref<1x128xi32, #tpu.memory_space<vmem>>
        %dma_start3A_351 = tpu.memref_squeeze %dma_start3A_350 : memref<1x128xi32, #tpu.memory_space<vmem>> -> memref<128xi32, #tpu.memory_space<vmem>>
        %dma_start3A_352 = arith.constant 0 : i32
        %dma_start3A_353 = tpu.memref_slice %arg3[%add3A_341, %dma_start3A_352] : memref<2500x128xi32, #tpu.memory_space<hbm>> -> memref<1x128xi32, #tpu.memory_space<hbm>>
        %dma_start3A_354 = tpu.memref_squeeze %dma_start3A_353 : memref<1x128xi32, #tpu.memory_space<hbm>> -> memref<128xi32, #tpu.memory_space<hbm>>
        tpu.enqueue_dma source(%dma_start3A_354 : memref<128xi32, #tpu.memory_space<hbm>>) target(%dma_start3A_351 : memref<128xi32, #tpu.memory_space<vmem>>) target_semaphore(%arg13 : memref<!tpu.dma_semaphore, #tpu.memory_space<semaphore_mem>>)
        %dma_start3A_355 = arith.constant 1 : i32
        %dma_start3A_356 = arith.constant 0 : i32
        %dma_start3A_357 = tpu.memref_slice %arg8[%dma_start3A_355, %dma_start3A_356] : memref<3x128xi32, #tpu.memory_space<vmem>> -> memref<1x128xi32, #tpu.memory_space<vmem>>
        %dma_start3A_358 = tpu.memref_squeeze %dma_start3A_357 : memref<1x128xi32, #tpu.memory_space<vmem>> -> memref<128xi32, #tpu.memory_space<vmem>>
        %dma_start3A_359 = arith.constant 0 : i32
        %dma_start3A_360 = tpu.memref_slice %arg4[%add3A_341, %dma_start3A_359] : memref<2500x128xi32, #tpu.memory_space<hbm>> -> memref<1x128xi32, #tpu.memory_space<hbm>>
        %dma_start3A_361 = tpu.memref_squeeze %dma_start3A_360 : memref<1x128xi32, #tpu.memory_space<hbm>> -> memref<128xi32, #tpu.memory_space<hbm>>
        %dma_start3A_362 = arith.constant 0 : i32
        %dma_start3A_363 = tpu.memref_slice %arg8[%dma_start3A_355, %dma_start3A_362] : memref<3x128xi32, #tpu.memory_space<vmem>> -> memref<1x128xi32, #tpu.memory_space<vmem>>
        %dma_start3A_364 = tpu.memref_squeeze %dma_start3A_363 : memref<1x128xi32, #tpu.memory_space<vmem>> -> memref<128xi32, #tpu.memory_space<vmem>>
        %dma_start3A_365 = arith.constant 0 : i32
        %dma_start3A_366 = tpu.memref_slice %arg4[%add3A_341, %dma_start3A_365] : memref<2500x128xi32, #tpu.memory_space<hbm>> -> memref<1x128xi32, #tpu.memory_space<hbm>>
        %dma_start3A_367 = tpu.memref_squeeze %dma_start3A_366 : memref<1x128xi32, #tpu.memory_space<hbm>> -> memref<128xi32, #tpu.memory_space<hbm>>
        tpu.enqueue_dma source(%dma_start3A_367 : memref<128xi32, #tpu.memory_space<hbm>>) target(%dma_start3A_364 : memref<128xi32, #tpu.memory_space<vmem>>) target_semaphore(%arg13 : memref<!tpu.dma_semaphore, #tpu.memory_space<semaphore_mem>>)
      } else {
      }
      %dma_start3A_318 = arith.constant 2 : i32
      %dma_start3A_319 = arith.constant 0 : i32
      %dma_start3A_320 = tpu.memref_slice %arg8[%dma_start3A_318, %dma_start3A_319] : memref<3x128xi32, #tpu.memory_space<vmem>> -> memref<1x128xi32, #tpu.memory_space<vmem>>
      %dma_start3A_321 = tpu.memref_squeeze %dma_start3A_320 : memref<1x128xi32, #tpu.memory_space<vmem>> -> memref<128xi32, #tpu.memory_space<vmem>>
      %dma_start3A_322 = arith.constant 0 : i32
      %dma_start3A_323 = arith.constant 0 : i32
      %dma_start3A_324 = tpu.memref_slice %arg19[%dma_start3A_322, %dma_start3A_323] : memref<10000x128xf32, #tpu.memory_space<vmem_shared>> -> memref<10000x128xf32, #tpu.memory_space<vmem_shared>>
      tpu.enqueue_indirect_dma source(%arg11 : memref<128x128xf32, #tpu.memory_space<vmem>>) target(%dma_start3A_324 : memref<10000x128xf32, #tpu.memory_space<vmem_shared>>) offsets(%dma_start3A_321 : memref<128xi32, #tpu.memory_space<vmem>>) semaphore(%arg18 : memref<!tpu.dma_semaphore, #tpu.memory_space<semaphore_mem>>) {add = true}
      %dma_wait3A_325 = arith.constant 2 : i32
      %dma_wait3A_326 = arith.constant 0 : i32
      %dma_wait3A_327 = tpu.memref_slice %arg8[%dma_wait3A_325, %dma_wait3A_326] : memref<3x128xi32, #tpu.memory_space<vmem>> -> memref<1x128xi32, #tpu.memory_space<vmem>>
      %dma_wait3A_328 = tpu.memref_squeeze %dma_wait3A_327 : memref<1x128xi32, #tpu.memory_space<vmem>> -> memref<128xi32, #tpu.memory_space<vmem>>
      %dma_wait3A_329 = arith.constant 0 : i32
      %dma_wait3A_330 = arith.constant 0 : i32
      %dma_wait3A_331 = tpu.memref_slice %arg19[%dma_wait3A_329, %dma_wait3A_330] : memref<10000x128xf32, #tpu.memory_space<vmem_shared>> -> memref<10000x128xf32, #tpu.memory_space<vmem_shared>>
      tpu.wait_indirect_dma semaphore(%arg18 : memref<!tpu.dma_semaphore, #tpu.memory_space<semaphore_mem>>) src(%arg11 : memref<128x128xf32, #tpu.memory_space<vmem>>) dst(%dma_wait3A_331 : memref<10000x128xf32, #tpu.memory_space<vmem_shared>>)
      %mul3A_332 = arith.constant 3 : i32
      %mul3A_333 = arith.muli %mul3A_332, %add3A_148 : i32
      %add3A_334 = arith.constant 5 : i32
      %add3A_335 = arith.addi %mul3A_333, %add3A_334 : i32
      %lt3A_336 = arith.cmpi slt, %add3A_335, %sub3A_47 : i32
      %convert_element_type3A_337 = arith.extui %lt3A_336 : i1 to i32
      %cond3A_338 = arith.constant 0 : i32
      %cond3A_339 = arith.cmpi ne, %convert_element_type3A_337, %cond3A_338 : i32
      scf.if %cond3A_339 {
        %add3A_340 = arith.constant 5 : i32
        %add3A_341 = arith.addi %add3A_151, %add3A_340 : i32
        %dma_start3A_342 = arith.constant 2 : i32
        %dma_start3A_343 = arith.constant 0 : i32
        %dma_start3A_344 = tpu.memref_slice %arg7[%dma_start3A_342, %dma_start3A_343] : memref<3x128xi32, #tpu.memory_space<vmem>> -> memref<1x128xi32, #tpu.memory_space<vmem>>
        %dma_start3A_345 = tpu.memref_squeeze %dma_start3A_344 : memref<1x128xi32, #tpu.memory_space<vmem>> -> memref<128xi32, #tpu.memory_space<vmem>>
        %dma_start3A_346 = arith.constant 0 : i32
        %dma_start3A_347 = tpu.memref_slice %arg3[%add3A_341, %dma_start3A_346] : memref<2500x128xi32, #tpu.memory_space<hbm>> -> memref<1x128xi32, #tpu.memory_space<hbm>>
        %dma_start3A_348 = tpu.memref_squeeze %dma_start3A_347 : memref<1x128xi32, #tpu.memory_space<hbm>> -> memref<128xi32, #tpu.memory_space<hbm>>
        %dma_start3A_349 = arith.constant 0 : i32
        %dma_start3A_350 = tpu.memref_slice %arg7[%dma_start3A_342, %dma_start3A_349] : memref<3x128xi32, #tpu.memory_space<vmem>> -> memref<1x128xi32, #tpu.memory_space<vmem>>
        %dma_start3A_351 = tpu.memref_squeeze %dma_start3A_350 : memref<1x128xi32, #tpu.memory_space<vmem>> -> memref<128xi32, #tpu.memory_space<vmem>>
        %dma_start3A_352 = arith.constant 0 : i32
        %dma_start3A_353 = tpu.memref_slice %arg3[%add3A_341, %dma_start3A_352] : memref<2500x128xi32, #tpu.memory_space<hbm>> -> memref<1x128xi32, #tpu.memory_space<hbm>>
        %dma_start3A_354 = tpu.memref_squeeze %dma_start3A_353 : memref<1x128xi32, #tpu.memory_space<hbm>> -> memref<128xi32, #tpu.memory_space<hbm>>
        tpu.enqueue_dma source(%dma_start3A_354 : memref<128xi32, #tpu.memory_space<hbm>>) target(%dma_start3A_351 : memref<128xi32, #tpu.memory_space<vmem>>) target_semaphore(%arg14 : memref<!tpu.dma_semaphore, #tpu.memory_space<semaphore_mem>>)
        %dma_start3A_355 = arith.constant 2 : i32
        %dma_start3A_356 = arith.constant 0 : i32
        %dma_start3A_357 = tpu.memref_slice %arg8[%dma_start3A_355, %dma_start3A_356] : memref<3x128xi32, #tpu.memory_space<vmem>> -> memref<1x128xi32, #tpu.memory_space<vmem>>
        %dma_start3A_358 = tpu.memref_squeeze %dma_start3A_357 : memref<1x128xi32, #tpu.memory_space<vmem>> -> memref<128xi32, #tpu.memory_space<vmem>>
        %dma_start3A_359 = arith.constant 0 : i32
        %dma_start3A_360 = tpu.memref_slice %arg4[%add3A_341, %dma_start3A_359] : memref<2500x128xi32, #tpu.memory_space<hbm>> -> memref<1x128xi32, #tpu.memory_space<hbm>>
        %dma_start3A_361 = tpu.memref_squeeze %dma_start3A_360 : memref<1x128xi32, #tpu.memory_space<hbm>> -> memref<128xi32, #tpu.memory_space<hbm>>
        %dma_start3A_362 = arith.constant 0 : i32
        %dma_start3A_363 = tpu.memref_slice %arg8[%dma_start3A_355, %dma_start3A_362] : memref<3x128xi32, #tpu.memory_space<vmem>> -> memref<1x128xi32, #tpu.memory_space<vmem>>
        %dma_start3A_364 = tpu.memref_squeeze %dma_start3A_363 : memref<1x128xi32, #tpu.memory_space<vmem>> -> memref<128xi32, #tpu.memory_space<vmem>>
        %dma_start3A_365 = arith.constant 0 : i32
        %dma_start3A_366 = tpu.memref_slice %arg4[%add3A_341, %dma_start3A_365] : memref<2500x128xi32, #tpu.memory_space<hbm>> -> memref<1x128xi32, #tpu.memory_space<hbm>>
        %dma_start3A_367 = tpu.memref_squeeze %dma_start3A_366 : memref<1x128xi32, #tpu.memory_space<hbm>> -> memref<128xi32, #tpu.memory_space<hbm>>
        tpu.enqueue_dma source(%dma_start3A_367 : memref<128xi32, #tpu.memory_space<hbm>>) target(%dma_start3A_364 : memref<128xi32, #tpu.memory_space<vmem>>) target_semaphore(%arg14 : memref<!tpu.dma_semaphore, #tpu.memory_space<semaphore_mem>>)
      } else {
      }
    }
    %scan3A_136 = arith.constant 26 : i32
    %gt3A = arith.constant 78 : i32
    %gt3A_137 = arith.cmpi sgt, %sub3A_47, %gt3A : i32
    %convert_element_type3A = arith.extui %gt3A_137 : i1 to i32
    %cond3A = arith.constant 0 : i32
    %cond3A_138 = arith.cmpi ne, %convert_element_type3A, %cond3A : i32
    scf.if %cond3A_138 {
      %add3A_144 = arith.constant 79 : i32
      %add3A_145 = arith.addi %select_n3A, %add3A_144 : i32
      %sub3A_146 = arith.constant 1 : i32
      %sub3A_147 = arith.subi %add3A_145, %sub3A_146 : i32
      %dma_wait3A = arith.constant 0 : i32
      %dma_wait3A_148 = arith.constant 0 : i32
      %dma_wait3A_149 = tpu.memref_slice %arg7[%dma_wait3A, %dma_wait3A_148] : memref<3x128xi32, #tpu.memory_space<vmem>> -> memref<1x128xi32, #tpu.memory_space<vmem>>
      %dma_wait3A_150 = tpu.memref_squeeze %dma_wait3A_149 : memref<1x128xi32, #tpu.memory_space<vmem>> -> memref<128xi32, #tpu.memory_space<vmem>>
      %dma_wait3A_151 = arith.constant 0 : i32
      %dma_wait3A_152 = tpu.memref_slice %arg3[%sub3A_147, %dma_wait3A_151] : memref<2500x128xi32, #tpu.memory_space<hbm>> -> memref<1x128xi32, #tpu.memory_space<hbm>>
      %dma_wait3A_153 = tpu.memref_squeeze %dma_wait3A_152 : memref<1x128xi32, #tpu.memory_space<hbm>> -> memref<128xi32, #tpu.memory_space<hbm>>
      %dma_wait3A_154 = arith.constant 0 : i32
      %dma_wait3A_155 = tpu.memref_slice %arg7[%dma_wait3A, %dma_wait3A_154] : memref<3x128xi32, #tpu.memory_space<vmem>> -> memref<1x128xi32, #tpu.memory_space<vmem>>
      %dma_wait3A_156 = tpu.memref_squeeze %dma_wait3A_155 : memref<1x128xi32, #tpu.memory_space<vmem>> -> memref<128xi32, #tpu.memory_space<vmem>>
      %dma_wait3A_157 = arith.constant 0 : i32
      %dma_wait3A_158 = tpu.memref_slice %arg3[%sub3A_147, %dma_wait3A_157] : memref<2500x128xi32, #tpu.memory_space<hbm>> -> memref<1x128xi32, #tpu.memory_space<hbm>>
      %dma_wait3A_159 = tpu.memref_squeeze %dma_wait3A_158 : memref<1x128xi32, #tpu.memory_space<hbm>> -> memref<128xi32, #tpu.memory_space<hbm>>
      tpu.wait_dma2 semaphore(%arg12 : memref<!tpu.dma_semaphore, #tpu.memory_space<semaphore_mem>>) src(%dma_wait3A_159 : memref<128xi32, #tpu.memory_space<hbm>>) dst(%dma_wait3A_156 : memref<128xi32, #tpu.memory_space<vmem>>)
      %dma_wait3A_160 = arith.constant 0 : i32
      %dma_wait3A_161 = arith.constant 0 : i32
      %dma_wait3A_162 = tpu.memref_slice %arg8[%dma_wait3A_160, %dma_wait3A_161] : memref<3x128xi32, #tpu.memory_space<vmem>> -> memref<1x128xi32, #tpu.memory_space<vmem>>
      %dma_wait3A_163 = tpu.memref_squeeze %dma_wait3A_162 : memref<1x128xi32, #tpu.memory_space<vmem>> -> memref<128xi32, #tpu.memory_space<vmem>>
      %dma_wait3A_164 = arith.constant 0 : i32
      %dma_wait3A_165 = tpu.memref_slice %arg4[%sub3A_147, %dma_wait3A_164] : memref<2500x128xi32, #tpu.memory_space<hbm>> -> memref<1x128xi32, #tpu.memory_space<hbm>>
      %dma_wait3A_166 = tpu.memref_squeeze %dma_wait3A_165 : memref<1x128xi32, #tpu.memory_space<hbm>> -> memref<128xi32, #tpu.memory_space<hbm>>
      %dma_wait3A_167 = arith.constant 0 : i32
      %dma_wait3A_168 = tpu.memref_slice %arg8[%dma_wait3A_160, %dma_wait3A_167] : memref<3x128xi32, #tpu.memory_space<vmem>> -> memref<1x128xi32, #tpu.memory_space<vmem>>
      %dma_wait3A_169 = tpu.memref_squeeze %dma_wait3A_168 : memref<1x128xi32, #tpu.memory_space<vmem>> -> memref<128xi32, #tpu.memory_space<vmem>>
      %dma_wait3A_170 = arith.constant 0 : i32
      %dma_wait3A_171 = tpu.memref_slice %arg4[%sub3A_147, %dma_wait3A_170] : memref<2500x128xi32, #tpu.memory_space<hbm>> -> memref<1x128xi32, #tpu.memory_space<hbm>>
      %dma_wait3A_172 = tpu.memref_squeeze %dma_wait3A_171 : memref<1x128xi32, #tpu.memory_space<hbm>> -> memref<128xi32, #tpu.memory_space<hbm>>
      tpu.wait_dma2 semaphore(%arg12 : memref<!tpu.dma_semaphore, #tpu.memory_space<semaphore_mem>>) src(%dma_wait3A_172 : memref<128xi32, #tpu.memory_space<hbm>>) dst(%dma_wait3A_169 : memref<128xi32, #tpu.memory_space<vmem>>)
      %dma_start3A_173 = arith.constant 0 : i32
      %dma_start3A_174 = arith.constant 0 : i32
      %dma_start3A_175 = tpu.memref_slice %arg7[%dma_start3A_173, %dma_start3A_174] : memref<3x128xi32, #tpu.memory_space<vmem>> -> memref<1x128xi32, #tpu.memory_space<vmem>>
      %dma_start3A_176 = tpu.memref_squeeze %dma_start3A_175 : memref<1x128xi32, #tpu.memory_space<vmem>> -> memref<128xi32, #tpu.memory_space<vmem>>
      %dma_start3A_177 = arith.constant 0 : i32
      %dma_start3A_178 = arith.constant 0 : i32
      %dma_start3A_179 = tpu.memref_slice %arg2[%dma_start3A_177, %dma_start3A_178] : memref<10000x128xf32, #tpu.memory_space<hbm>> -> memref<10000x128xf32, #tpu.memory_space<hbm>>
      tpu.enqueue_indirect_dma source(%dma_start3A_179 : memref<10000x128xf32, #tpu.memory_space<hbm>>) target(%arg9 : memref<128x128xf32, #tpu.memory_space<vmem>>) offsets(%dma_start3A_176 : memref<128xi32, #tpu.memory_space<vmem>>) semaphore(%arg15 : memref<!tpu.dma_semaphore, #tpu.memory_space<semaphore_mem>>)
      %dma_wait3A_180 = arith.constant 0 : i32
      %dma_wait3A_181 = arith.constant 0 : i32
      %dma_wait3A_182 = tpu.memref_slice %arg7[%dma_wait3A_180, %dma_wait3A_181] : memref<3x128xi32, #tpu.memory_space<vmem>> -> memref<1x128xi32, #tpu.memory_space<vmem>>
      %dma_wait3A_183 = tpu.memref_squeeze %dma_wait3A_182 : memref<1x128xi32, #tpu.memory_space<vmem>> -> memref<128xi32, #tpu.memory_space<vmem>>
      %dma_wait3A_184 = arith.constant 0 : i32
      %dma_wait3A_185 = arith.constant 0 : i32
      %dma_wait3A_186 = tpu.memref_slice %arg2[%dma_wait3A_184, %dma_wait3A_185] : memref<10000x128xf32, #tpu.memory_space<hbm>> -> memref<10000x128xf32, #tpu.memory_space<hbm>>
      tpu.wait_indirect_dma semaphore(%arg15 : memref<!tpu.dma_semaphore, #tpu.memory_space<semaphore_mem>>) src(%dma_wait3A_186 : memref<10000x128xf32, #tpu.memory_space<hbm>>) dst(%arg9 : memref<128x128xf32, #tpu.memory_space<vmem>>)
      %dma_start3A_187 = arith.constant 0 : i32
      %dma_start3A_188 = arith.constant 0 : i32
      %dma_start3A_189 = tpu.memref_slice %arg8[%dma_start3A_187, %dma_start3A_188] : memref<3x128xi32, #tpu.memory_space<vmem>> -> memref<1x128xi32, #tpu.memory_space<vmem>>
      %dma_start3A_190 = tpu.memref_squeeze %dma_start3A_189 : memref<1x128xi32, #tpu.memory_space<vmem>> -> memref<128xi32, #tpu.memory_space<vmem>>
      %dma_start3A_191 = arith.constant 0 : i32
      %dma_start3A_192 = arith.constant 0 : i32
      %dma_start3A_193 = tpu.memref_slice %arg19[%dma_start3A_191, %dma_start3A_192] : memref<10000x128xf32, #tpu.memory_space<vmem_shared>> -> memref<10000x128xf32, #tpu.memory_space<vmem_shared>>
      tpu.enqueue_indirect_dma source(%arg9 : memref<128x128xf32, #tpu.memory_space<vmem>>) target(%dma_start3A_193 : memref<10000x128xf32, #tpu.memory_space<vmem_shared>>) offsets(%dma_start3A_190 : memref<128xi32, #tpu.memory_space<vmem>>) semaphore(%arg18 : memref<!tpu.dma_semaphore, #tpu.memory_space<semaphore_mem>>) {add = true}
      %dma_wait3A_194 = arith.constant 0 : i32
      %dma_wait3A_195 = arith.constant 0 : i32
      %dma_wait3A_196 = tpu.memref_slice %arg8[%dma_wait3A_194, %dma_wait3A_195] : memref<3x128xi32, #tpu.memory_space<vmem>> -> memref<1x128xi32, #tpu.memory_space<vmem>>
      %dma_wait3A_197 = tpu.memref_squeeze %dma_wait3A_196 : memref<1x128xi32, #tpu.memory_space<vmem>> -> memref<128xi32, #tpu.memory_space<vmem>>
      %dma_wait3A_198 = arith.constant 0 : i32
      %dma_wait3A_199 = arith.constant 0 : i32
      %dma_wait3A_200 = tpu.memref_slice %arg19[%dma_wait3A_198, %dma_wait3A_199] : memref<10000x128xf32, #tpu.memory_space<vmem_shared>> -> memref<10000x128xf32, #tpu.memory_space<vmem_shared>>
      tpu.wait_indirect_dma semaphore(%arg18 : memref<!tpu.dma_semaphore, #tpu.memory_space<semaphore_mem>>) src(%arg9 : memref<128x128xf32, #tpu.memory_space<vmem>>) dst(%dma_wait3A_200 : memref<10000x128xf32, #tpu.memory_space<vmem_shared>>)
    } else {
    }
    %barrier3A_139 = arith.constant 0 : index
    tpu.barrier barrier_id(%barrier3A_139)
    %mul3A_140 = arith.constant 625 : i32
    %mul3A_141 = arith.muli %arg1, %mul3A_140 : i32
    %mul3A_142 = arith.constant 625 : i32
    %mul3A_143 = arith.muli %arg1, %mul3A_142 : i32
    "tpu.region"() ({
      %run_scoped3A = tpu.sem_alloc : memref<!tpu.dma_semaphore, #tpu.memory_space<semaphore_mem>>
      %dma_start3A_144 = arith.constant 0 : i32
      %dma_start3A_145 = arith.constant 0 : i32
      %dma_start3A_146 = tpu.memref_slice %arg6[%arg0, %dma_start3A_144, %dma_start3A_145] : memref<2x10000x128xf32, #tpu.memory_space<hbm>> -> memref<1x10000x128xf32, #tpu.memory_space<hbm>>
      %dma_start3A_147 = tpu.memref_squeeze %dma_start3A_146 : memref<1x10000x128xf32, #tpu.memory_space<hbm>> -> memref<10000x128xf32, #tpu.memory_space<hbm>>
      %dma_start3A_148 = arith.constant 0 : i32
      %dma_start3A_149 = tpu.memref_slice %dma_start3A_147[%mul3A_143, %dma_start3A_148] : memref<10000x128xf32, #tpu.memory_space<hbm>> -> memref<625x128xf32, #tpu.memory_space<hbm>>
      %dma_start3A_150 = arith.constant 0 : i32
      %dma_start3A_151 = tpu.memref_slice %arg19[%mul3A_141, %dma_start3A_150] : memref<10000x128xf32, #tpu.memory_space<vmem_shared>> -> memref<625x128xf32, #tpu.memory_space<vmem_shared>>
      tpu.enqueue_dma source(%dma_start3A_151 : memref<625x128xf32, #tpu.memory_space<vmem_shared>>) target(%dma_start3A_149 : memref<625x128xf32, #tpu.memory_space<hbm>>) target_semaphore(%run_scoped3A : memref<!tpu.dma_semaphore, #tpu.memory_space<semaphore_mem>>)
      %dma_wait3A = arith.constant 0 : i32
      %dma_wait3A_152 = arith.constant 0 : i32
      %dma_wait3A_153 = tpu.memref_slice %arg6[%arg0, %dma_wait3A, %dma_wait3A_152] : memref<2x10000x128xf32, #tpu.memory_space<hbm>> -> memref<1x10000x128xf32, #tpu.memory_space<hbm>>
      %dma_wait3A_154 = tpu.memref_squeeze %dma_wait3A_153 : memref<1x10000x128xf32, #tpu.memory_space<hbm>> -> memref<10000x128xf32, #tpu.memory_space<hbm>>
      %dma_wait3A_155 = arith.constant 0 : i32
      %dma_wait3A_156 = tpu.memref_slice %dma_wait3A_154[%mul3A_143, %dma_wait3A_155] : memref<10000x128xf32, #tpu.memory_space<hbm>> -> memref<625x128xf32, #tpu.memory_space<hbm>>
      %dma_wait3A_157 = arith.constant 0 : i32
      %dma_wait3A_158 = tpu.memref_slice %arg19[%mul3A_141, %dma_wait3A_157] : memref<10000x128xf32, #tpu.memory_space<vmem_shared>> -> memref<625x128xf32, #tpu.memory_space<vmem_shared>>
      tpu.wait_dma2 semaphore(%run_scoped3A : memref<!tpu.dma_semaphore, #tpu.memory_space<semaphore_mem>>) src(%dma_wait3A_158 : memref<625x128xf32, #tpu.memory_space<vmem_shared>>) dst(%dma_wait3A_156 : memref<625x128xf32, #tpu.memory_space<hbm>>)
      tpu.yield
    }) : () -> ()
    return
  }
}

#map = affine_map<(d0, d1) -> (0, 0)>
#map1 = affine_map<(d0, d1) -> (0, 0, 0)>
module attributes {stable_mosaic.version = 14 : i64} {
  func.func @body(%arg0: i32, %arg1: i32, %arg2: memref<2500x128xi32, #tpu.memory_space<hbm>>, %arg3: memref<128x16xf32, #tpu.memory_space<hbm>>, %arg4: memref<10000x16xf32, #tpu.memory_space<hbm>>, %arg5: memref<2x10000x16xf32, #tpu.memory_space<hbm>>, %arg6: memref<79x128xi32, #tpu.memory_space<vmem>>, %arg7: memref<128x16xf32, #tpu.memory_space<vmem>>, %arg8: memref<10000x16xf32, #tpu.memory_space<vmem_shared>>, %arg9: memref<!tpu.dma_semaphore, #tpu.memory_space<semaphore_mem>>) attributes {dimension_semantics = [#tpu.dimension_semantics<core_parallel>, #tpu.dimension_semantics<subcore_parallel>], iteration_bounds = array<i64: 2, 16>, scalar_prefetch = 0 : i64, scratch_operands = 4 : i64, tpu.core_type = #tpu.core_type<sc_vector_subcore>, window_params = [{transform_indices = #map}, {transform_indices = #map}, {transform_indices = #map}, {transform_indices = #map1}]} {
    %mul3A = arith.constant 16 : i32
    %mul3A_0 = arith.muli %arg0, %mul3A : i32
    %add3A = arith.addi %mul3A_0, %arg1 : i32
    %mul3A_1 = arith.constant 2500 : i32
    %mul3A_2 = arith.muli %add3A, %mul3A_1 : i32
    %jit3A = arith.constant 32 : i32
    %div3A = arith.divsi %mul3A_2, %jit3A : i32
    %sign3A = arith.constant 0 : i32
    %sign3A_3 = arith.cmpi sgt, %mul3A_2, %sign3A : i32
    %sign3A_4 = arith.extui %sign3A_3 : i1 to i32
    %sign3A_5 = arith.constant 0 : i32
    %sign3A_6 = arith.cmpi slt, %mul3A_2, %sign3A_5 : i32
    %sign3A_7 = arith.extui %sign3A_6 : i1 to i32
    %sign3A_8 = arith.subi %sign3A_4, %sign3A_7 : i32
    %sign3A_9 = arith.constant 0 : i32
    %sign3A_10 = arith.cmpi sgt, %jit3A, %sign3A_9 : i32
    %sign3A_11 = arith.extui %sign3A_10 : i1 to i32
    %sign3A_12 = arith.constant 0 : i32
    %sign3A_13 = arith.cmpi slt, %jit3A, %sign3A_12 : i32
    %sign3A_14 = arith.extui %sign3A_13 : i1 to i32
    %sign3A_15 = arith.subi %sign3A_11, %sign3A_14 : i32
    %ne3A = arith.cmpi ne, %sign3A_8, %sign3A_15 : i32
    %rem3A = arith.remsi %mul3A_2, %jit3A : i32
    %ne3A_16 = arith.constant 0 : i32
    %ne3A_17 = arith.cmpi ne, %rem3A, %ne3A_16 : i32
    %and3A = arith.andi %ne3A, %ne3A_17 : i1
    %sub3A = arith.constant 1 : i32
    %sub3A_18 = arith.subi %div3A, %sub3A : i32
    %select_n3A = arith.select %and3A, %sub3A_18, %div3A : i32
    %add3A_19 = arith.constant 1 : i32
    %add3A_20 = arith.addi %add3A, %add3A_19 : i32
    %mul3A_21 = arith.constant 2500 : i32
    %mul3A_22 = arith.muli %add3A_20, %mul3A_21 : i32
    %jit3A_23 = arith.constant 32 : i32
    %div3A_24 = arith.divsi %mul3A_22, %jit3A_23 : i32
    %sign3A_25 = arith.constant 0 : i32
    %sign3A_26 = arith.cmpi sgt, %mul3A_22, %sign3A_25 : i32
    %sign3A_27 = arith.extui %sign3A_26 : i1 to i32
    %sign3A_28 = arith.constant 0 : i32
    %sign3A_29 = arith.cmpi slt, %mul3A_22, %sign3A_28 : i32
    %sign3A_30 = arith.extui %sign3A_29 : i1 to i32
    %sign3A_31 = arith.subi %sign3A_27, %sign3A_30 : i32
    %sign3A_32 = arith.constant 0 : i32
    %sign3A_33 = arith.cmpi sgt, %jit3A_23, %sign3A_32 : i32
    %sign3A_34 = arith.extui %sign3A_33 : i1 to i32
    %sign3A_35 = arith.constant 0 : i32
    %sign3A_36 = arith.cmpi slt, %jit3A_23, %sign3A_35 : i32
    %sign3A_37 = arith.extui %sign3A_36 : i1 to i32
    %sign3A_38 = arith.subi %sign3A_34, %sign3A_37 : i32
    %ne3A_39 = arith.cmpi ne, %sign3A_31, %sign3A_38 : i32
    %rem3A_40 = arith.remsi %mul3A_22, %jit3A_23 : i32
    %ne3A_41 = arith.constant 0 : i32
    %ne3A_42 = arith.cmpi ne, %rem3A_40, %ne3A_41 : i32
    %and3A_43 = arith.andi %ne3A_39, %ne3A_42 : i1
    %sub3A_44 = arith.constant 1 : i32
    %sub3A_45 = arith.subi %div3A_24, %sub3A_44 : i32
    %select_n3A_46 = arith.select %and3A_43, %sub3A_45, %div3A_24 : i32
    %sub3A_47 = arith.subi %select_n3A_46, %select_n3A : i32
    %mul3A_48 = arith.constant 625 : i32
    %mul3A_49 = arith.muli %arg1, %mul3A_48 : i32
    %mul3A_50 = arith.constant 625 : i32
    %mul3A_51 = arith.muli %arg1, %mul3A_50 : i32
    "tpu.region"() ({
      %run_scoped3A = tpu.sem_alloc : memref<!tpu.dma_semaphore, #tpu.memory_space<semaphore_mem>>
      %dma_start3A = arith.constant 0 : i32
      %dma_start3A_61 = tpu.memref_slice %arg8[%mul3A_51, %dma_start3A] : memref<10000x16xf32, #tpu.memory_space<vmem_shared>> -> memref<625x16xf32, #tpu.memory_space<vmem_shared>>
      %dma_start3A_62 = arith.constant 0 : i32
      %dma_start3A_63 = tpu.memref_slice %arg4[%mul3A_49, %dma_start3A_62] : memref<10000x16xf32, #tpu.memory_space<hbm>> -> memref<625x16xf32, #tpu.memory_space<hbm>>
      tpu.enqueue_dma source(%dma_start3A_63 : memref<625x16xf32, #tpu.memory_space<hbm>>) target(%dma_start3A_61 : memref<625x16xf32, #tpu.memory_space<vmem_shared>>) target_semaphore(%run_scoped3A : memref<!tpu.dma_semaphore, #tpu.memory_space<semaphore_mem>>)
      %dma_wait3A = arith.constant 0 : i32
      %dma_wait3A_64 = tpu.memref_slice %arg8[%mul3A_51, %dma_wait3A] : memref<10000x16xf32, #tpu.memory_space<vmem_shared>> -> memref<625x16xf32, #tpu.memory_space<vmem_shared>>
      %dma_wait3A_65 = arith.constant 0 : i32
      %dma_wait3A_66 = tpu.memref_slice %arg4[%mul3A_49, %dma_wait3A_65] : memref<10000x16xf32, #tpu.memory_space<hbm>> -> memref<625x16xf32, #tpu.memory_space<hbm>>
      tpu.wait_dma2 semaphore(%run_scoped3A : memref<!tpu.dma_semaphore, #tpu.memory_space<semaphore_mem>>) src(%dma_wait3A_66 : memref<625x16xf32, #tpu.memory_space<hbm>>) dst(%dma_wait3A_64 : memref<625x16xf32, #tpu.memory_space<vmem_shared>>)
      tpu.yield
    }) : () -> ()
    "tpu.region"() ({
      %run_scoped3A = tpu.sem_alloc : memref<!tpu.dma_semaphore, #tpu.memory_space<semaphore_mem>>
      %dma_start3A = arith.constant 0 : i32
      %dma_start3A_61 = tpu.memref_slice %arg2[%select_n3A, %dma_start3A] : memref<2500x128xi32, #tpu.memory_space<hbm>> -> memref<79x128xi32, #tpu.memory_space<hbm>>
      %dma_start3A_62 = arith.constant 0 : i32
      %dma_start3A_63 = tpu.memref_slice %arg2[%select_n3A, %dma_start3A_62] : memref<2500x128xi32, #tpu.memory_space<hbm>> -> memref<79x128xi32, #tpu.memory_space<hbm>>
      tpu.enqueue_dma source(%dma_start3A_63 : memref<79x128xi32, #tpu.memory_space<hbm>>) target(%arg6 : memref<79x128xi32, #tpu.memory_space<vmem>>) target_semaphore(%run_scoped3A : memref<!tpu.dma_semaphore, #tpu.memory_space<semaphore_mem>>)
      %dma_wait3A = arith.constant 0 : i32
      %dma_wait3A_64 = tpu.memref_slice %arg2[%select_n3A, %dma_wait3A] : memref<2500x128xi32, #tpu.memory_space<hbm>> -> memref<79x128xi32, #tpu.memory_space<hbm>>
      %dma_wait3A_65 = arith.constant 0 : i32
      %dma_wait3A_66 = tpu.memref_slice %arg2[%select_n3A, %dma_wait3A_65] : memref<2500x128xi32, #tpu.memory_space<hbm>> -> memref<79x128xi32, #tpu.memory_space<hbm>>
      tpu.wait_dma2 semaphore(%run_scoped3A : memref<!tpu.dma_semaphore, #tpu.memory_space<semaphore_mem>>) src(%dma_wait3A_66 : memref<79x128xi32, #tpu.memory_space<hbm>>) dst(%arg6 : memref<79x128xi32, #tpu.memory_space<vmem>>)
      tpu.yield
    }) : () -> ()
    "tpu.region"() ({
      %run_scoped3A = tpu.sem_alloc : memref<!tpu.dma_semaphore, #tpu.memory_space<semaphore_mem>>
      tpu.enqueue_dma source(%arg3 : memref<128x16xf32, #tpu.memory_space<hbm>>) target(%arg7 : memref<128x16xf32, #tpu.memory_space<vmem>>) target_semaphore(%run_scoped3A : memref<!tpu.dma_semaphore, #tpu.memory_space<semaphore_mem>>)
      tpu.wait_dma2 semaphore(%run_scoped3A : memref<!tpu.dma_semaphore, #tpu.memory_space<semaphore_mem>>) src(%arg3 : memref<128x16xf32, #tpu.memory_space<hbm>>) dst(%arg7 : memref<128x16xf32, #tpu.memory_space<vmem>>)
      tpu.yield
    }) : () -> ()
    %barrier3A = arith.constant 0 : index
    tpu.barrier barrier_id(%barrier3A)
    %scan3A = arith.constant 0 : i32
    %scan3A_52 = arith.constant 79 : i32
    %scan3A_53 = arith.addi %scan3A, %scan3A_52 : i32
    %scan3A_54 = arith.constant 1 : i32
    scf.for %scan3A_61 = %scan3A to %scan3A_53 step %scan3A_54  : i32 {
      %mul3A_62 = arith.constant 1 : i32
      %mul3A_63 = arith.muli %scan3A_61, %mul3A_62 : i32
      %add3A_64 = arith.constant 0 : i32
      %add3A_65 = arith.addi %add3A_64, %mul3A_63 : i32
      %lt3A = arith.cmpi slt, %add3A_65, %sub3A_47 : i32
      %convert_element_type3A = arith.extui %lt3A : i1 to i32
      %cond3A = arith.constant 0 : i32
      %cond3A_66 = arith.cmpi ne, %convert_element_type3A, %cond3A : i32
      scf.if %cond3A_66 {
        %dma_start3A = arith.constant 0 : i32
        %dma_start3A_67 = tpu.memref_slice %arg6[%add3A_65, %dma_start3A] : memref<79x128xi32, #tpu.memory_space<vmem>> -> memref<1x128xi32, #tpu.memory_space<vmem>>
        %dma_start3A_68 = tpu.memref_squeeze %dma_start3A_67 : memref<1x128xi32, #tpu.memory_space<vmem>> -> memref<128xi32, #tpu.memory_space<vmem>>
        %dma_start3A_69 = arith.constant 0 : i32
        %dma_start3A_70 = arith.constant 0 : i32
        %dma_start3A_71 = tpu.memref_slice %arg8[%dma_start3A_69, %dma_start3A_70] : memref<10000x16xf32, #tpu.memory_space<vmem_shared>> -> memref<10000x16xf32, #tpu.memory_space<vmem_shared>>
        tpu.enqueue_indirect_dma source(%arg7 : memref<128x16xf32, #tpu.memory_space<vmem>>) target(%dma_start3A_71 : memref<10000x16xf32, #tpu.memory_space<vmem_shared>>) offsets(%dma_start3A_68 : memref<128xi32, #tpu.memory_space<vmem>>) semaphore(%arg9 : memref<!tpu.dma_semaphore, #tpu.memory_space<semaphore_mem>>) {add = true}
        %dma_wait3A = arith.constant 0 : i32
        %dma_wait3A_72 = tpu.memref_slice %arg6[%add3A_65, %dma_wait3A] : memref<79x128xi32, #tpu.memory_space<vmem>> -> memref<1x128xi32, #tpu.memory_space<vmem>>
        %dma_wait3A_73 = tpu.memref_squeeze %dma_wait3A_72 : memref<1x128xi32, #tpu.memory_space<vmem>> -> memref<128xi32, #tpu.memory_space<vmem>>
        %dma_wait3A_74 = arith.constant 0 : i32
        %dma_wait3A_75 = arith.constant 0 : i32
        %dma_wait3A_76 = tpu.memref_slice %arg8[%dma_wait3A_74, %dma_wait3A_75] : memref<10000x16xf32, #tpu.memory_space<vmem_shared>> -> memref<10000x16xf32, #tpu.memory_space<vmem_shared>>
        tpu.wait_indirect_dma semaphore(%arg9 : memref<!tpu.dma_semaphore, #tpu.memory_space<semaphore_mem>>) src(%arg7 : memref<128x16xf32, #tpu.memory_space<vmem>>) dst(%dma_wait3A_76 : memref<10000x16xf32, #tpu.memory_space<vmem_shared>>)
      } else {
      }
    }
    %scan3A_55 = arith.constant 79 : i32
    %barrier3A_56 = arith.constant 0 : index
    tpu.barrier barrier_id(%barrier3A_56)
    %mul3A_57 = arith.constant 625 : i32
    %mul3A_58 = arith.muli %arg1, %mul3A_57 : i32
    %mul3A_59 = arith.constant 625 : i32
    %mul3A_60 = arith.muli %arg1, %mul3A_59 : i32
    "tpu.region"() ({
      %run_scoped3A = tpu.sem_alloc : memref<!tpu.dma_semaphore, #tpu.memory_space<semaphore_mem>>
      %dma_start3A = arith.constant 0 : i32
      %dma_start3A_61 = arith.constant 0 : i32
      %dma_start3A_62 = tpu.memref_slice %arg5[%arg0, %dma_start3A, %dma_start3A_61] : memref<2x10000x16xf32, #tpu.memory_space<hbm>> -> memref<1x10000x16xf32, #tpu.memory_space<hbm>>
      %dma_start3A_63 = tpu.memref_squeeze %dma_start3A_62 : memref<1x10000x16xf32, #tpu.memory_space<hbm>> -> memref<10000x16xf32, #tpu.memory_space<hbm>>
      %dma_start3A_64 = arith.constant 0 : i32
      %dma_start3A_65 = tpu.memref_slice %dma_start3A_63[%mul3A_60, %dma_start3A_64] : memref<10000x16xf32, #tpu.memory_space<hbm>> -> memref<625x16xf32, #tpu.memory_space<hbm>>
      %dma_start3A_66 = arith.constant 0 : i32
      %dma_start3A_67 = tpu.memref_slice %arg8[%mul3A_58, %dma_start3A_66] : memref<10000x16xf32, #tpu.memory_space<vmem_shared>> -> memref<625x16xf32, #tpu.memory_space<vmem_shared>>
      tpu.enqueue_dma source(%dma_start3A_67 : memref<625x16xf32, #tpu.memory_space<vmem_shared>>) target(%dma_start3A_65 : memref<625x16xf32, #tpu.memory_space<hbm>>) target_semaphore(%run_scoped3A : memref<!tpu.dma_semaphore, #tpu.memory_space<semaphore_mem>>)
      %dma_wait3A = arith.constant 0 : i32
      %dma_wait3A_68 = arith.constant 0 : i32
      %dma_wait3A_69 = tpu.memref_slice %arg5[%arg0, %dma_wait3A, %dma_wait3A_68] : memref<2x10000x16xf32, #tpu.memory_space<hbm>> -> memref<1x10000x16xf32, #tpu.memory_space<hbm>>
      %dma_wait3A_70 = tpu.memref_squeeze %dma_wait3A_69 : memref<1x10000x16xf32, #tpu.memory_space<hbm>> -> memref<10000x16xf32, #tpu.memory_space<hbm>>
      %dma_wait3A_71 = arith.constant 0 : i32
      %dma_wait3A_72 = tpu.memref_slice %dma_wait3A_70[%mul3A_60, %dma_wait3A_71] : memref<10000x16xf32, #tpu.memory_space<hbm>> -> memref<625x16xf32, #tpu.memory_space<hbm>>
      %dma_wait3A_73 = arith.constant 0 : i32
      %dma_wait3A_74 = tpu.memref_slice %arg8[%mul3A_58, %dma_wait3A_73] : memref<10000x16xf32, #tpu.memory_space<vmem_shared>> -> memref<625x16xf32, #tpu.memory_space<vmem_shared>>
      tpu.wait_dma2 semaphore(%run_scoped3A : memref<!tpu.dma_semaphore, #tpu.memory_space<semaphore_mem>>) src(%dma_wait3A_74 : memref<625x16xf32, #tpu.memory_space<vmem_shared>>) dst(%dma_wait3A_72 : memref<625x16xf32, #tpu.memory_space<hbm>>)
      tpu.yield
    }) : () -> ()
    return
  }
}

#map = affine_map<(d0, d1) -> (0, 0)>
#map1 = affine_map<(d0, d1) -> (0, 0, 0)>
module attributes {stable_mosaic.version = 14 : i64} {
  func.func @body(%arg0: i32, %arg1: i32, %arg2: memref<10000x64xf32, #tpu.memory_space<hbm>>, %arg3: memref<2500x128xi32, #tpu.memory_space<hbm>>, %arg4: memref<2500x128xi32, #tpu.memory_space<hbm>>, %arg5: memref<10000x64xf32, #tpu.memory_space<hbm>>, %arg6: memref<2x10000x64xf32, #tpu.memory_space<hbm>>, %arg7: memref<3x128xi32, #tpu.memory_space<vmem>>, %arg8: memref<3x128xi32, #tpu.memory_space<vmem>>, %arg9: memref<128x64xf32, #tpu.memory_space<vmem>>, %arg10: memref<128x64xf32, #tpu.memory_space<vmem>>, %arg11: memref<128x64xf32, #tpu.memory_space<vmem>>, %arg12: memref<!tpu.dma_semaphore, #tpu.memory_space<semaphore_mem>>, %arg13: memref<!tpu.dma_semaphore, #tpu.memory_space<semaphore_mem>>, %arg14: memref<!tpu.dma_semaphore, #tpu.memory_space<semaphore_mem>>, %arg15: memref<!tpu.dma_semaphore, #tpu.memory_space<semaphore_mem>>, %arg16: memref<!tpu.dma_semaphore, #tpu.memory_space<semaphore_mem>>, %arg17: memref<!tpu.dma_semaphore, #tpu.memory_space<semaphore_mem>>, %arg18: memref<!tpu.dma_semaphore, #tpu.memory_space<semaphore_mem>>, %arg19: memref<10000x64xf32, #tpu.memory_space<vmem_shared>>) attributes {dimension_semantics = [#tpu.dimension_semantics<core_parallel>, #tpu.dimension_semantics<subcore_parallel>], iteration_bounds = array<i64: 2, 16>, scalar_prefetch = 0 : i64, scratch_operands = 13 : i64, tpu.core_type = #tpu.core_type<sc_vector_subcore>, window_params = [{transform_indices = #map}, {transform_indices = #map}, {transform_indices = #map}, {transform_indices = #map}, {transform_indices = #map1}]} {
    %mul3A = arith.constant 16 : i32
    %mul3A_0 = arith.muli %arg0, %mul3A : i32
    %add3A = arith.addi %mul3A_0, %arg1 : i32
    %mul3A_1 = arith.constant 2500 : i32
    %mul3A_2 = arith.muli %add3A, %mul3A_1 : i32
    %jit3A = arith.constant 32 : i32
    %div3A = arith.divsi %mul3A_2, %jit3A : i32
    %sign3A = arith.constant 0 : i32
    %sign3A_3 = arith.cmpi sgt, %mul3A_2, %sign3A : i32
    %sign3A_4 = arith.extui %sign3A_3 : i1 to i32
    %sign3A_5 = arith.constant 0 : i32
    %sign3A_6 = arith.cmpi slt, %mul3A_2, %sign3A_5 : i32
    %sign3A_7 = arith.extui %sign3A_6 : i1 to i32
    %sign3A_8 = arith.subi %sign3A_4, %sign3A_7 : i32
    %sign3A_9 = arith.constant 0 : i32
    %sign3A_10 = arith.cmpi sgt, %jit3A, %sign3A_9 : i32
    %sign3A_11 = arith.extui %sign3A_10 : i1 to i32
    %sign3A_12 = arith.constant 0 : i32
    %sign3A_13 = arith.cmpi slt, %jit3A, %sign3A_12 : i32
    %sign3A_14 = arith.extui %sign3A_13 : i1 to i32
    %sign3A_15 = arith.subi %sign3A_11, %sign3A_14 : i32
    %ne3A = arith.cmpi ne, %sign3A_8, %sign3A_15 : i32
    %rem3A = arith.remsi %mul3A_2, %jit3A : i32
    %ne3A_16 = arith.constant 0 : i32
    %ne3A_17 = arith.cmpi ne, %rem3A, %ne3A_16 : i32
    %and3A = arith.andi %ne3A, %ne3A_17 : i1
    %sub3A = arith.constant 1 : i32
    %sub3A_18 = arith.subi %div3A, %sub3A : i32
    %select_n3A = arith.select %and3A, %sub3A_18, %div3A : i32
    %add3A_19 = arith.constant 1 : i32
    %add3A_20 = arith.addi %add3A, %add3A_19 : i32
    %mul3A_21 = arith.constant 2500 : i32
    %mul3A_22 = arith.muli %add3A_20, %mul3A_21 : i32
    %jit3A_23 = arith.constant 32 : i32
    %div3A_24 = arith.divsi %mul3A_22, %jit3A_23 : i32
    %sign3A_25 = arith.constant 0 : i32
    %sign3A_26 = arith.cmpi sgt, %mul3A_22, %sign3A_25 : i32
    %sign3A_27 = arith.extui %sign3A_26 : i1 to i32
    %sign3A_28 = arith.constant 0 : i32
    %sign3A_29 = arith.cmpi slt, %mul3A_22, %sign3A_28 : i32
    %sign3A_30 = arith.extui %sign3A_29 : i1 to i32
    %sign3A_31 = arith.subi %sign3A_27, %sign3A_30 : i32
    %sign3A_32 = arith.constant 0 : i32
    %sign3A_33 = arith.cmpi sgt, %jit3A_23, %sign3A_32 : i32
    %sign3A_34 = arith.extui %sign3A_33 : i1 to i32
    %sign3A_35 = arith.constant 0 : i32
    %sign3A_36 = arith.cmpi slt, %jit3A_23, %sign3A_35 : i32
    %sign3A_37 = arith.extui %sign3A_36 : i1 to i32
    %sign3A_38 = arith.subi %sign3A_34, %sign3A_37 : i32
    %ne3A_39 = arith.cmpi ne, %sign3A_31, %sign3A_38 : i32
    %rem3A_40 = arith.remsi %mul3A_22, %jit3A_23 : i32
    %ne3A_41 = arith.constant 0 : i32
    %ne3A_42 = arith.cmpi ne, %rem3A_40, %ne3A_41 : i32
    %and3A_43 = arith.andi %ne3A_39, %ne3A_42 : i1
    %sub3A_44 = arith.constant 1 : i32
    %sub3A_45 = arith.subi %div3A_24, %sub3A_44 : i32
    %select_n3A_46 = arith.select %and3A_43, %sub3A_45, %div3A_24 : i32
    %sub3A_47 = arith.subi %select_n3A_46, %select_n3A : i32
    %mul3A_48 = arith.constant 625 : i32
    %mul3A_49 = arith.muli %arg1, %mul3A_48 : i32
    %mul3A_50 = arith.constant 625 : i32
    %mul3A_51 = arith.muli %arg1, %mul3A_50 : i32
    "tpu.region"() ({
      %run_scoped3A = tpu.sem_alloc : memref<!tpu.dma_semaphore, #tpu.memory_space<semaphore_mem>>
      %dma_start3A_144 = arith.constant 0 : i32
      %dma_start3A_145 = tpu.memref_slice %arg19[%mul3A_51, %dma_start3A_144] : memref<10000x64xf32, #tpu.memory_space<vmem_shared>> -> memref<625x64xf32, #tpu.memory_space<vmem_shared>>
      %dma_start3A_146 = arith.constant 0 : i32
      %dma_start3A_147 = tpu.memref_slice %arg5[%mul3A_49, %dma_start3A_146] : memref<10000x64xf32, #tpu.memory_space<hbm>> -> memref<625x64xf32, #tpu.memory_space<hbm>>
      tpu.enqueue_dma source(%dma_start3A_147 : memref<625x64xf32, #tpu.memory_space<hbm>>) target(%dma_start3A_145 : memref<625x64xf32, #tpu.memory_space<vmem_shared>>) target_semaphore(%run_scoped3A : memref<!tpu.dma_semaphore, #tpu.memory_space<semaphore_mem>>)
      %dma_wait3A = arith.constant 0 : i32
      %dma_wait3A_148 = tpu.memref_slice %arg19[%mul3A_51, %dma_wait3A] : memref<10000x64xf32, #tpu.memory_space<vmem_shared>> -> memref<625x64xf32, #tpu.memory_space<vmem_shared>>
      %dma_wait3A_149 = arith.constant 0 : i32
      %dma_wait3A_150 = tpu.memref_slice %arg5[%mul3A_49, %dma_wait3A_149] : memref<10000x64xf32, #tpu.memory_space<hbm>> -> memref<625x64xf32, #tpu.memory_space<hbm>>
      tpu.wait_dma2 semaphore(%run_scoped3A : memref<!tpu.dma_semaphore, #tpu.memory_space<semaphore_mem>>) src(%dma_wait3A_150 : memref<625x64xf32, #tpu.memory_space<hbm>>) dst(%dma_wait3A_148 : memref<625x64xf32, #tpu.memory_space<vmem_shared>>)
      tpu.yield
    }) : () -> ()
    %barrier3A = arith.constant 0 : index
    tpu.barrier barrier_id(%barrier3A)
    %dma_start3A = arith.constant 0 : i32
    %dma_start3A_52 = arith.constant 0 : i32
    %dma_start3A_53 = tpu.memref_slice %arg7[%dma_start3A, %dma_start3A_52] : memref<3x128xi32, #tpu.memory_space<vmem>> -> memref<1x128xi32, #tpu.memory_space<vmem>>
    %dma_start3A_54 = tpu.memref_squeeze %dma_start3A_53 : memref<1x128xi32, #tpu.memory_space<vmem>> -> memref<128xi32, #tpu.memory_space<vmem>>
    %dma_start3A_55 = arith.constant 0 : i32
    %dma_start3A_56 = tpu.memref_slice %arg3[%select_n3A, %dma_start3A_55] : memref<2500x128xi32, #tpu.memory_space<hbm>> -> memref<1x128xi32, #tpu.memory_space<hbm>>
    %dma_start3A_57 = tpu.memref_squeeze %dma_start3A_56 : memref<1x128xi32, #tpu.memory_space<hbm>> -> memref<128xi32, #tpu.memory_space<hbm>>
    %dma_start3A_58 = arith.constant 0 : i32
    %dma_start3A_59 = tpu.memref_slice %arg7[%dma_start3A, %dma_start3A_58] : memref<3x128xi32, #tpu.memory_space<vmem>> -> memref<1x128xi32, #tpu.memory_space<vmem>>
    %dma_start3A_60 = tpu.memref_squeeze %dma_start3A_59 : memref<1x128xi32, #tpu.memory_space<vmem>> -> memref<128xi32, #tpu.memory_space<vmem>>
    %dma_start3A_61 = arith.constant 0 : i32
    %dma_start3A_62 = tpu.memref_slice %arg3[%select_n3A, %dma_start3A_61] : memref<2500x128xi32, #tpu.memory_space<hbm>> -> memref<1x128xi32, #tpu.memory_space<hbm>>
    %dma_start3A_63 = tpu.memref_squeeze %dma_start3A_62 : memref<1x128xi32, #tpu.memory_space<hbm>> -> memref<128xi32, #tpu.memory_space<hbm>>
    tpu.enqueue_dma source(%dma_start3A_63 : memref<128xi32, #tpu.memory_space<hbm>>) target(%dma_start3A_60 : memref<128xi32, #tpu.memory_space<vmem>>) target_semaphore(%arg12 : memref<!tpu.dma_semaphore, #tpu.memory_space<semaphore_mem>>)
    %dma_start3A_64 = arith.constant 0 : i32
    %dma_start3A_65 = arith.constant 0 : i32
    %dma_start3A_66 = tpu.memref_slice %arg8[%dma_start3A_64, %dma_start3A_65] : memref<3x128xi32, #tpu.memory_space<vmem>> -> memref<1x128xi32, #tpu.memory_space<vmem>>
    %dma_start3A_67 = tpu.memref_squeeze %dma_start3A_66 : memref<1x128xi32, #tpu.memory_space<vmem>> -> memref<128xi32, #tpu.memory_space<vmem>>
    %dma_start3A_68 = arith.constant 0 : i32
    %dma_start3A_69 = tpu.memref_slice %arg4[%select_n3A, %dma_start3A_68] : memref<2500x128xi32, #tpu.memory_space<hbm>> -> memref<1x128xi32, #tpu.memory_space<hbm>>
    %dma_start3A_70 = tpu.memref_squeeze %dma_start3A_69 : memref<1x128xi32, #tpu.memory_space<hbm>> -> memref<128xi32, #tpu.memory_space<hbm>>
    %dma_start3A_71 = arith.constant 0 : i32
    %dma_start3A_72 = tpu.memref_slice %arg8[%dma_start3A_64, %dma_start3A_71] : memref<3x128xi32, #tpu.memory_space<vmem>> -> memref<1x128xi32, #tpu.memory_space<vmem>>
    %dma_start3A_73 = tpu.memref_squeeze %dma_start3A_72 : memref<1x128xi32, #tpu.memory_space<vmem>> -> memref<128xi32, #tpu.memory_space<vmem>>
    %dma_start3A_74 = arith.constant 0 : i32
    %dma_start3A_75 = tpu.memref_slice %arg4[%select_n3A, %dma_start3A_74] : memref<2500x128xi32, #tpu.memory_space<hbm>> -> memref<1x128xi32, #tpu.memory_space<hbm>>
    %dma_start3A_76 = tpu.memref_squeeze %dma_start3A_75 : memref<1x128xi32, #tpu.memory_space<hbm>> -> memref<128xi32, #tpu.memory_space<hbm>>
    tpu.enqueue_dma source(%dma_start3A_76 : memref<128xi32, #tpu.memory_space<hbm>>) target(%dma_start3A_73 : memref<128xi32, #tpu.memory_space<vmem>>) target_semaphore(%arg12 : memref<!tpu.dma_semaphore, #tpu.memory_space<semaphore_mem>>)
    %add3A_77 = arith.constant 1 : i32
    %add3A_78 = arith.addi %select_n3A, %add3A_77 : i32
    %dma_start3A_79 = arith.constant 1 : i32
    %dma_start3A_80 = arith.constant 0 : i32
    %dma_start3A_81 = tpu.memref_slice %arg7[%dma_start3A_79, %dma_start3A_80] : memref<3x128xi32, #tpu.memory_space<vmem>> -> memref<1x128xi32, #tpu.memory_space<vmem>>
    %dma_start3A_82 = tpu.memref_squeeze %dma_start3A_81 : memref<1x128xi32, #tpu.memory_space<vmem>> -> memref<128xi32, #tpu.memory_space<vmem>>
    %dma_start3A_83 = arith.constant 0 : i32
    %dma_start3A_84 = tpu.memref_slice %arg3[%add3A_78, %dma_start3A_83] : memref<2500x128xi32, #tpu.memory_space<hbm>> -> memref<1x128xi32, #tpu.memory_space<hbm>>
    %dma_start3A_85 = tpu.memref_squeeze %dma_start3A_84 : memref<1x128xi32, #tpu.memory_space<hbm>> -> memref<128xi32, #tpu.memory_space<hbm>>
    %dma_start3A_86 = arith.constant 0 : i32
    %dma_start3A_87 = tpu.memref_slice %arg7[%dma_start3A_79, %dma_start3A_86] : memref<3x128xi32, #tpu.memory_space<vmem>> -> memref<1x128xi32, #tpu.memory_space<vmem>>
    %dma_start3A_88 = tpu.memref_squeeze %dma_start3A_87 : memref<1x128xi32, #tpu.memory_space<vmem>> -> memref<128xi32, #tpu.memory_space<vmem>>
    %dma_start3A_89 = arith.constant 0 : i32
    %dma_start3A_90 = tpu.memref_slice %arg3[%add3A_78, %dma_start3A_89] : memref<2500x128xi32, #tpu.memory_space<hbm>> -> memref<1x128xi32, #tpu.memory_space<hbm>>
    %dma_start3A_91 = tpu.memref_squeeze %dma_start3A_90 : memref<1x128xi32, #tpu.memory_space<hbm>> -> memref<128xi32, #tpu.memory_space<hbm>>
    tpu.enqueue_dma source(%dma_start3A_91 : memref<128xi32, #tpu.memory_space<hbm>>) target(%dma_start3A_88 : memref<128xi32, #tpu.memory_space<vmem>>) target_semaphore(%arg13 : memref<!tpu.dma_semaphore, #tpu.memory_space<semaphore_mem>>)
    %dma_start3A_92 = arith.constant 1 : i32
    %dma_start3A_93 = arith.constant 0 : i32
    %dma_start3A_94 = tpu.memref_slice %arg8[%dma_start3A_92, %dma_start3A_93] : memref<3x128xi32, #tpu.memory_space<vmem>> -> memref<1x128xi32, #tpu.memory_space<vmem>>
    %dma_start3A_95 = tpu.memref_squeeze %dma_start3A_94 : memref<1x128xi32, #tpu.memory_space<vmem>> -> memref<128xi32, #tpu.memory_space<vmem>>
    %dma_start3A_96 = arith.constant 0 : i32
    %dma_start3A_97 = tpu.memref_slice %arg4[%add3A_78, %dma_start3A_96] : memref<2500x128xi32, #tpu.memory_space<hbm>> -> memref<1x128xi32, #tpu.memory_space<hbm>>
    %dma_start3A_98 = tpu.memref_squeeze %dma_start3A_97 : memref<1x128xi32, #tpu.memory_space<hbm>> -> memref<128xi32, #tpu.memory_space<hbm>>
    %dma_start3A_99 = arith.constant 0 : i32
    %dma_start3A_100 = tpu.memref_slice %arg8[%dma_start3A_92, %dma_start3A_99] : memref<3x128xi32, #tpu.memory_space<vmem>> -> memref<1x128xi32, #tpu.memory_space<vmem>>
    %dma_start3A_101 = tpu.memref_squeeze %dma_start3A_100 : memref<1x128xi32, #tpu.memory_space<vmem>> -> memref<128xi32, #tpu.memory_space<vmem>>
    %dma_start3A_102 = arith.constant 0 : i32
    %dma_start3A_103 = tpu.memref_slice %arg4[%add3A_78, %dma_start3A_102] : memref<2500x128xi32, #tpu.memory_space<hbm>> -> memref<1x128xi32, #tpu.memory_space<hbm>>
    %dma_start3A_104 = tpu.memref_squeeze %dma_start3A_103 : memref<1x128xi32, #tpu.memory_space<hbm>> -> memref<128xi32, #tpu.memory_space<hbm>>
    tpu.enqueue_dma source(%dma_start3A_104 : memref<128xi32, #tpu.memory_space<hbm>>) target(%dma_start3A_101 : memref<128xi32, #tpu.memory_space<vmem>>) target_semaphore(%arg13 : memref<!tpu.dma_semaphore, #tpu.memory_space<semaphore_mem>>)
    %add3A_105 = arith.constant 2 : i32
    %add3A_106 = arith.addi %select_n3A, %add3A_105 : i32
    %dma_start3A_107 = arith.constant 2 : i32
    %dma_start3A_108 = arith.constant 0 : i32
    %dma_start3A_109 = tpu.memref_slice %arg7[%dma_start3A_107, %dma_start3A_108] : memref<3x128xi32, #tpu.memory_space<vmem>> -> memref<1x128xi32, #tpu.memory_space<vmem>>
    %dma_start3A_110 = tpu.memref_squeeze %dma_start3A_109 : memref<1x128xi32, #tpu.memory_space<vmem>> -> memref<128xi32, #tpu.memory_space<vmem>>
    %dma_start3A_111 = arith.constant 0 : i32
    %dma_start3A_112 = tpu.memref_slice %arg3[%add3A_106, %dma_start3A_111] : memref<2500x128xi32, #tpu.memory_space<hbm>> -> memref<1x128xi32, #tpu.memory_space<hbm>>
    %dma_start3A_113 = tpu.memref_squeeze %dma_start3A_112 : memref<1x128xi32, #tpu.memory_space<hbm>> -> memref<128xi32, #tpu.memory_space<hbm>>
    %dma_start3A_114 = arith.constant 0 : i32
    %dma_start3A_115 = tpu.memref_slice %arg7[%dma_start3A_107, %dma_start3A_114] : memref<3x128xi32, #tpu.memory_space<vmem>> -> memref<1x128xi32, #tpu.memory_space<vmem>>
    %dma_start3A_116 = tpu.memref_squeeze %dma_start3A_115 : memref<1x128xi32, #tpu.memory_space<vmem>> -> memref<128xi32, #tpu.memory_space<vmem>>
    %dma_start3A_117 = arith.constant 0 : i32
    %dma_start3A_118 = tpu.memref_slice %arg3[%add3A_106, %dma_start3A_117] : memref<2500x128xi32, #tpu.memory_space<hbm>> -> memref<1x128xi32, #tpu.memory_space<hbm>>
    %dma_start3A_119 = tpu.memref_squeeze %dma_start3A_118 : memref<1x128xi32, #tpu.memory_space<hbm>> -> memref<128xi32, #tpu.memory_space<hbm>>
    tpu.enqueue_dma source(%dma_start3A_119 : memref<128xi32, #tpu.memory_space<hbm>>) target(%dma_start3A_116 : memref<128xi32, #tpu.memory_space<vmem>>) target_semaphore(%arg14 : memref<!tpu.dma_semaphore, #tpu.memory_space<semaphore_mem>>)
    %dma_start3A_120 = arith.constant 2 : i32
    %dma_start3A_121 = arith.constant 0 : i32
    %dma_start3A_122 = tpu.memref_slice %arg8[%dma_start3A_120, %dma_start3A_121] : memref<3x128xi32, #tpu.memory_space<vmem>> -> memref<1x128xi32, #tpu.memory_space<vmem>>
    %dma_start3A_123 = tpu.memref_squeeze %dma_start3A_122 : memref<1x128xi32, #tpu.memory_space<vmem>> -> memref<128xi32, #tpu.memory_space<vmem>>
    %dma_start3A_124 = arith.constant 0 : i32
    %dma_start3A_125 = tpu.memref_slice %arg4[%add3A_106, %dma_start3A_124] : memref<2500x128xi32, #tpu.memory_space<hbm>> -> memref<1x128xi32, #tpu.memory_space<hbm>>
    %dma_start3A_126 = tpu.memref_squeeze %dma_start3A_125 : memref<1x128xi32, #tpu.memory_space<hbm>> -> memref<128xi32, #tpu.memory_space<hbm>>
    %dma_start3A_127 = arith.constant 0 : i32
    %dma_start3A_128 = tpu.memref_slice %arg8[%dma_start3A_120, %dma_start3A_127] : memref<3x128xi32, #tpu.memory_space<vmem>> -> memref<1x128xi32, #tpu.memory_space<vmem>>
    %dma_start3A_129 = tpu.memref_squeeze %dma_start3A_128 : memref<1x128xi32, #tpu.memory_space<vmem>> -> memref<128xi32, #tpu.memory_space<vmem>>
    %dma_start3A_130 = arith.constant 0 : i32
    %dma_start3A_131 = tpu.memref_slice %arg4[%add3A_106, %dma_start3A_130] : memref<2500x128xi32, #tpu.memory_space<hbm>> -> memref<1x128xi32, #tpu.memory_space<hbm>>
    %dma_start3A_132 = tpu.memref_squeeze %dma_start3A_131 : memref<1x128xi32, #tpu.memory_space<hbm>> -> memref<128xi32, #tpu.memory_space<hbm>>
    tpu.enqueue_dma source(%dma_start3A_132 : memref<128xi32, #tpu.memory_space<hbm>>) target(%dma_start3A_129 : memref<128xi32, #tpu.memory_space<vmem>>) target_semaphore(%arg14 : memref<!tpu.dma_semaphore, #tpu.memory_space<semaphore_mem>>)
    %scan3A = arith.constant 0 : i32
    %scan3A_133 = arith.constant 26 : i32
    %scan3A_134 = arith.addi %scan3A, %scan3A_133 : i32
    %scan3A_135 = arith.constant 1 : i32
    scf.for %scan3A_144 = %scan3A to %scan3A_134 step %scan3A_135  : i32 {
      %mul3A_145 = arith.constant 1 : i32
      %mul3A_146 = arith.muli %scan3A_144, %mul3A_145 : i32
      %add3A_147 = arith.constant 0 : i32
      %add3A_148 = arith.addi %add3A_147, %mul3A_146 : i32
      %mul3A_149 = arith.constant 3 : i32
      %mul3A_150 = arith.muli %mul3A_149, %add3A_148 : i32
      %add3A_151 = arith.addi %select_n3A, %mul3A_150 : i32
      %dma_wait3A = arith.constant 0 : i32
      %dma_wait3A_152 = arith.constant 0 : i32
      %dma_wait3A_153 = tpu.memref_slice %arg7[%dma_wait3A, %dma_wait3A_152] : memref<3x128xi32, #tpu.memory_space<vmem>> -> memref<1x128xi32, #tpu.memory_space<vmem>>
      %dma_wait3A_154 = tpu.memref_squeeze %dma_wait3A_153 : memref<1x128xi32, #tpu.memory_space<vmem>> -> memref<128xi32, #tpu.memory_space<vmem>>
      %dma_wait3A_155 = arith.constant 0 : i32
      %dma_wait3A_156 = tpu.memref_slice %arg3[%add3A_151, %dma_wait3A_155] : memref<2500x128xi32, #tpu.memory_space<hbm>> -> memref<1x128xi32, #tpu.memory_space<hbm>>
      %dma_wait3A_157 = tpu.memref_squeeze %dma_wait3A_156 : memref<1x128xi32, #tpu.memory_space<hbm>> -> memref<128xi32, #tpu.memory_space<hbm>>
      %dma_wait3A_158 = arith.constant 0 : i32
      %dma_wait3A_159 = tpu.memref_slice %arg7[%dma_wait3A, %dma_wait3A_158] : memref<3x128xi32, #tpu.memory_space<vmem>> -> memref<1x128xi32, #tpu.memory_space<vmem>>
      %dma_wait3A_160 = tpu.memref_squeeze %dma_wait3A_159 : memref<1x128xi32, #tpu.memory_space<vmem>> -> memref<128xi32, #tpu.memory_space<vmem>>
      %dma_wait3A_161 = arith.constant 0 : i32
      %dma_wait3A_162 = tpu.memref_slice %arg3[%add3A_151, %dma_wait3A_161] : memref<2500x128xi32, #tpu.memory_space<hbm>> -> memref<1x128xi32, #tpu.memory_space<hbm>>
      %dma_wait3A_163 = tpu.memref_squeeze %dma_wait3A_162 : memref<1x128xi32, #tpu.memory_space<hbm>> -> memref<128xi32, #tpu.memory_space<hbm>>
      tpu.wait_dma2 semaphore(%arg12 : memref<!tpu.dma_semaphore, #tpu.memory_space<semaphore_mem>>) src(%dma_wait3A_163 : memref<128xi32, #tpu.memory_space<hbm>>) dst(%dma_wait3A_160 : memref<128xi32, #tpu.memory_space<vmem>>)
      %dma_wait3A_164 = arith.constant 0 : i32
      %dma_wait3A_165 = arith.constant 0 : i32
      %dma_wait3A_166 = tpu.memref_slice %arg8[%dma_wait3A_164, %dma_wait3A_165] : memref<3x128xi32, #tpu.memory_space<vmem>> -> memref<1x128xi32, #tpu.memory_space<vmem>>
      %dma_wait3A_167 = tpu.memref_squeeze %dma_wait3A_166 : memref<1x128xi32, #tpu.memory_space<vmem>> -> memref<128xi32, #tpu.memory_space<vmem>>
      %dma_wait3A_168 = arith.constant 0 : i32
      %dma_wait3A_169 = tpu.memref_slice %arg4[%add3A_151, %dma_wait3A_168] : memref<2500x128xi32, #tpu.memory_space<hbm>> -> memref<1x128xi32, #tpu.memory_space<hbm>>
      %dma_wait3A_170 = tpu.memref_squeeze %dma_wait3A_169 : memref<1x128xi32, #tpu.memory_space<hbm>> -> memref<128xi32, #tpu.memory_space<hbm>>
      %dma_wait3A_171 = arith.constant 0 : i32
      %dma_wait3A_172 = tpu.memref_slice %arg8[%dma_wait3A_164, %dma_wait3A_171] : memref<3x128xi32, #tpu.memory_space<vmem>> -> memref<1x128xi32, #tpu.memory_space<vmem>>
      %dma_wait3A_173 = tpu.memref_squeeze %dma_wait3A_172 : memref<1x128xi32, #tpu.memory_space<vmem>> -> memref<128xi32, #tpu.memory_space<vmem>>
      %dma_wait3A_174 = arith.constant 0 : i32
      %dma_wait3A_175 = tpu.memref_slice %arg4[%add3A_151, %dma_wait3A_174] : memref<2500x128xi32, #tpu.memory_space<hbm>> -> memref<1x128xi32, #tpu.memory_space<hbm>>
      %dma_wait3A_176 = tpu.memref_squeeze %dma_wait3A_175 : memref<1x128xi32, #tpu.memory_space<hbm>> -> memref<128xi32, #tpu.memory_space<hbm>>
      tpu.wait_dma2 semaphore(%arg12 : memref<!tpu.dma_semaphore, #tpu.memory_space<semaphore_mem>>) src(%dma_wait3A_176 : memref<128xi32, #tpu.memory_space<hbm>>) dst(%dma_wait3A_173 : memref<128xi32, #tpu.memory_space<vmem>>)
      %dma_start3A_177 = arith.constant 0 : i32
      %dma_start3A_178 = arith.constant 0 : i32
      %dma_start3A_179 = tpu.memref_slice %arg7[%dma_start3A_177, %dma_start3A_178] : memref<3x128xi32, #tpu.memory_space<vmem>> -> memref<1x128xi32, #tpu.memory_space<vmem>>
      %dma_start3A_180 = tpu.memref_squeeze %dma_start3A_179 : memref<1x128xi32, #tpu.memory_space<vmem>> -> memref<128xi32, #tpu.memory_space<vmem>>
      %dma_start3A_181 = arith.constant 0 : i32
      %dma_start3A_182 = arith.constant 0 : i32
      %dma_start3A_183 = tpu.memref_slice %arg2[%dma_start3A_181, %dma_start3A_182] : memref<10000x64xf32, #tpu.memory_space<hbm>> -> memref<10000x64xf32, #tpu.memory_space<hbm>>
      tpu.enqueue_indirect_dma source(%dma_start3A_183 : memref<10000x64xf32, #tpu.memory_space<hbm>>) target(%arg9 : memref<128x64xf32, #tpu.memory_space<vmem>>) offsets(%dma_start3A_180 : memref<128xi32, #tpu.memory_space<vmem>>) semaphore(%arg15 : memref<!tpu.dma_semaphore, #tpu.memory_space<semaphore_mem>>)
      %add3A_184 = arith.constant 1 : i32
      %add3A_185 = arith.addi %add3A_151, %add3A_184 : i32
      %dma_wait3A_186 = arith.constant 1 : i32
      %dma_wait3A_187 = arith.constant 0 : i32
      %dma_wait3A_188 = tpu.memref_slice %arg7[%dma_wait3A_186, %dma_wait3A_187] : memref<3x128xi32, #tpu.memory_space<vmem>> -> memref<1x128xi32, #tpu.memory_space<vmem>>
      %dma_wait3A_189 = tpu.memref_squeeze %dma_wait3A_188 : memref<1x128xi32, #tpu.memory_space<vmem>> -> memref<128xi32, #tpu.memory_space<vmem>>
      %dma_wait3A_190 = arith.constant 0 : i32
      %dma_wait3A_191 = tpu.memref_slice %arg3[%add3A_185, %dma_wait3A_190] : memref<2500x128xi32, #tpu.memory_space<hbm>> -> memref<1x128xi32, #tpu.memory_space<hbm>>
      %dma_wait3A_192 = tpu.memref_squeeze %dma_wait3A_191 : memref<1x128xi32, #tpu.memory_space<hbm>> -> memref<128xi32, #tpu.memory_space<hbm>>
      %dma_wait3A_193 = arith.constant 0 : i32
      %dma_wait3A_194 = tpu.memref_slice %arg7[%dma_wait3A_186, %dma_wait3A_193] : memref<3x128xi32, #tpu.memory_space<vmem>> -> memref<1x128xi32, #tpu.memory_space<vmem>>
      %dma_wait3A_195 = tpu.memref_squeeze %dma_wait3A_194 : memref<1x128xi32, #tpu.memory_space<vmem>> -> memref<128xi32, #tpu.memory_space<vmem>>
      %dma_wait3A_196 = arith.constant 0 : i32
      %dma_wait3A_197 = tpu.memref_slice %arg3[%add3A_185, %dma_wait3A_196] : memref<2500x128xi32, #tpu.memory_space<hbm>> -> memref<1x128xi32, #tpu.memory_space<hbm>>
      %dma_wait3A_198 = tpu.memref_squeeze %dma_wait3A_197 : memref<1x128xi32, #tpu.memory_space<hbm>> -> memref<128xi32, #tpu.memory_space<hbm>>
      tpu.wait_dma2 semaphore(%arg13 : memref<!tpu.dma_semaphore, #tpu.memory_space<semaphore_mem>>) src(%dma_wait3A_198 : memref<128xi32, #tpu.memory_space<hbm>>) dst(%dma_wait3A_195 : memref<128xi32, #tpu.memory_space<vmem>>)
      %dma_wait3A_199 = arith.constant 1 : i32
      %dma_wait3A_200 = arith.constant 0 : i32
      %dma_wait3A_201 = tpu.memref_slice %arg8[%dma_wait3A_199, %dma_wait3A_200] : memref<3x128xi32, #tpu.memory_space<vmem>> -> memref<1x128xi32, #tpu.memory_space<vmem>>
      %dma_wait3A_202 = tpu.memref_squeeze %dma_wait3A_201 : memref<1x128xi32, #tpu.memory_space<vmem>> -> memref<128xi32, #tpu.memory_space<vmem>>
      %dma_wait3A_203 = arith.constant 0 : i32
      %dma_wait3A_204 = tpu.memref_slice %arg4[%add3A_185, %dma_wait3A_203] : memref<2500x128xi32, #tpu.memory_space<hbm>> -> memref<1x128xi32, #tpu.memory_space<hbm>>
      %dma_wait3A_205 = tpu.memref_squeeze %dma_wait3A_204 : memref<1x128xi32, #tpu.memory_space<hbm>> -> memref<128xi32, #tpu.memory_space<hbm>>
      %dma_wait3A_206 = arith.constant 0 : i32
      %dma_wait3A_207 = tpu.memref_slice %arg8[%dma_wait3A_199, %dma_wait3A_206] : memref<3x128xi32, #tpu.memory_space<vmem>> -> memref<1x128xi32, #tpu.memory_space<vmem>>
      %dma_wait3A_208 = tpu.memref_squeeze %dma_wait3A_207 : memref<1x128xi32, #tpu.memory_space<vmem>> -> memref<128xi32, #tpu.memory_space<vmem>>
      %dma_wait3A_209 = arith.constant 0 : i32
      %dma_wait3A_210 = tpu.memref_slice %arg4[%add3A_185, %dma_wait3A_209] : memref<2500x128xi32, #tpu.memory_space<hbm>> -> memref<1x128xi32, #tpu.memory_space<hbm>>
      %dma_wait3A_211 = tpu.memref_squeeze %dma_wait3A_210 : memref<1x128xi32, #tpu.memory_space<hbm>> -> memref<128xi32, #tpu.memory_space<hbm>>
      tpu.wait_dma2 semaphore(%arg13 : memref<!tpu.dma_semaphore, #tpu.memory_space<semaphore_mem>>) src(%dma_wait3A_211 : memref<128xi32, #tpu.memory_space<hbm>>) dst(%dma_wait3A_208 : memref<128xi32, #tpu.memory_space<vmem>>)
      %dma_start3A_212 = arith.constant 1 : i32
      %dma_start3A_213 = arith.constant 0 : i32
      %dma_start3A_214 = tpu.memref_slice %arg7[%dma_start3A_212, %dma_start3A_213] : memref<3x128xi32, #tpu.memory_space<vmem>> -> memref<1x128xi32, #tpu.memory_space<vmem>>
      %dma_start3A_215 = tpu.memref_squeeze %dma_start3A_214 : memref<1x128xi32, #tpu.memory_space<vmem>> -> memref<128xi32, #tpu.memory_space<vmem>>
      %dma_start3A_216 = arith.constant 0 : i32
      %dma_start3A_217 = arith.constant 0 : i32
      %dma_start3A_218 = tpu.memref_slice %arg2[%dma_start3A_216, %dma_start3A_217] : memref<10000x64xf32, #tpu.memory_space<hbm>> -> memref<10000x64xf32, #tpu.memory_space<hbm>>
      tpu.enqueue_indirect_dma source(%dma_start3A_218 : memref<10000x64xf32, #tpu.memory_space<hbm>>) target(%arg10 : memref<128x64xf32, #tpu.memory_space<vmem>>) offsets(%dma_start3A_215 : memref<128xi32, #tpu.memory_space<vmem>>) semaphore(%arg16 : memref<!tpu.dma_semaphore, #tpu.memory_space<semaphore_mem>>)
      %add3A_219 = arith.constant 2 : i32
      %add3A_220 = arith.addi %add3A_151, %add3A_219 : i32
      %dma_wait3A_221 = arith.constant 2 : i32
      %dma_wait3A_222 = arith.constant 0 : i32
      %dma_wait3A_223 = tpu.memref_slice %arg7[%dma_wait3A_221, %dma_wait3A_222] : memref<3x128xi32, #tpu.memory_space<vmem>> -> memref<1x128xi32, #tpu.memory_space<vmem>>
      %dma_wait3A_224 = tpu.memref_squeeze %dma_wait3A_223 : memref<1x128xi32, #tpu.memory_space<vmem>> -> memref<128xi32, #tpu.memory_space<vmem>>
      %dma_wait3A_225 = arith.constant 0 : i32
      %dma_wait3A_226 = tpu.memref_slice %arg3[%add3A_220, %dma_wait3A_225] : memref<2500x128xi32, #tpu.memory_space<hbm>> -> memref<1x128xi32, #tpu.memory_space<hbm>>
      %dma_wait3A_227 = tpu.memref_squeeze %dma_wait3A_226 : memref<1x128xi32, #tpu.memory_space<hbm>> -> memref<128xi32, #tpu.memory_space<hbm>>
      %dma_wait3A_228 = arith.constant 0 : i32
      %dma_wait3A_229 = tpu.memref_slice %arg7[%dma_wait3A_221, %dma_wait3A_228] : memref<3x128xi32, #tpu.memory_space<vmem>> -> memref<1x128xi32, #tpu.memory_space<vmem>>
      %dma_wait3A_230 = tpu.memref_squeeze %dma_wait3A_229 : memref<1x128xi32, #tpu.memory_space<vmem>> -> memref<128xi32, #tpu.memory_space<vmem>>
      %dma_wait3A_231 = arith.constant 0 : i32
      %dma_wait3A_232 = tpu.memref_slice %arg3[%add3A_220, %dma_wait3A_231] : memref<2500x128xi32, #tpu.memory_space<hbm>> -> memref<1x128xi32, #tpu.memory_space<hbm>>
      %dma_wait3A_233 = tpu.memref_squeeze %dma_wait3A_232 : memref<1x128xi32, #tpu.memory_space<hbm>> -> memref<128xi32, #tpu.memory_space<hbm>>
      tpu.wait_dma2 semaphore(%arg14 : memref<!tpu.dma_semaphore, #tpu.memory_space<semaphore_mem>>) src(%dma_wait3A_233 : memref<128xi32, #tpu.memory_space<hbm>>) dst(%dma_wait3A_230 : memref<128xi32, #tpu.memory_space<vmem>>)
      %dma_wait3A_234 = arith.constant 2 : i32
      %dma_wait3A_235 = arith.constant 0 : i32
      %dma_wait3A_236 = tpu.memref_slice %arg8[%dma_wait3A_234, %dma_wait3A_235] : memref<3x128xi32, #tpu.memory_space<vmem>> -> memref<1x128xi32, #tpu.memory_space<vmem>>
      %dma_wait3A_237 = tpu.memref_squeeze %dma_wait3A_236 : memref<1x128xi32, #tpu.memory_space<vmem>> -> memref<128xi32, #tpu.memory_space<vmem>>
      %dma_wait3A_238 = arith.constant 0 : i32
      %dma_wait3A_239 = tpu.memref_slice %arg4[%add3A_220, %dma_wait3A_238] : memref<2500x128xi32, #tpu.memory_space<hbm>> -> memref<1x128xi32, #tpu.memory_space<hbm>>
      %dma_wait3A_240 = tpu.memref_squeeze %dma_wait3A_239 : memref<1x128xi32, #tpu.memory_space<hbm>> -> memref<128xi32, #tpu.memory_space<hbm>>
      %dma_wait3A_241 = arith.constant 0 : i32
      %dma_wait3A_242 = tpu.memref_slice %arg8[%dma_wait3A_234, %dma_wait3A_241] : memref<3x128xi32, #tpu.memory_space<vmem>> -> memref<1x128xi32, #tpu.memory_space<vmem>>
      %dma_wait3A_243 = tpu.memref_squeeze %dma_wait3A_242 : memref<1x128xi32, #tpu.memory_space<vmem>> -> memref<128xi32, #tpu.memory_space<vmem>>
      %dma_wait3A_244 = arith.constant 0 : i32
      %dma_wait3A_245 = tpu.memref_slice %arg4[%add3A_220, %dma_wait3A_244] : memref<2500x128xi32, #tpu.memory_space<hbm>> -> memref<1x128xi32, #tpu.memory_space<hbm>>
      %dma_wait3A_246 = tpu.memref_squeeze %dma_wait3A_245 : memref<1x128xi32, #tpu.memory_space<hbm>> -> memref<128xi32, #tpu.memory_space<hbm>>
      tpu.wait_dma2 semaphore(%arg14 : memref<!tpu.dma_semaphore, #tpu.memory_space<semaphore_mem>>) src(%dma_wait3A_246 : memref<128xi32, #tpu.memory_space<hbm>>) dst(%dma_wait3A_243 : memref<128xi32, #tpu.memory_space<vmem>>)
      %dma_start3A_247 = arith.constant 2 : i32
      %dma_start3A_248 = arith.constant 0 : i32
      %dma_start3A_249 = tpu.memref_slice %arg7[%dma_start3A_247, %dma_start3A_248] : memref<3x128xi32, #tpu.memory_space<vmem>> -> memref<1x128xi32, #tpu.memory_space<vmem>>
      %dma_start3A_250 = tpu.memref_squeeze %dma_start3A_249 : memref<1x128xi32, #tpu.memory_space<vmem>> -> memref<128xi32, #tpu.memory_space<vmem>>
      %dma_start3A_251 = arith.constant 0 : i32
      %dma_start3A_252 = arith.constant 0 : i32
      %dma_start3A_253 = tpu.memref_slice %arg2[%dma_start3A_251, %dma_start3A_252] : memref<10000x64xf32, #tpu.memory_space<hbm>> -> memref<10000x64xf32, #tpu.memory_space<hbm>>
      tpu.enqueue_indirect_dma source(%dma_start3A_253 : memref<10000x64xf32, #tpu.memory_space<hbm>>) target(%arg11 : memref<128x64xf32, #tpu.memory_space<vmem>>) offsets(%dma_start3A_250 : memref<128xi32, #tpu.memory_space<vmem>>) semaphore(%arg17 : memref<!tpu.dma_semaphore, #tpu.memory_space<semaphore_mem>>)
      %dma_wait3A_254 = arith.constant 0 : i32
      %dma_wait3A_255 = arith.constant 0 : i32
      %dma_wait3A_256 = tpu.memref_slice %arg7[%dma_wait3A_254, %dma_wait3A_255] : memref<3x128xi32, #tpu.memory_space<vmem>> -> memref<1x128xi32, #tpu.memory_space<vmem>>
      %dma_wait3A_257 = tpu.memref_squeeze %dma_wait3A_256 : memref<1x128xi32, #tpu.memory_space<vmem>> -> memref<128xi32, #tpu.memory_space<vmem>>
      %dma_wait3A_258 = arith.constant 0 : i32
      %dma_wait3A_259 = arith.constant 0 : i32
      %dma_wait3A_260 = tpu.memref_slice %arg2[%dma_wait3A_258, %dma_wait3A_259] : memref<10000x64xf32, #tpu.memory_space<hbm>> -> memref<10000x64xf32, #tpu.memory_space<hbm>>
      tpu.wait_indirect_dma semaphore(%arg15 : memref<!tpu.dma_semaphore, #tpu.memory_space<semaphore_mem>>) src(%dma_wait3A_260 : memref<10000x64xf32, #tpu.memory_space<hbm>>) dst(%arg9 : memref<128x64xf32, #tpu.memory_space<vmem>>)
      %dma_start3A_261 = arith.constant 0 : i32
      %dma_start3A_262 = arith.constant 0 : i32
      %dma_start3A_263 = tpu.memref_slice %arg8[%dma_start3A_261, %dma_start3A_262] : memref<3x128xi32, #tpu.memory_space<vmem>> -> memref<1x128xi32, #tpu.memory_space<vmem>>
      %dma_start3A_264 = tpu.memref_squeeze %dma_start3A_263 : memref<1x128xi32, #tpu.memory_space<vmem>> -> memref<128xi32, #tpu.memory_space<vmem>>
      %dma_start3A_265 = arith.constant 0 : i32
      %dma_start3A_266 = arith.constant 0 : i32
      %dma_start3A_267 = tpu.memref_slice %arg19[%dma_start3A_265, %dma_start3A_266] : memref<10000x64xf32, #tpu.memory_space<vmem_shared>> -> memref<10000x64xf32, #tpu.memory_space<vmem_shared>>
      tpu.enqueue_indirect_dma source(%arg9 : memref<128x64xf32, #tpu.memory_space<vmem>>) target(%dma_start3A_267 : memref<10000x64xf32, #tpu.memory_space<vmem_shared>>) offsets(%dma_start3A_264 : memref<128xi32, #tpu.memory_space<vmem>>) semaphore(%arg18 : memref<!tpu.dma_semaphore, #tpu.memory_space<semaphore_mem>>) {add = true}
      %dma_wait3A_268 = arith.constant 1 : i32
      %dma_wait3A_269 = arith.constant 0 : i32
      %dma_wait3A_270 = tpu.memref_slice %arg7[%dma_wait3A_268, %dma_wait3A_269] : memref<3x128xi32, #tpu.memory_space<vmem>> -> memref<1x128xi32, #tpu.memory_space<vmem>>
      %dma_wait3A_271 = tpu.memref_squeeze %dma_wait3A_270 : memref<1x128xi32, #tpu.memory_space<vmem>> -> memref<128xi32, #tpu.memory_space<vmem>>
      %dma_wait3A_272 = arith.constant 0 : i32
      %dma_wait3A_273 = arith.constant 0 : i32
      %dma_wait3A_274 = tpu.memref_slice %arg2[%dma_wait3A_272, %dma_wait3A_273] : memref<10000x64xf32, #tpu.memory_space<hbm>> -> memref<10000x64xf32, #tpu.memory_space<hbm>>
      tpu.wait_indirect_dma semaphore(%arg16 : memref<!tpu.dma_semaphore, #tpu.memory_space<semaphore_mem>>) src(%dma_wait3A_274 : memref<10000x64xf32, #tpu.memory_space<hbm>>) dst(%arg10 : memref<128x64xf32, #tpu.memory_space<vmem>>)
      %dma_wait3A_275 = arith.constant 0 : i32
      %dma_wait3A_276 = arith.constant 0 : i32
      %dma_wait3A_277 = tpu.memref_slice %arg8[%dma_wait3A_275, %dma_wait3A_276] : memref<3x128xi32, #tpu.memory_space<vmem>> -> memref<1x128xi32, #tpu.memory_space<vmem>>
      %dma_wait3A_278 = tpu.memref_squeeze %dma_wait3A_277 : memref<1x128xi32, #tpu.memory_space<vmem>> -> memref<128xi32, #tpu.memory_space<vmem>>
      %dma_wait3A_279 = arith.constant 0 : i32
      %dma_wait3A_280 = arith.constant 0 : i32
      %dma_wait3A_281 = tpu.memref_slice %arg19[%dma_wait3A_279, %dma_wait3A_280] : memref<10000x64xf32, #tpu.memory_space<vmem_shared>> -> memref<10000x64xf32, #tpu.memory_space<vmem_shared>>
      tpu.wait_indirect_dma semaphore(%arg18 : memref<!tpu.dma_semaphore, #tpu.memory_space<semaphore_mem>>) src(%arg9 : memref<128x64xf32, #tpu.memory_space<vmem>>) dst(%dma_wait3A_281 : memref<10000x64xf32, #tpu.memory_space<vmem_shared>>)
      %mul3A_282 = arith.constant 3 : i32
      %mul3A_283 = arith.muli %mul3A_282, %add3A_148 : i32
      %add3A_284 = arith.constant 3 : i32
      %add3A_285 = arith.addi %mul3A_283, %add3A_284 : i32
      %lt3A = arith.cmpi slt, %add3A_285, %sub3A_47 : i32
      %convert_element_type3A_286 = arith.extui %lt3A : i1 to i32
      %cond3A_287 = arith.constant 0 : i32
      %cond3A_288 = arith.cmpi ne, %convert_element_type3A_286, %cond3A_287 : i32
      scf.if %cond3A_288 {
        %add3A_340 = arith.constant 3 : i32
        %add3A_341 = arith.addi %add3A_151, %add3A_340 : i32
        %dma_start3A_342 = arith.constant 0 : i32
        %dma_start3A_343 = arith.constant 0 : i32
        %dma_start3A_344 = tpu.memref_slice %arg7[%dma_start3A_342, %dma_start3A_343] : memref<3x128xi32, #tpu.memory_space<vmem>> -> memref<1x128xi32, #tpu.memory_space<vmem>>
        %dma_start3A_345 = tpu.memref_squeeze %dma_start3A_344 : memref<1x128xi32, #tpu.memory_space<vmem>> -> memref<128xi32, #tpu.memory_space<vmem>>
        %dma_start3A_346 = arith.constant 0 : i32
        %dma_start3A_347 = tpu.memref_slice %arg3[%add3A_341, %dma_start3A_346] : memref<2500x128xi32, #tpu.memory_space<hbm>> -> memref<1x128xi32, #tpu.memory_space<hbm>>
        %dma_start3A_348 = tpu.memref_squeeze %dma_start3A_347 : memref<1x128xi32, #tpu.memory_space<hbm>> -> memref<128xi32, #tpu.memory_space<hbm>>
        %dma_start3A_349 = arith.constant 0 : i32
        %dma_start3A_350 = tpu.memref_slice %arg7[%dma_start3A_342, %dma_start3A_349] : memref<3x128xi32, #tpu.memory_space<vmem>> -> memref<1x128xi32, #tpu.memory_space<vmem>>
        %dma_start3A_351 = tpu.memref_squeeze %dma_start3A_350 : memref<1x128xi32, #tpu.memory_space<vmem>> -> memref<128xi32, #tpu.memory_space<vmem>>
        %dma_start3A_352 = arith.constant 0 : i32
        %dma_start3A_353 = tpu.memref_slice %arg3[%add3A_341, %dma_start3A_352] : memref<2500x128xi32, #tpu.memory_space<hbm>> -> memref<1x128xi32, #tpu.memory_space<hbm>>
        %dma_start3A_354 = tpu.memref_squeeze %dma_start3A_353 : memref<1x128xi32, #tpu.memory_space<hbm>> -> memref<128xi32, #tpu.memory_space<hbm>>
        tpu.enqueue_dma source(%dma_start3A_354 : memref<128xi32, #tpu.memory_space<hbm>>) target(%dma_start3A_351 : memref<128xi32, #tpu.memory_space<vmem>>) target_semaphore(%arg12 : memref<!tpu.dma_semaphore, #tpu.memory_space<semaphore_mem>>)
        %dma_start3A_355 = arith.constant 0 : i32
        %dma_start3A_356 = arith.constant 0 : i32
        %dma_start3A_357 = tpu.memref_slice %arg8[%dma_start3A_355, %dma_start3A_356] : memref<3x128xi32, #tpu.memory_space<vmem>> -> memref<1x128xi32, #tpu.memory_space<vmem>>
        %dma_start3A_358 = tpu.memref_squeeze %dma_start3A_357 : memref<1x128xi32, #tpu.memory_space<vmem>> -> memref<128xi32, #tpu.memory_space<vmem>>
        %dma_start3A_359 = arith.constant 0 : i32
        %dma_start3A_360 = tpu.memref_slice %arg4[%add3A_341, %dma_start3A_359] : memref<2500x128xi32, #tpu.memory_space<hbm>> -> memref<1x128xi32, #tpu.memory_space<hbm>>
        %dma_start3A_361 = tpu.memref_squeeze %dma_start3A_360 : memref<1x128xi32, #tpu.memory_space<hbm>> -> memref<128xi32, #tpu.memory_space<hbm>>
        %dma_start3A_362 = arith.constant 0 : i32
        %dma_start3A_363 = tpu.memref_slice %arg8[%dma_start3A_355, %dma_start3A_362] : memref<3x128xi32, #tpu.memory_space<vmem>> -> memref<1x128xi32, #tpu.memory_space<vmem>>
        %dma_start3A_364 = tpu.memref_squeeze %dma_start3A_363 : memref<1x128xi32, #tpu.memory_space<vmem>> -> memref<128xi32, #tpu.memory_space<vmem>>
        %dma_start3A_365 = arith.constant 0 : i32
        %dma_start3A_366 = tpu.memref_slice %arg4[%add3A_341, %dma_start3A_365] : memref<2500x128xi32, #tpu.memory_space<hbm>> -> memref<1x128xi32, #tpu.memory_space<hbm>>
        %dma_start3A_367 = tpu.memref_squeeze %dma_start3A_366 : memref<1x128xi32, #tpu.memory_space<hbm>> -> memref<128xi32, #tpu.memory_space<hbm>>
        tpu.enqueue_dma source(%dma_start3A_367 : memref<128xi32, #tpu.memory_space<hbm>>) target(%dma_start3A_364 : memref<128xi32, #tpu.memory_space<vmem>>) target_semaphore(%arg12 : memref<!tpu.dma_semaphore, #tpu.memory_space<semaphore_mem>>)
      } else {
      }
      %dma_start3A_289 = arith.constant 1 : i32
      %dma_start3A_290 = arith.constant 0 : i32
      %dma_start3A_291 = tpu.memref_slice %arg8[%dma_start3A_289, %dma_start3A_290] : memref<3x128xi32, #tpu.memory_space<vmem>> -> memref<1x128xi32, #tpu.memory_space<vmem>>
      %dma_start3A_292 = tpu.memref_squeeze %dma_start3A_291 : memref<1x128xi32, #tpu.memory_space<vmem>> -> memref<128xi32, #tpu.memory_space<vmem>>
      %dma_start3A_293 = arith.constant 0 : i32
      %dma_start3A_294 = arith.constant 0 : i32
      %dma_start3A_295 = tpu.memref_slice %arg19[%dma_start3A_293, %dma_start3A_294] : memref<10000x64xf32, #tpu.memory_space<vmem_shared>> -> memref<10000x64xf32, #tpu.memory_space<vmem_shared>>
      tpu.enqueue_indirect_dma source(%arg10 : memref<128x64xf32, #tpu.memory_space<vmem>>) target(%dma_start3A_295 : memref<10000x64xf32, #tpu.memory_space<vmem_shared>>) offsets(%dma_start3A_292 : memref<128xi32, #tpu.memory_space<vmem>>) semaphore(%arg18 : memref<!tpu.dma_semaphore, #tpu.memory_space<semaphore_mem>>) {add = true}
      %dma_wait3A_296 = arith.constant 2 : i32
      %dma_wait3A_297 = arith.constant 0 : i32
      %dma_wait3A_298 = tpu.memref_slice %arg7[%dma_wait3A_296, %dma_wait3A_297] : memref<3x128xi32, #tpu.memory_space<vmem>> -> memref<1x128xi32, #tpu.memory_space<vmem>>
      %dma_wait3A_299 = tpu.memref_squeeze %dma_wait3A_298 : memref<1x128xi32, #tpu.memory_space<vmem>> -> memref<128xi32, #tpu.memory_space<vmem>>
      %dma_wait3A_300 = arith.constant 0 : i32
      %dma_wait3A_301 = arith.constant 0 : i32
      %dma_wait3A_302 = tpu.memref_slice %arg2[%dma_wait3A_300, %dma_wait3A_301] : memref<10000x64xf32, #tpu.memory_space<hbm>> -> memref<10000x64xf32, #tpu.memory_space<hbm>>
      tpu.wait_indirect_dma semaphore(%arg17 : memref<!tpu.dma_semaphore, #tpu.memory_space<semaphore_mem>>) src(%dma_wait3A_302 : memref<10000x64xf32, #tpu.memory_space<hbm>>) dst(%arg11 : memref<128x64xf32, #tpu.memory_space<vmem>>)
      %dma_wait3A_303 = arith.constant 1 : i32
      %dma_wait3A_304 = arith.constant 0 : i32
      %dma_wait3A_305 = tpu.memref_slice %arg8[%dma_wait3A_303, %dma_wait3A_304] : memref<3x128xi32, #tpu.memory_space<vmem>> -> memref<1x128xi32, #tpu.memory_space<vmem>>
      %dma_wait3A_306 = tpu.memref_squeeze %dma_wait3A_305 : memref<1x128xi32, #tpu.memory_space<vmem>> -> memref<128xi32, #tpu.memory_space<vmem>>
      %dma_wait3A_307 = arith.constant 0 : i32
      %dma_wait3A_308 = arith.constant 0 : i32
      %dma_wait3A_309 = tpu.memref_slice %arg19[%dma_wait3A_307, %dma_wait3A_308] : memref<10000x64xf32, #tpu.memory_space<vmem_shared>> -> memref<10000x64xf32, #tpu.memory_space<vmem_shared>>
      tpu.wait_indirect_dma semaphore(%arg18 : memref<!tpu.dma_semaphore, #tpu.memory_space<semaphore_mem>>) src(%arg10 : memref<128x64xf32, #tpu.memory_space<vmem>>) dst(%dma_wait3A_309 : memref<10000x64xf32, #tpu.memory_space<vmem_shared>>)
      %mul3A_310 = arith.constant 3 : i32
      %mul3A_311 = arith.muli %mul3A_310, %add3A_148 : i32
      %add3A_312 = arith.constant 4 : i32
      %add3A_313 = arith.addi %mul3A_311, %add3A_312 : i32
      %lt3A_314 = arith.cmpi slt, %add3A_313, %sub3A_47 : i32
      %convert_element_type3A_315 = arith.extui %lt3A_314 : i1 to i32
      %cond3A_316 = arith.constant 0 : i32
      %cond3A_317 = arith.cmpi ne, %convert_element_type3A_315, %cond3A_316 : i32
      scf.if %cond3A_317 {
        %add3A_340 = arith.constant 4 : i32
        %add3A_341 = arith.addi %add3A_151, %add3A_340 : i32
        %dma_start3A_342 = arith.constant 1 : i32
        %dma_start3A_343 = arith.constant 0 : i32
        %dma_start3A_344 = tpu.memref_slice %arg7[%dma_start3A_342, %dma_start3A_343] : memref<3x128xi32, #tpu.memory_space<vmem>> -> memref<1x128xi32, #tpu.memory_space<vmem>>
        %dma_start3A_345 = tpu.memref_squeeze %dma_start3A_344 : memref<1x128xi32, #tpu.memory_space<vmem>> -> memref<128xi32, #tpu.memory_space<vmem>>
        %dma_start3A_346 = arith.constant 0 : i32
        %dma_start3A_347 = tpu.memref_slice %arg3[%add3A_341, %dma_start3A_346] : memref<2500x128xi32, #tpu.memory_space<hbm>> -> memref<1x128xi32, #tpu.memory_space<hbm>>
        %dma_start3A_348 = tpu.memref_squeeze %dma_start3A_347 : memref<1x128xi32, #tpu.memory_space<hbm>> -> memref<128xi32, #tpu.memory_space<hbm>>
        %dma_start3A_349 = arith.constant 0 : i32
        %dma_start3A_350 = tpu.memref_slice %arg7[%dma_start3A_342, %dma_start3A_349] : memref<3x128xi32, #tpu.memory_space<vmem>> -> memref<1x128xi32, #tpu.memory_space<vmem>>
        %dma_start3A_351 = tpu.memref_squeeze %dma_start3A_350 : memref<1x128xi32, #tpu.memory_space<vmem>> -> memref<128xi32, #tpu.memory_space<vmem>>
        %dma_start3A_352 = arith.constant 0 : i32
        %dma_start3A_353 = tpu.memref_slice %arg3[%add3A_341, %dma_start3A_352] : memref<2500x128xi32, #tpu.memory_space<hbm>> -> memref<1x128xi32, #tpu.memory_space<hbm>>
        %dma_start3A_354 = tpu.memref_squeeze %dma_start3A_353 : memref<1x128xi32, #tpu.memory_space<hbm>> -> memref<128xi32, #tpu.memory_space<hbm>>
        tpu.enqueue_dma source(%dma_start3A_354 : memref<128xi32, #tpu.memory_space<hbm>>) target(%dma_start3A_351 : memref<128xi32, #tpu.memory_space<vmem>>) target_semaphore(%arg13 : memref<!tpu.dma_semaphore, #tpu.memory_space<semaphore_mem>>)
        %dma_start3A_355 = arith.constant 1 : i32
        %dma_start3A_356 = arith.constant 0 : i32
        %dma_start3A_357 = tpu.memref_slice %arg8[%dma_start3A_355, %dma_start3A_356] : memref<3x128xi32, #tpu.memory_space<vmem>> -> memref<1x128xi32, #tpu.memory_space<vmem>>
        %dma_start3A_358 = tpu.memref_squeeze %dma_start3A_357 : memref<1x128xi32, #tpu.memory_space<vmem>> -> memref<128xi32, #tpu.memory_space<vmem>>
        %dma_start3A_359 = arith.constant 0 : i32
        %dma_start3A_360 = tpu.memref_slice %arg4[%add3A_341, %dma_start3A_359] : memref<2500x128xi32, #tpu.memory_space<hbm>> -> memref<1x128xi32, #tpu.memory_space<hbm>>
        %dma_start3A_361 = tpu.memref_squeeze %dma_start3A_360 : memref<1x128xi32, #tpu.memory_space<hbm>> -> memref<128xi32, #tpu.memory_space<hbm>>
        %dma_start3A_362 = arith.constant 0 : i32
        %dma_start3A_363 = tpu.memref_slice %arg8[%dma_start3A_355, %dma_start3A_362] : memref<3x128xi32, #tpu.memory_space<vmem>> -> memref<1x128xi32, #tpu.memory_space<vmem>>
        %dma_start3A_364 = tpu.memref_squeeze %dma_start3A_363 : memref<1x128xi32, #tpu.memory_space<vmem>> -> memref<128xi32, #tpu.memory_space<vmem>>
        %dma_start3A_365 = arith.constant 0 : i32
        %dma_start3A_366 = tpu.memref_slice %arg4[%add3A_341, %dma_start3A_365] : memref<2500x128xi32, #tpu.memory_space<hbm>> -> memref<1x128xi32, #tpu.memory_space<hbm>>
        %dma_start3A_367 = tpu.memref_squeeze %dma_start3A_366 : memref<1x128xi32, #tpu.memory_space<hbm>> -> memref<128xi32, #tpu.memory_space<hbm>>
        tpu.enqueue_dma source(%dma_start3A_367 : memref<128xi32, #tpu.memory_space<hbm>>) target(%dma_start3A_364 : memref<128xi32, #tpu.memory_space<vmem>>) target_semaphore(%arg13 : memref<!tpu.dma_semaphore, #tpu.memory_space<semaphore_mem>>)
      } else {
      }
      %dma_start3A_318 = arith.constant 2 : i32
      %dma_start3A_319 = arith.constant 0 : i32
      %dma_start3A_320 = tpu.memref_slice %arg8[%dma_start3A_318, %dma_start3A_319] : memref<3x128xi32, #tpu.memory_space<vmem>> -> memref<1x128xi32, #tpu.memory_space<vmem>>
      %dma_start3A_321 = tpu.memref_squeeze %dma_start3A_320 : memref<1x128xi32, #tpu.memory_space<vmem>> -> memref<128xi32, #tpu.memory_space<vmem>>
      %dma_start3A_322 = arith.constant 0 : i32
      %dma_start3A_323 = arith.constant 0 : i32
      %dma_start3A_324 = tpu.memref_slice %arg19[%dma_start3A_322, %dma_start3A_323] : memref<10000x64xf32, #tpu.memory_space<vmem_shared>> -> memref<10000x64xf32, #tpu.memory_space<vmem_shared>>
      tpu.enqueue_indirect_dma source(%arg11 : memref<128x64xf32, #tpu.memory_space<vmem>>) target(%dma_start3A_324 : memref<10000x64xf32, #tpu.memory_space<vmem_shared>>) offsets(%dma_start3A_321 : memref<128xi32, #tpu.memory_space<vmem>>) semaphore(%arg18 : memref<!tpu.dma_semaphore, #tpu.memory_space<semaphore_mem>>) {add = true}
      %dma_wait3A_325 = arith.constant 2 : i32
      %dma_wait3A_326 = arith.constant 0 : i32
      %dma_wait3A_327 = tpu.memref_slice %arg8[%dma_wait3A_325, %dma_wait3A_326] : memref<3x128xi32, #tpu.memory_space<vmem>> -> memref<1x128xi32, #tpu.memory_space<vmem>>
      %dma_wait3A_328 = tpu.memref_squeeze %dma_wait3A_327 : memref<1x128xi32, #tpu.memory_space<vmem>> -> memref<128xi32, #tpu.memory_space<vmem>>
      %dma_wait3A_329 = arith.constant 0 : i32
      %dma_wait3A_330 = arith.constant 0 : i32
      %dma_wait3A_331 = tpu.memref_slice %arg19[%dma_wait3A_329, %dma_wait3A_330] : memref<10000x64xf32, #tpu.memory_space<vmem_shared>> -> memref<10000x64xf32, #tpu.memory_space<vmem_shared>>
      tpu.wait_indirect_dma semaphore(%arg18 : memref<!tpu.dma_semaphore, #tpu.memory_space<semaphore_mem>>) src(%arg11 : memref<128x64xf32, #tpu.memory_space<vmem>>) dst(%dma_wait3A_331 : memref<10000x64xf32, #tpu.memory_space<vmem_shared>>)
      %mul3A_332 = arith.constant 3 : i32
      %mul3A_333 = arith.muli %mul3A_332, %add3A_148 : i32
      %add3A_334 = arith.constant 5 : i32
      %add3A_335 = arith.addi %mul3A_333, %add3A_334 : i32
      %lt3A_336 = arith.cmpi slt, %add3A_335, %sub3A_47 : i32
      %convert_element_type3A_337 = arith.extui %lt3A_336 : i1 to i32
      %cond3A_338 = arith.constant 0 : i32
      %cond3A_339 = arith.cmpi ne, %convert_element_type3A_337, %cond3A_338 : i32
      scf.if %cond3A_339 {
        %add3A_340 = arith.constant 5 : i32
        %add3A_341 = arith.addi %add3A_151, %add3A_340 : i32
        %dma_start3A_342 = arith.constant 2 : i32
        %dma_start3A_343 = arith.constant 0 : i32
        %dma_start3A_344 = tpu.memref_slice %arg7[%dma_start3A_342, %dma_start3A_343] : memref<3x128xi32, #tpu.memory_space<vmem>> -> memref<1x128xi32, #tpu.memory_space<vmem>>
        %dma_start3A_345 = tpu.memref_squeeze %dma_start3A_344 : memref<1x128xi32, #tpu.memory_space<vmem>> -> memref<128xi32, #tpu.memory_space<vmem>>
        %dma_start3A_346 = arith.constant 0 : i32
        %dma_start3A_347 = tpu.memref_slice %arg3[%add3A_341, %dma_start3A_346] : memref<2500x128xi32, #tpu.memory_space<hbm>> -> memref<1x128xi32, #tpu.memory_space<hbm>>
        %dma_start3A_348 = tpu.memref_squeeze %dma_start3A_347 : memref<1x128xi32, #tpu.memory_space<hbm>> -> memref<128xi32, #tpu.memory_space<hbm>>
        %dma_start3A_349 = arith.constant 0 : i32
        %dma_start3A_350 = tpu.memref_slice %arg7[%dma_start3A_342, %dma_start3A_349] : memref<3x128xi32, #tpu.memory_space<vmem>> -> memref<1x128xi32, #tpu.memory_space<vmem>>
        %dma_start3A_351 = tpu.memref_squeeze %dma_start3A_350 : memref<1x128xi32, #tpu.memory_space<vmem>> -> memref<128xi32, #tpu.memory_space<vmem>>
        %dma_start3A_352 = arith.constant 0 : i32
        %dma_start3A_353 = tpu.memref_slice %arg3[%add3A_341, %dma_start3A_352] : memref<2500x128xi32, #tpu.memory_space<hbm>> -> memref<1x128xi32, #tpu.memory_space<hbm>>
        %dma_start3A_354 = tpu.memref_squeeze %dma_start3A_353 : memref<1x128xi32, #tpu.memory_space<hbm>> -> memref<128xi32, #tpu.memory_space<hbm>>
        tpu.enqueue_dma source(%dma_start3A_354 : memref<128xi32, #tpu.memory_space<hbm>>) target(%dma_start3A_351 : memref<128xi32, #tpu.memory_space<vmem>>) target_semaphore(%arg14 : memref<!tpu.dma_semaphore, #tpu.memory_space<semaphore_mem>>)
        %dma_start3A_355 = arith.constant 2 : i32
        %dma_start3A_356 = arith.constant 0 : i32
        %dma_start3A_357 = tpu.memref_slice %arg8[%dma_start3A_355, %dma_start3A_356] : memref<3x128xi32, #tpu.memory_space<vmem>> -> memref<1x128xi32, #tpu.memory_space<vmem>>
        %dma_start3A_358 = tpu.memref_squeeze %dma_start3A_357 : memref<1x128xi32, #tpu.memory_space<vmem>> -> memref<128xi32, #tpu.memory_space<vmem>>
        %dma_start3A_359 = arith.constant 0 : i32
        %dma_start3A_360 = tpu.memref_slice %arg4[%add3A_341, %dma_start3A_359] : memref<2500x128xi32, #tpu.memory_space<hbm>> -> memref<1x128xi32, #tpu.memory_space<hbm>>
        %dma_start3A_361 = tpu.memref_squeeze %dma_start3A_360 : memref<1x128xi32, #tpu.memory_space<hbm>> -> memref<128xi32, #tpu.memory_space<hbm>>
        %dma_start3A_362 = arith.constant 0 : i32
        %dma_start3A_363 = tpu.memref_slice %arg8[%dma_start3A_355, %dma_start3A_362] : memref<3x128xi32, #tpu.memory_space<vmem>> -> memref<1x128xi32, #tpu.memory_space<vmem>>
        %dma_start3A_364 = tpu.memref_squeeze %dma_start3A_363 : memref<1x128xi32, #tpu.memory_space<vmem>> -> memref<128xi32, #tpu.memory_space<vmem>>
        %dma_start3A_365 = arith.constant 0 : i32
        %dma_start3A_366 = tpu.memref_slice %arg4[%add3A_341, %dma_start3A_365] : memref<2500x128xi32, #tpu.memory_space<hbm>> -> memref<1x128xi32, #tpu.memory_space<hbm>>
        %dma_start3A_367 = tpu.memref_squeeze %dma_start3A_366 : memref<1x128xi32, #tpu.memory_space<hbm>> -> memref<128xi32, #tpu.memory_space<hbm>>
        tpu.enqueue_dma source(%dma_start3A_367 : memref<128xi32, #tpu.memory_space<hbm>>) target(%dma_start3A_364 : memref<128xi32, #tpu.memory_space<vmem>>) target_semaphore(%arg14 : memref<!tpu.dma_semaphore, #tpu.memory_space<semaphore_mem>>)
      } else {
      }
    }
    %scan3A_136 = arith.constant 26 : i32
    %gt3A = arith.constant 78 : i32
    %gt3A_137 = arith.cmpi sgt, %sub3A_47, %gt3A : i32
    %convert_element_type3A = arith.extui %gt3A_137 : i1 to i32
    %cond3A = arith.constant 0 : i32
    %cond3A_138 = arith.cmpi ne, %convert_element_type3A, %cond3A : i32
    scf.if %cond3A_138 {
      %add3A_144 = arith.constant 79 : i32
      %add3A_145 = arith.addi %select_n3A, %add3A_144 : i32
      %sub3A_146 = arith.constant 1 : i32
      %sub3A_147 = arith.subi %add3A_145, %sub3A_146 : i32
      %dma_wait3A = arith.constant 0 : i32
      %dma_wait3A_148 = arith.constant 0 : i32
      %dma_wait3A_149 = tpu.memref_slice %arg7[%dma_wait3A, %dma_wait3A_148] : memref<3x128xi32, #tpu.memory_space<vmem>> -> memref<1x128xi32, #tpu.memory_space<vmem>>
      %dma_wait3A_150 = tpu.memref_squeeze %dma_wait3A_149 : memref<1x128xi32, #tpu.memory_space<vmem>> -> memref<128xi32, #tpu.memory_space<vmem>>
      %dma_wait3A_151 = arith.constant 0 : i32
      %dma_wait3A_152 = tpu.memref_slice %arg3[%sub3A_147, %dma_wait3A_151] : memref<2500x128xi32, #tpu.memory_space<hbm>> -> memref<1x128xi32, #tpu.memory_space<hbm>>
      %dma_wait3A_153 = tpu.memref_squeeze %dma_wait3A_152 : memref<1x128xi32, #tpu.memory_space<hbm>> -> memref<128xi32, #tpu.memory_space<hbm>>
      %dma_wait3A_154 = arith.constant 0 : i32
      %dma_wait3A_155 = tpu.memref_slice %arg7[%dma_wait3A, %dma_wait3A_154] : memref<3x128xi32, #tpu.memory_space<vmem>> -> memref<1x128xi32, #tpu.memory_space<vmem>>
      %dma_wait3A_156 = tpu.memref_squeeze %dma_wait3A_155 : memref<1x128xi32, #tpu.memory_space<vmem>> -> memref<128xi32, #tpu.memory_space<vmem>>
      %dma_wait3A_157 = arith.constant 0 : i32
      %dma_wait3A_158 = tpu.memref_slice %arg3[%sub3A_147, %dma_wait3A_157] : memref<2500x128xi32, #tpu.memory_space<hbm>> -> memref<1x128xi32, #tpu.memory_space<hbm>>
      %dma_wait3A_159 = tpu.memref_squeeze %dma_wait3A_158 : memref<1x128xi32, #tpu.memory_space<hbm>> -> memref<128xi32, #tpu.memory_space<hbm>>
      tpu.wait_dma2 semaphore(%arg12 : memref<!tpu.dma_semaphore, #tpu.memory_space<semaphore_mem>>) src(%dma_wait3A_159 : memref<128xi32, #tpu.memory_space<hbm>>) dst(%dma_wait3A_156 : memref<128xi32, #tpu.memory_space<vmem>>)
      %dma_wait3A_160 = arith.constant 0 : i32
      %dma_wait3A_161 = arith.constant 0 : i32
      %dma_wait3A_162 = tpu.memref_slice %arg8[%dma_wait3A_160, %dma_wait3A_161] : memref<3x128xi32, #tpu.memory_space<vmem>> -> memref<1x128xi32, #tpu.memory_space<vmem>>
      %dma_wait3A_163 = tpu.memref_squeeze %dma_wait3A_162 : memref<1x128xi32, #tpu.memory_space<vmem>> -> memref<128xi32, #tpu.memory_space<vmem>>
      %dma_wait3A_164 = arith.constant 0 : i32
      %dma_wait3A_165 = tpu.memref_slice %arg4[%sub3A_147, %dma_wait3A_164] : memref<2500x128xi32, #tpu.memory_space<hbm>> -> memref<1x128xi32, #tpu.memory_space<hbm>>
      %dma_wait3A_166 = tpu.memref_squeeze %dma_wait3A_165 : memref<1x128xi32, #tpu.memory_space<hbm>> -> memref<128xi32, #tpu.memory_space<hbm>>
      %dma_wait3A_167 = arith.constant 0 : i32
      %dma_wait3A_168 = tpu.memref_slice %arg8[%dma_wait3A_160, %dma_wait3A_167] : memref<3x128xi32, #tpu.memory_space<vmem>> -> memref<1x128xi32, #tpu.memory_space<vmem>>
      %dma_wait3A_169 = tpu.memref_squeeze %dma_wait3A_168 : memref<1x128xi32, #tpu.memory_space<vmem>> -> memref<128xi32, #tpu.memory_space<vmem>>
      %dma_wait3A_170 = arith.constant 0 : i32
      %dma_wait3A_171 = tpu.memref_slice %arg4[%sub3A_147, %dma_wait3A_170] : memref<2500x128xi32, #tpu.memory_space<hbm>> -> memref<1x128xi32, #tpu.memory_space<hbm>>
      %dma_wait3A_172 = tpu.memref_squeeze %dma_wait3A_171 : memref<1x128xi32, #tpu.memory_space<hbm>> -> memref<128xi32, #tpu.memory_space<hbm>>
      tpu.wait_dma2 semaphore(%arg12 : memref<!tpu.dma_semaphore, #tpu.memory_space<semaphore_mem>>) src(%dma_wait3A_172 : memref<128xi32, #tpu.memory_space<hbm>>) dst(%dma_wait3A_169 : memref<128xi32, #tpu.memory_space<vmem>>)
      %dma_start3A_173 = arith.constant 0 : i32
      %dma_start3A_174 = arith.constant 0 : i32
      %dma_start3A_175 = tpu.memref_slice %arg7[%dma_start3A_173, %dma_start3A_174] : memref<3x128xi32, #tpu.memory_space<vmem>> -> memref<1x128xi32, #tpu.memory_space<vmem>>
      %dma_start3A_176 = tpu.memref_squeeze %dma_start3A_175 : memref<1x128xi32, #tpu.memory_space<vmem>> -> memref<128xi32, #tpu.memory_space<vmem>>
      %dma_start3A_177 = arith.constant 0 : i32
      %dma_start3A_178 = arith.constant 0 : i32
      %dma_start3A_179 = tpu.memref_slice %arg2[%dma_start3A_177, %dma_start3A_178] : memref<10000x64xf32, #tpu.memory_space<hbm>> -> memref<10000x64xf32, #tpu.memory_space<hbm>>
      tpu.enqueue_indirect_dma source(%dma_start3A_179 : memref<10000x64xf32, #tpu.memory_space<hbm>>) target(%arg9 : memref<128x64xf32, #tpu.memory_space<vmem>>) offsets(%dma_start3A_176 : memref<128xi32, #tpu.memory_space<vmem>>) semaphore(%arg15 : memref<!tpu.dma_semaphore, #tpu.memory_space<semaphore_mem>>)
      %dma_wait3A_180 = arith.constant 0 : i32
      %dma_wait3A_181 = arith.constant 0 : i32
      %dma_wait3A_182 = tpu.memref_slice %arg7[%dma_wait3A_180, %dma_wait3A_181] : memref<3x128xi32, #tpu.memory_space<vmem>> -> memref<1x128xi32, #tpu.memory_space<vmem>>
      %dma_wait3A_183 = tpu.memref_squeeze %dma_wait3A_182 : memref<1x128xi32, #tpu.memory_space<vmem>> -> memref<128xi32, #tpu.memory_space<vmem>>
      %dma_wait3A_184 = arith.constant 0 : i32
      %dma_wait3A_185 = arith.constant 0 : i32
      %dma_wait3A_186 = tpu.memref_slice %arg2[%dma_wait3A_184, %dma_wait3A_185] : memref<10000x64xf32, #tpu.memory_space<hbm>> -> memref<10000x64xf32, #tpu.memory_space<hbm>>
      tpu.wait_indirect_dma semaphore(%arg15 : memref<!tpu.dma_semaphore, #tpu.memory_space<semaphore_mem>>) src(%dma_wait3A_186 : memref<10000x64xf32, #tpu.memory_space<hbm>>) dst(%arg9 : memref<128x64xf32, #tpu.memory_space<vmem>>)
      %dma_start3A_187 = arith.constant 0 : i32
      %dma_start3A_188 = arith.constant 0 : i32
      %dma_start3A_189 = tpu.memref_slice %arg8[%dma_start3A_187, %dma_start3A_188] : memref<3x128xi32, #tpu.memory_space<vmem>> -> memref<1x128xi32, #tpu.memory_space<vmem>>
      %dma_start3A_190 = tpu.memref_squeeze %dma_start3A_189 : memref<1x128xi32, #tpu.memory_space<vmem>> -> memref<128xi32, #tpu.memory_space<vmem>>
      %dma_start3A_191 = arith.constant 0 : i32
      %dma_start3A_192 = arith.constant 0 : i32
      %dma_start3A_193 = tpu.memref_slice %arg19[%dma_start3A_191, %dma_start3A_192] : memref<10000x64xf32, #tpu.memory_space<vmem_shared>> -> memref<10000x64xf32, #tpu.memory_space<vmem_shared>>
      tpu.enqueue_indirect_dma source(%arg9 : memref<128x64xf32, #tpu.memory_space<vmem>>) target(%dma_start3A_193 : memref<10000x64xf32, #tpu.memory_space<vmem_shared>>) offsets(%dma_start3A_190 : memref<128xi32, #tpu.memory_space<vmem>>) semaphore(%arg18 : memref<!tpu.dma_semaphore, #tpu.memory_space<semaphore_mem>>) {add = true}
      %dma_wait3A_194 = arith.constant 0 : i32
      %dma_wait3A_195 = arith.constant 0 : i32
      %dma_wait3A_196 = tpu.memref_slice %arg8[%dma_wait3A_194, %dma_wait3A_195] : memref<3x128xi32, #tpu.memory_space<vmem>> -> memref<1x128xi32, #tpu.memory_space<vmem>>
      %dma_wait3A_197 = tpu.memref_squeeze %dma_wait3A_196 : memref<1x128xi32, #tpu.memory_space<vmem>> -> memref<128xi32, #tpu.memory_space<vmem>>
      %dma_wait3A_198 = arith.constant 0 : i32
      %dma_wait3A_199 = arith.constant 0 : i32
      %dma_wait3A_200 = tpu.memref_slice %arg19[%dma_wait3A_198, %dma_wait3A_199] : memref<10000x64xf32, #tpu.memory_space<vmem_shared>> -> memref<10000x64xf32, #tpu.memory_space<vmem_shared>>
      tpu.wait_indirect_dma semaphore(%arg18 : memref<!tpu.dma_semaphore, #tpu.memory_space<semaphore_mem>>) src(%arg9 : memref<128x64xf32, #tpu.memory_space<vmem>>) dst(%dma_wait3A_200 : memref<10000x64xf32, #tpu.memory_space<vmem_shared>>)
    } else {
    }
    %barrier3A_139 = arith.constant 0 : index
    tpu.barrier barrier_id(%barrier3A_139)
    %mul3A_140 = arith.constant 625 : i32
    %mul3A_141 = arith.muli %arg1, %mul3A_140 : i32
    %mul3A_142 = arith.constant 625 : i32
    %mul3A_143 = arith.muli %arg1, %mul3A_142 : i32
    "tpu.region"() ({
      %run_scoped3A = tpu.sem_alloc : memref<!tpu.dma_semaphore, #tpu.memory_space<semaphore_mem>>
      %dma_start3A_144 = arith.constant 0 : i32
      %dma_start3A_145 = arith.constant 0 : i32
      %dma_start3A_146 = tpu.memref_slice %arg6[%arg0, %dma_start3A_144, %dma_start3A_145] : memref<2x10000x64xf32, #tpu.memory_space<hbm>> -> memref<1x10000x64xf32, #tpu.memory_space<hbm>>
      %dma_start3A_147 = tpu.memref_squeeze %dma_start3A_146 : memref<1x10000x64xf32, #tpu.memory_space<hbm>> -> memref<10000x64xf32, #tpu.memory_space<hbm>>
      %dma_start3A_148 = arith.constant 0 : i32
      %dma_start3A_149 = tpu.memref_slice %dma_start3A_147[%mul3A_143, %dma_start3A_148] : memref<10000x64xf32, #tpu.memory_space<hbm>> -> memref<625x64xf32, #tpu.memory_space<hbm>>
      %dma_start3A_150 = arith.constant 0 : i32
      %dma_start3A_151 = tpu.memref_slice %arg19[%mul3A_141, %dma_start3A_150] : memref<10000x64xf32, #tpu.memory_space<vmem_shared>> -> memref<625x64xf32, #tpu.memory_space<vmem_shared>>
      tpu.enqueue_dma source(%dma_start3A_151 : memref<625x64xf32, #tpu.memory_space<vmem_shared>>) target(%dma_start3A_149 : memref<625x64xf32, #tpu.memory_space<hbm>>) target_semaphore(%run_scoped3A : memref<!tpu.dma_semaphore, #tpu.memory_space<semaphore_mem>>)
      %dma_wait3A = arith.constant 0 : i32
      %dma_wait3A_152 = arith.constant 0 : i32
      %dma_wait3A_153 = tpu.memref_slice %arg6[%arg0, %dma_wait3A, %dma_wait3A_152] : memref<2x10000x64xf32, #tpu.memory_space<hbm>> -> memref<1x10000x64xf32, #tpu.memory_space<hbm>>
      %dma_wait3A_154 = tpu.memref_squeeze %dma_wait3A_153 : memref<1x10000x64xf32, #tpu.memory_space<hbm>> -> memref<10000x64xf32, #tpu.memory_space<hbm>>
      %dma_wait3A_155 = arith.constant 0 : i32
      %dma_wait3A_156 = tpu.memref_slice %dma_wait3A_154[%mul3A_143, %dma_wait3A_155] : memref<10000x64xf32, #tpu.memory_space<hbm>> -> memref<625x64xf32, #tpu.memory_space<hbm>>
      %dma_wait3A_157 = arith.constant 0 : i32
      %dma_wait3A_158 = tpu.memref_slice %arg19[%mul3A_141, %dma_wait3A_157] : memref<10000x64xf32, #tpu.memory_space<vmem_shared>> -> memref<625x64xf32, #tpu.memory_space<vmem_shared>>
      tpu.wait_dma2 semaphore(%run_scoped3A : memref<!tpu.dma_semaphore, #tpu.memory_space<semaphore_mem>>) src(%dma_wait3A_158 : memref<625x64xf32, #tpu.memory_space<vmem_shared>>) dst(%dma_wait3A_156 : memref<625x64xf32, #tpu.memory_space<hbm>>)
      tpu.yield
    }) : () -> ()
    return
  }
}

module attributes {stable_mosaic.version = 14 : i64} {
  func.func @body(%arg0: i32, %arg1: memref<2000x128xf32, #tpu.memory_space<vmem>>, %arg2: memref<128x128xf32, #tpu.memory_space<vmem>>, %arg3: memref<2000x128xf32, #tpu.memory_space<vmem>>) attributes {dimension_semantics = [#tpu.dimension_semantics<arbitrary>], iteration_bounds = array<i64: 5>, scalar_prefetch = 0 : i64, scratch_operands = 0 : i64, tpu.core_type = #tpu.core_type<tc>, window_params = [{transform_indices = @transform_0, window_bounds = array<i64: 2000, 128>}, {pipeline_mode = #tpu.pipeline_mode<synchronous>, transform_indices = @transform_1, window_bounds = array<i64: 128, 128>}, {transform_indices = @transform_2, window_bounds = array<i64: 2000, 128>}]} {
    %get3A = arith.constant 0 : index
    %get3A_0 = arith.constant 0 : index
    %get3A_1 = vector.load %arg1[%get3A, %get3A_0] : memref<2000x128xf32, #tpu.memory_space<vmem>>, vector<2000x128xf32>
    %get3A_2 = arith.constant 0 : index
    %get3A_3 = arith.constant 0 : index
    %get3A_4 = vector.load %arg2[%get3A_2, %get3A_3] : memref<128x128xf32, #tpu.memory_space<vmem>>, vector<128x128xf32>
    %dot_general3A = arith.constant dense<0.000000e+00> : vector<2000x128xf32>
    %dot_general3A_5 = tpu.matmul %get3A_1, %get3A_4, %dot_general3A {dimension_numbers = #tpu.dot_dimension_numbers<[1], [0], [0], [1], [0, 0, 1, 1], [], []>, transpose_lhs_hint = false} : vector<2000x128xf32>, vector<128x128xf32>, vector<2000x128xf32> -> vector<2000x128xf32>
    %swap3A = arith.constant 0 : index
    %swap3A_6 = arith.constant 0 : index
    %swap3A_7 = vector.load %arg3[%swap3A, %swap3A_6] : memref<2000x128xf32, #tpu.memory_space<vmem>>, vector<2000x128xf32>
    tpu.vector_store %arg3[%swap3A, %swap3A_6], %dot_general3A_5 {strides = array<i32>} : memref<2000x128xf32, #tpu.memory_space<vmem>>, vector<2000x128xf32>,
    return
  }
  func.func @transform_0(%arg0: i32) -> (i32, i32) {
    %c0_i32 = arith.constant 0 : i32
    %c0_i32_0 = arith.constant 0 : i32
    return %arg0, %c0_i32 : i32, i32
  }
  func.func @transform_1(%arg0: i32) -> (i32, i32) {
    %c0_i32 = arith.constant 0 : i32
    %c0_i32_0 = arith.constant 0 : i32
    %c0_i32_1 = arith.constant 0 : i32
    return %c0_i32, %c0_i32_0 : i32, i32
  }
  func.func @transform_2(%arg0: i32) -> (i32, i32) {
    %c0_i32 = arith.constant 0 : i32
    %c0_i32_0 = arith.constant 0 : i32
    return %arg0, %c0_i32 : i32, i32
  }
}

module attributes {stable_mosaic.version = 14 : i64} {
  func.func @body(%arg0: i32, %arg1: memref<2x2000x16xf32, #tpu.memory_space<vmem>>, %arg2: memref<2000x128xf32, #tpu.memory_space<vmem>>, %arg3: memref<2000x128xf32, #tpu.memory_space<vmem>>, %arg4: memref<2000x1xf32, #tpu.memory_space<vmem>>) attributes {dimension_semantics = [#tpu.dimension_semantics<arbitrary>], iteration_bounds = array<i64: 5>, scalar_prefetch = 0 : i64, scratch_operands = 0 : i64, tpu.core_type = #tpu.core_type<tc>, window_params = [{transform_indices = @transform_0, window_bounds = array<i64: 2, 2000, 16>}, {transform_indices = @transform_1, window_bounds = array<i64: 2000, 128>}, {transform_indices = @transform_2, window_bounds = array<i64: 2000, 128>}, {transform_indices = @transform_3, window_bounds = array<i64: 2000, 1>}]} {
    %get3A = arith.constant 0 : index
    %get3A_0 = arith.constant 0 : index
    %get3A_1 = arith.constant 0 : index
    %get3A_2 = vector.load %arg1[%get3A, %get3A_0, %get3A_1] : memref<2x2000x16xf32, #tpu.memory_space<vmem>>, vector<1x2000x1xf32>
    %get3A_3 = vector.shape_cast %get3A_2 : vector<1x2000x1xf32> to vector<2000x1xf32>
    %get3A_4 = arith.constant 1 : index
    %get3A_5 = arith.constant 0 : index
    %get3A_6 = arith.constant 0 : index
    %get3A_7 = vector.load %arg1[%get3A_4, %get3A_5, %get3A_6] : memref<2x2000x16xf32, #tpu.memory_space<vmem>>, vector<1x2000x1xf32>
    %get3A_8 = vector.shape_cast %get3A_7 : vector<1x2000x1xf32> to vector<2000x1xf32>
    %add3A = arith.addf %get3A_3, %get3A_8 : vector<2000x1xf32>
    %add3A_9 = arith.constant 1.000000e+00 : f32
    %add3A_10 = vector.broadcast %add3A_9 : f32 to vector<2000x1xf32>
    %add3A_11 = arith.addf %add3A, %add3A_10 : vector<2000x1xf32>
    %rsqrt3A = math.rsqrt %add3A_11 : vector<2000x1xf32>
    %get3A_12 = arith.constant 0 : index
    %get3A_13 = arith.constant 0 : index
    %get3A_14 = vector.load %arg2[%get3A_12, %get3A_13] : memref<2000x128xf32, #tpu.memory_space<vmem>>, vector<2000x128xf32>
    %mul3A = vector.broadcast %rsqrt3A : vector<2000x1xf32> to vector<2000x128xf32>
    %mul3A_15 = arith.mulf %get3A_14, %mul3A : vector<2000x128xf32>
    %swap3A = arith.constant 0 : index
    %swap3A_16 = arith.constant 0 : index
    %swap3A_17 = vector.load %arg3[%swap3A, %swap3A_16] : memref<2000x128xf32, #tpu.memory_space<vmem>>, vector<2000x128xf32>
    tpu.vector_store %arg3[%swap3A, %swap3A_16], %mul3A_15 {strides = array<i32>} : memref<2000x128xf32, #tpu.memory_space<vmem>>, vector<2000x128xf32>,
    %swap3A_18 = arith.constant 0 : index
    %swap3A_19 = arith.constant 0 : index
    %swap3A_20 = vector.load %arg4[%swap3A_18, %swap3A_19] : memref<2000x1xf32, #tpu.memory_space<vmem>>, vector<2000x1xf32>
    tpu.vector_store %arg4[%swap3A_18, %swap3A_19], %rsqrt3A {strides = array<i32>} : memref<2000x1xf32, #tpu.memory_space<vmem>>, vector<2000x1xf32>,
    return
  }
  func.func @transform_0(%arg0: i32) -> (i32, i32, i32) {
    %c0_i32 = arith.constant 0 : i32
    %c0_i32_0 = arith.constant 0 : i32
    %c0_i32_1 = arith.constant 0 : i32
    return %c0_i32, %arg0, %c0_i32_0 : i32, i32, i32
  }
  func.func @transform_1(%arg0: i32) -> (i32, i32) {
    %c0_i32 = arith.constant 0 : i32
    %c0_i32_0 = arith.constant 0 : i32
    return %arg0, %c0_i32 : i32, i32
  }
  func.func @transform_2(%arg0: i32) -> (i32, i32) {
    %c0_i32 = arith.constant 0 : i32
    %c0_i32_0 = arith.constant 0 : i32
    return %arg0, %c0_i32 : i32, i32
  }
  func.func @transform_3(%arg0: i32) -> (i32, i32) {
    %c0_i32 = arith.constant 0 : i32
    %c0_i32_0 = arith.constant 0 : i32
    return %arg0, %c0_i32 : i32, i32
  }
}

module attributes {stable_mosaic.version = 14 : i64} {
  func.func @body(%arg0: i32, %arg1: memref<2x2000x128xf32, #tpu.memory_space<vmem>>, %arg2: memref<2000x128xf32, #tpu.memory_space<vmem>>, %arg3: memref<2000x1xf32, #tpu.memory_space<vmem>>, %arg4: memref<1x128xf32, #tpu.memory_space<vmem>>, %arg5: memref<128x64xf32, #tpu.memory_space<vmem>>, %arg6: memref<2000x64xf32, #tpu.memory_space<vmem>>) attributes {dimension_semantics = [#tpu.dimension_semantics<arbitrary>], iteration_bounds = array<i64: 5>, scalar_prefetch = 0 : i64, scratch_operands = 0 : i64, tpu.core_type = #tpu.core_type<tc>, window_params = [{transform_indices = @transform_0, window_bounds = array<i64: 2, 2000, 128>}, {transform_indices = @transform_1, window_bounds = array<i64: 2000, 128>}, {transform_indices = @transform_2, window_bounds = array<i64: 2000, 1>}, {pipeline_mode = #tpu.pipeline_mode<synchronous>, transform_indices = @transform_3, window_bounds = array<i64: 1, 128>}, {pipeline_mode = #tpu.pipeline_mode<synchronous>, transform_indices = @transform_4, window_bounds = array<i64: 128, 64>}, {transform_indices = @transform_5, window_bounds = array<i64: 2000, 64>}]} {
    %get3A = arith.constant 0 : index
    %get3A_0 = arith.constant 0 : index
    %get3A_1 = arith.constant 0 : index
    %get3A_2 = vector.load %arg1[%get3A, %get3A_0, %get3A_1] : memref<2x2000x128xf32, #tpu.memory_space<vmem>>, vector<1x2000x128xf32>
    %get3A_3 = vector.shape_cast %get3A_2 : vector<1x2000x128xf32> to vector<2000x128xf32>
    %get3A_4 = arith.constant 1 : index
    %get3A_5 = arith.constant 0 : index
    %get3A_6 = arith.constant 0 : index
    %get3A_7 = vector.load %arg1[%get3A_4, %get3A_5, %get3A_6] : memref<2x2000x128xf32, #tpu.memory_space<vmem>>, vector<1x2000x128xf32>
    %get3A_8 = vector.shape_cast %get3A_7 : vector<1x2000x128xf32> to vector<2000x128xf32>
    %add3A = arith.addf %get3A_3, %get3A_8 : vector<2000x128xf32>
    %get3A_9 = arith.constant 0 : index
    %get3A_10 = arith.constant 0 : index
    %get3A_11 = vector.load %arg3[%get3A_9, %get3A_10] : memref<2000x1xf32, #tpu.memory_space<vmem>>, vector<2000x1xf32>
    %get3A_12 = arith.constant 0 : index
    %get3A_13 = arith.constant 0 : index
    %get3A_14 = vector.load %arg2[%get3A_12, %get3A_13] : memref<2000x128xf32, #tpu.memory_space<vmem>>, vector<2000x128xf32>
    %add3A_15 = arith.addf %add3A, %get3A_14 : vector<2000x128xf32>
    %mul3A = vector.broadcast %get3A_11 : vector<2000x1xf32> to vector<2000x128xf32>
    %mul3A_16 = arith.mulf %mul3A, %add3A_15 : vector<2000x128xf32>
    %get3A_17 = arith.constant 0 : index
    %get3A_18 = arith.constant 0 : index
    %get3A_19 = vector.load %arg4[%get3A_17, %get3A_18] : memref<1x128xf32, #tpu.memory_space<vmem>>, vector<1x128xf32>
    %add3A_20 = vector.broadcast %get3A_19 : vector<1x128xf32> to vector<2000x128xf32>
    %add3A_21 = arith.addf %mul3A_16, %add3A_20 : vector<2000x128xf32>
    %max3A = arith.constant 0.000000e+00 : f32
    %max3A_22 = vector.broadcast %max3A : f32 to vector<2000x128xf32>
    %max3A_23 = arith.maximumf %add3A_21, %max3A_22 : vector<2000x128xf32>
    %get3A_24 = arith.constant 0 : index
    %get3A_25 = arith.constant 0 : index
    %get3A_26 = vector.load %arg5[%get3A_24, %get3A_25] : memref<128x64xf32, #tpu.memory_space<vmem>>, vector<128x64xf32>
    %dot_general3A = arith.constant dense<0.000000e+00> : vector<2000x64xf32>
    %dot_general3A_27 = tpu.matmul %max3A_23, %get3A_26, %dot_general3A {dimension_numbers = #tpu.dot_dimension_numbers<[1], [0], [0], [1], [0, 0, 1, 1], [], []>, transpose_lhs_hint = false} : vector<2000x128xf32>, vector<128x64xf32>, vector<2000x64xf32> -> vector<2000x64xf32>
    %get3A_28 = arith.constant 0 : index
    %get3A_29 = arith.constant 0 : index
    %get3A_30 = vector.load %arg3[%get3A_28, %get3A_29] : memref<2000x1xf32, #tpu.memory_space<vmem>>, vector<2000x1xf32>
    %mul3A_31 = vector.broadcast %get3A_30 : vector<2000x1xf32> to vector<2000x64xf32>
    %mul3A_32 = arith.mulf %dot_general3A_27, %mul3A_31 : vector<2000x64xf32>
    %swap3A = arith.constant 0 : index
    %swap3A_33 = arith.constant 0 : index
    %swap3A_34 = vector.load %arg6[%swap3A, %swap3A_33] : memref<2000x64xf32, #tpu.memory_space<vmem>>, vector<2000x64xf32>
    tpu.vector_store %arg6[%swap3A, %swap3A_33], %mul3A_32 {strides = array<i32>} : memref<2000x64xf32, #tpu.memory_space<vmem>>, vector<2000x64xf32>,
    return
  }
  func.func @transform_0(%arg0: i32) -> (i32, i32, i32) {
    %c0_i32 = arith.constant 0 : i32
    %c0_i32_0 = arith.constant 0 : i32
    %c0_i32_1 = arith.constant 0 : i32
    return %c0_i32, %arg0, %c0_i32_0 : i32, i32, i32
  }
  func.func @transform_1(%arg0: i32) -> (i32, i32) {
    %c0_i32 = arith.constant 0 : i32
    %c0_i32_0 = arith.constant 0 : i32
    return %arg0, %c0_i32 : i32, i32
  }
  func.func @transform_2(%arg0: i32) -> (i32, i32) {
    %c0_i32 = arith.constant 0 : i32
    %c0_i32_0 = arith.constant 0 : i32
    return %arg0, %c0_i32 : i32, i32
  }
  func.func @transform_3(%arg0: i32) -> (i32, i32) {
    %c0_i32 = arith.constant 0 : i32
    %c0_i32_0 = arith.constant 0 : i32
    %c0_i32_1 = arith.constant 0 : i32
    return %c0_i32, %c0_i32_0 : i32, i32
  }
  func.func @transform_4(%arg0: i32) -> (i32, i32) {
    %c0_i32 = arith.constant 0 : i32
    %c0_i32_0 = arith.constant 0 : i32
    %c0_i32_1 = arith.constant 0 : i32
    return %c0_i32, %c0_i32_0 : i32, i32
  }
  func.func @transform_5(%arg0: i32) -> (i32, i32) {
    %c0_i32 = arith.constant 0 : i32
    %c0_i32_0 = arith.constant 0 : i32
    return %arg0, %c0_i32 : i32, i32
  }
}

module attributes {stable_mosaic.version = 14 : i64} {
  func.func @body(%arg0: i32, %arg1: memref<2x2000x64xf32, #tpu.memory_space<vmem>>, %arg2: memref<2000x64xf32, #tpu.memory_space<vmem>>, %arg3: memref<2000x1xf32, #tpu.memory_space<vmem>>, %arg4: memref<1x64xf32, #tpu.memory_space<vmem>>, %arg5: memref<2000x64xf32, #tpu.memory_space<vmem>>) attributes {dimension_semantics = [#tpu.dimension_semantics<arbitrary>], iteration_bounds = array<i64: 5>, scalar_prefetch = 0 : i64, scratch_operands = 0 : i64, tpu.core_type = #tpu.core_type<tc>, window_params = [{transform_indices = @transform_0, window_bounds = array<i64: 2, 2000, 64>}, {transform_indices = @transform_1, window_bounds = array<i64: 2000, 64>}, {transform_indices = @transform_2, window_bounds = array<i64: 2000, 1>}, {pipeline_mode = #tpu.pipeline_mode<synchronous>, transform_indices = @transform_3, window_bounds = array<i64: 1, 64>}, {transform_indices = @transform_4, window_bounds = array<i64: 2000, 64>}]} {
    %get3A = arith.constant 0 : index
    %get3A_0 = arith.constant 0 : index
    %get3A_1 = arith.constant 0 : index
    %get3A_2 = vector.load %arg1[%get3A, %get3A_0, %get3A_1] : memref<2x2000x64xf32, #tpu.memory_space<vmem>>, vector<1x2000x64xf32>
    %get3A_3 = vector.shape_cast %get3A_2 : vector<1x2000x64xf32> to vector<2000x64xf32>
    %get3A_4 = arith.constant 1 : index
    %get3A_5 = arith.constant 0 : index
    %get3A_6 = arith.constant 0 : index
    %get3A_7 = vector.load %arg1[%get3A_4, %get3A_5, %get3A_6] : memref<2x2000x64xf32, #tpu.memory_space<vmem>>, vector<1x2000x64xf32>
    %get3A_8 = vector.shape_cast %get3A_7 : vector<1x2000x64xf32> to vector<2000x64xf32>
    %add3A = arith.addf %get3A_3, %get3A_8 : vector<2000x64xf32>
    %get3A_9 = arith.constant 0 : index
    %get3A_10 = arith.constant 0 : index
    %get3A_11 = vector.load %arg3[%get3A_9, %get3A_10] : memref<2000x1xf32, #tpu.memory_space<vmem>>, vector<2000x1xf32>
    %get3A_12 = arith.constant 0 : index
    %get3A_13 = arith.constant 0 : index
    %get3A_14 = vector.load %arg2[%get3A_12, %get3A_13] : memref<2000x64xf32, #tpu.memory_space<vmem>>, vector<2000x64xf32>
    %add3A_15 = arith.addf %add3A, %get3A_14 : vector<2000x64xf32>
    %mul3A = vector.broadcast %get3A_11 : vector<2000x1xf32> to vector<2000x64xf32>
    %mul3A_16 = arith.mulf %mul3A, %add3A_15 : vector<2000x64xf32>
    %get3A_17 = arith.constant 0 : index
    %get3A_18 = arith.constant 0 : index
    %get3A_19 = vector.load %arg4[%get3A_17, %get3A_18] : memref<1x64xf32, #tpu.memory_space<vmem>>, vector<1x64xf32>
    %add3A_20 = vector.broadcast %get3A_19 : vector<1x64xf32> to vector<2000x64xf32>
    %add3A_21 = arith.addf %mul3A_16, %add3A_20 : vector<2000x64xf32>
    %swap3A = arith.constant 0 : index
    %swap3A_22 = arith.constant 0 : index
    %swap3A_23 = vector.load %arg5[%swap3A, %swap3A_22] : memref<2000x64xf32, #tpu.memory_space<vmem>>, vector<2000x64xf32>
    tpu.vector_store %arg5[%swap3A, %swap3A_22], %add3A_21 {strides = array<i32>} : memref<2000x64xf32, #tpu.memory_space<vmem>>, vector<2000x64xf32>,
    return
  }
  func.func @transform_0(%arg0: i32) -> (i32, i32, i32) {
    %c0_i32 = arith.constant 0 : i32
    %c0_i32_0 = arith.constant 0 : i32
    %c0_i32_1 = arith.constant 0 : i32
    return %c0_i32, %arg0, %c0_i32_0 : i32, i32, i32
  }
  func.func @transform_1(%arg0: i32) -> (i32, i32) {
    %c0_i32 = arith.constant 0 : i32
    %c0_i32_0 = arith.constant 0 : i32
    return %arg0, %c0_i32 : i32, i32
  }
  func.func @transform_2(%arg0: i32) -> (i32, i32) {
    %c0_i32 = arith.constant 0 : i32
    %c0_i32_0 = arith.constant 0 : i32
    return %arg0, %c0_i32 : i32, i32
  }
  func.func @transform_3(%arg0: i32) -> (i32, i32) {
    %c0_i32 = arith.constant 0 : i32
    %c0_i32_0 = arith.constant 0 : i32
    %c0_i32_1 = arith.constant 0 : i32
    return %c0_i32, %c0_i32_0 : i32, i32
  }
  func.func @transform_4(%arg0: i32) -> (i32, i32) {
    %c0_i32 = arith.constant 0 : i32
    %c0_i32_0 = arith.constant 0 : i32
    return %arg0, %c0_i32 : i32, i32
  }
}

</mosaic_0001>

<sc_bundles>
// kernel: kernel.12.cloned.1.call-start
scs
__scs_entry_jumppad:
0x0: {  	(pc) =	sbr.rel $0x88, $3  }
0x1: {  	(tag) =	ssettag $0x0;
	lr =	simm.s32 $0x1  }
0x2: {  	[smem:$0x3F9B] =	sst lr;
	_ =	strace $0xD0000000  }
0x3: {  	_ = 	snop  }
0x4: {  	_ = 	snop  }
0x5: {  	_ = 	snop  }
0x6: {  	_ = 	snop  }
0x7: {  	_ = 	snop  }
__scs_overlays_trampoline_lowered:
0x8: {  	[smem:$0x3FAA] =	sst s0  }
0x9: {  	[smem:$0x3FAB] =	sst s1  }
0xa: {  	[smem:$0x3FAC] =	sst s2  }
0xb: {  	[smem:$0x3FAD] =	sst s3  }
0xc: {  	[smem:$0x3FAE] =	sst s4  }
0xd: {  	[smem:$0x3FAF] =	sst s5  }
0xe: {  	[smem:$0x3FB0] =	sst s6  }
0xf: {  	[smem:$0x3FB1] =	sst s7  }
0x10: {  	[smem:$0x3FB2] =	sst s8  }
0x11: {  	[smem:$0x3FB3] =	sst s9;
	s0 =	simm.s32 @!p0 $0x0  }
0x12: {  	s1 =	sld [smem:$0x3F99];
	s0 =	simm.s32 @p0 $0x1  }
0x13: {  	[smem:$0x3FB4] =	sst s0;
	s0 =	simm.s32 @!p1 $0x0  }
0x14: {  	s2 =	sld [smem:$0x3F98];
	s0 =	simm.s32 @p1 $0x1  }
0x15: {  	[smem:$0x3FB5] =	sst s0;
	s0 =	simm.s32 @!p2 $0x0  }
0x16: {  	s3 =	sld [smem:$0x3FDB];
	s0 =	simm.s32 @p2 $0x1  }
0x17: {  	s4 =	simm.s32 $0x1BF5;
	[smem:$0x3FB7] =	sst s0  }
0x18: {  	s0 =	sld [smem:$0x3F9A];
	_ =	swait.ge [sflag:s4], $0x0  }
0x19: {  	s7 =	sld [smem:$0x3F9B]  }
0x1a: {  	s8 =	sadd.s32 $0xFFFFE003, lr  }
0x1b: {  	s9 =	sadd.s32 $0xFFFFFEF7, lr;
	s5 =	simm.s32 $0xFFFFFFFF;
	p2 =	slt.u32 s8, $0xFFFFF086  }
0x1c: {  	p1 =	slt.u32 s9, $0xF7A;
	s5 =	simm.s32 @!p2 $0x0  }
0x1d: {  	s5 =	simm.s32 @p1 $0x1;
	p0 =	seq.s32 s7, s2  }
0x1e: {  	s7 =	smul.u32 @!p0 $0xF7A, s2;
	p2 =	seq.s32 @!p0 s5, $0x0  }
0x1f: {  	s9 =	smul.u32 $0xF7A, s1;
	s8 =	simm.s32 @!p0 $0x1BF5;
	p2 =	por !p2, p0  }
0x20: {  	[sflag:s8] =	ssyncset.s32 @!p0 $0xFFFFF086;
	s6 =	sadd.s32 @!p0 s3, s7;
	s7 =	simm.s32 @!p0 $0x108  }
0x21: {  	s3 =	sadd.s32 s3, s9;
	s6 =	sadd.s32 @!p0 $0x88, s6;
	s7 =	simm.s32 @p2 $0x1082  }
0x22: {  	[simem:s7], [sflag:s8] =	dma.local @!p0 [hbm:s6], $0xF7A  }
0x23: {  	s9 =	sor.u32 $0xD0000000, s2;
	s6 =	simm.s32 $0x108;
	_ =	swait.ge @!p0 [sflag:s8], $0x0  }
0x24: {  	s3 =	sadd.s32 $0x88, s3;
	s6 =	simm.s32 @!p1 $0x1082;
	[sflag:s4] =	ssyncset.s32 $0xFFFFF086  }
0x25: {  	[simem:s6], [sflag:s4] =	dma.local [hbm:s3], $0xF7A  }
0x26: {  	[smem:$0x3F9B] =	sst s1;
	(tag) =	ssettag s2;
	_ =	strace s9  }
0x27: {  	s1 =	sld [smem:$0x3FAB]  }
0x28: {  	s2 =	sld [smem:$0x3FAC]  }
0x29: {  	s4 =	sld [smem:$0x3FAE]  }
0x2a: {  	p0 =	seq.s32 s5, $0x0;
	s5 =	sld [smem:$0x3FAF]  }
0x2b: {  	s6 =	sld [smem:$0x3FB0]  }
0x2c: {  	s7 =	sld [smem:$0x3FB1]  }
0x2d: {  	s3 =	simm.s32 $0x108;
	s8 =	sld [smem:$0x3FB2]  }
0x2e: {  	s3 =	simm.s32 @!p0 $0x1082;
	s9 =	sld [smem:$0x3FB3]  }
0x2f: {  	lr =	sadd.s32 s0, s3;
	s0 =	sld [smem:$0x3FAA]  }
0x30: {  	s3 =	sld [smem:$0x3FAD]  }
0x31: {  	[smem:$0x3FB6] =	sst s10  }
0x32: {  	s10 =	sld [smem:$0x3FB4];
	_ =	sdelay $0x3  }
0x33: {  	p0 =	seq.s32 s10, $0x1;
	s10 =	sld [smem:$0x3FB6];
	_ =	sdelay $0x3  }
0x34: {  	[smem:$0x3FB6] =	sst s10  }
0x35: {  	s10 =	sld [smem:$0x3FB5];
	_ =	sdelay $0x3  }
0x36: {  	p1 =	seq.s32 s10, $0x1;
	s10 =	sld [smem:$0x3FB6];
	_ =	sdelay $0x3  }
0x37: {  	[smem:$0x3FB6] =	sst s10  }
0x38: {  	s10 =	sld [smem:$0x3FB7]  }
0x39: {  	_ = 	snop;
	(pc) =	sbr.ind lr, $3  }
0x3a: {  	_ = 	snop  }
0x3b: {  	_ = 	snop  }
0x3c: {  	p2 =	seq.s32 s10, $0x1;
	s10 =	sld [smem:$0x3FB6]  }
0x3d: {  	_ =	shalt  }
0x3e: {  	_ =	shalt  }
0x3f: {  	_ =	shalt  }
0x40: {  	_ =	shalt  }
0x41: {  	_ =	shalt  }
0x42: {  	_ =	shalt  }
0x43: {  	_ =	shalt  }
0x44: {  	_ =	shalt  }
0x45: {  	_ =	shalt  }
0x46: {  	_ =	shalt  }
0x47: {  	_ =	shalt  }
0x48: {  	_ =	shalt  }
0x49: {  	_ =	shalt  }
0x4a: {  	_ =	shalt  }
0x4b: {  	_ =	shalt  }
0x4c: {  	_ =	shalt  }
0x4d: {  	_ =	shalt  }
0x4e: {  	_ =	shalt  }
0x4f: {  	_ =	shalt  }
0x50: {  	_ =	shalt  }
0x51: {  	_ =	shalt  }
0x52: {  	_ =	shalt  }
0x53: {  	_ =	shalt  }
0x54: {  	_ =	shalt  }
0x55: {  	_ =	shalt  }
0x56: {  	_ =	shalt  }
0x57: {  	_ =	shalt  }
0x58: {  	_ =	shalt  }
0x59: {  	_ =	shalt  }
0x5a: {  	_ =	shalt  }
0x5b: {  	_ =	shalt  }
0x5c: {  	_ =	shalt  }
0x5d: {  	_ =	shalt  }
0x5e: {  	_ =	shalt  }
0x5f: {  	_ =	shalt  }
0x60: {  	_ =	shalt  }
0x61: {  	_ =	shalt  }
0x62: {  	_ =	shalt  }
0x63: {  	_ =	shalt  }
0x64: {  	_ =	shalt  }
0x65: {  	_ =	shalt  }
0x66: {  	_ =	shalt  }
0x67: {  	_ =	shalt  }
0x68: {  	_ =	shalt  }
0x69: {  	_ =	shalt  }
0x6a: {  	_ =	shalt  }
0x6b: {  	_ =	shalt  }
0x6c: {  	_ =	shalt  }
0x6d: {  	_ =	shalt  }
0x6e: {  	_ =	shalt  }
0x6f: {  	_ =	shalt  }
0x70: {  	_ =	shalt  }
0x71: {  	_ =	shalt  }
0x72: {  	_ =	shalt  }
0x73: {  	_ =	shalt  }
0x74: {  	_ =	shalt  }
0x75: {  	_ =	shalt  }
0x76: {  	_ =	shalt  }
0x77: {  	_ =	shalt  }
0x78: {  	_ =	shalt  }
0x79: {  	_ =	shalt  }
0x7a: {  	_ =	shalt  }
0x7b: {  	_ =	shalt  }
0x7c: {  	_ =	shalt  }
0x7d: {  	_ =	shalt  }
0x7e: {  	_ =	shalt  }
0x7f: {  	_ =	shalt  }
0x80: {  	_ =	shalt  }
0x81: {  	_ =	shalt  }
0x82: {  	_ =	shalt  }
0x83: {  	_ =	shalt  }
0x84: {  	_ =	shalt  }
0x85: {  	_ =	shalt  }
0x86: {  	_ =	shalt  }
0x87: {  	_ =	shalt  }
.Lfunc_end0:
.L_simem_size_0:
called_computation.1_lowered:
.L_overlay_start_0:
0x88: {  	s2 =	sld [smem:$0x3FD9]  }
0x89: {  	s3 =	sld [smem:$0x3FFE];
	_ =	sdelay $0x1  }
0x8a: {  	s1 =	srdreg.scid  }
0x8b: {  	s0 =	sand.u32 $0x1, s1  }
0x8c: {  	s16 =	sshll.u32 s0, $0xA;
	s2 =	sadd.s32 s3, s2  }
0x8d: {  	s2 =	sadd.s32 s2, s16  }
0x8e: {  	[smem:$0x3FC2] =	sst s2  }
0x8f: {  	_ = 	snop  }
0x90: {  	(tm) =	ssettm $0x1  }
0x91: {  	s17 =	sld [smem:$0x3FFB];
	_ =	sdelay $0x3  }
0x92: {  	_ =	strace s17  }
0x93: {  	s2 =	sld [smem:$0x3FFC];
	_ =	sdelay $0x3  }
0x94: {  	_ =	strace s2  }
0x95: {  	s2 =	sld [smem:$0x3FFD];
	_ =	sdelay $0x3  }
0x96: {  	_ =	strace s2  }
0x97: {  	_ =	strace $0x8FFFFFFF  }
0x98: {  	s18 =	sld [smem:$0x3FDB];
	_ =	sdelay $0x1  }
0x99: {  	s19 =	simm.s32 $_scs_section_size  }
0x9a: {  	s4 =	simm.s32 $_size__tile_overlayer_lowered;
	s5 =	simm.s32 $_tile_overlayer_lowered  }
0x9b: {  	s22 =	simm.s32 $0x1BFF;
	s21 =	sshll.u32 s5, $0x1;
	s2 =	sadd.s32 s19, s18  }
0x9c: {  	s6 =	simm.s32 $0x0;
	s20 =	sshll.u32 s4, $0x1;
	s4 =	sadd.s32 s21, s2  }
0x9d: {  	[timem:s6], [sflag:s22] =	dma.local [hbm:s4], s20  }
0x9e: {  	_ =	swait.ge [sflag:s22], s20  }
0x9f: {  	s3 =	ssub.s32 $0x0, s20;
	[sflag:s22] =	ssyncset.done $0x0  }
0xa0: {  	[sflag:s22] =	ssyncadd.s32 s3;
	_ =	sdelay $0x1  }
0xa1: {  	s23 =	simm.s32 $0x1B8B  }
0xa2: {  	_ =	swait.ge [sflag:s23], $0x1  }
0xa3: {  	[sflag:s23] =	ssyncset.done $0x0  }
0xa4: {  	s25 =	simm.s32 $0x1B8E;
	s24 =	sld [smem:$0x3FFE];
	[sflag:s23] =	ssyncadd.s32 $0xFFFFFFFF  }
0xa5: {  	s26 =	simm.s32 $execute0_lowered;
	[smem:$0x3FD2] =	sst s25  }
0xa6: {  	s4 =	sshll.u32 s26, $0x1;
	_ =	strace $0x80000049;
	[dreg:$0x1] =	wrdreg $0xFFFFFFFF  }
0xa7: {  	s28 =	simm.s32 $_size_execute0_lowered;
	s2 =	sadd.s32 s2, s4;
	[dreg:$0x0] =	wrdreg $0x0  }
0xa8: {  	s4 =	sshll.u32 s28, $0x1;
	[dreg:$0x2] =	wrdreg s2  }
0xa9: {  	[dreg:$0x3] =	wrdreg s4  }
0xaa: {  	[dreg:$0x4] =	wrdreg $0xC0  }
0xab: {  	_ =	task [dreg:s6], $0x5FFFF  }
0xac: {  	[dreg:$0x1] =	wrdreg $0xFFFFFFFF  }
0xad: {  	[dreg:$0x0] =	wrdreg $0x60  }
0xae: {  	[dreg:$0x2] =	wrdreg s24  }
0xaf: {  	[dreg:$0x3] =	wrdreg $0xC3000  }
0xb0: {  	[dreg:$0x4] =	wrdreg $0x9  }
0xb1: {  	_ =	task.clear_ibuf [dreg:s6], $0x5FFFF;
	_ =	strace $0x90000049  }
0xb2: {  	s29 =	simm.s32 $0x9;
	_ =	strace $0x8000004B  }
0xb3: {  	_ =	swait.ge [sflag:s29], $0x1  }
0xb4: {  	[sflag:s29] =	ssyncadd.s32 $0xFFFFFFFF  }
0xb5: {  	_ =	strace $0x9000004B  }
0xb6: {  	_ =	sfence  }
0xb7: {  	s30 =	sld [smem:$0x0];
	_ =	sdelay $0x2  }
0xb8: {  	s31 =	sshll.u32 s1, $0xD;
	s1 =	sshrl.u32 s1, $0x2  }
0xb9: {  	s3 =	sand.u32 $0x4000, s31;
	s1 =	sadd.s32 s1, s30  }
0xba: {  	s0 =	sor.u32 s3, s0;
	s1 =	sshll.u32 s1, $0x11  }
0xbb: {  	s0 =	sor.u32 s1, s0  }
0xbc: {  	s0 =	sadd.s32 $0x8F2B, s0  }
0xbd: {  	[sflag:s0] =	ssyncadd.remote.s32 $0x1  }
0xbe: {  	_ =	sfence.sel $0xFFFF  }
0xbf: {  	[dreg:$0x0] =	wrdreg $0xFFFFFFFF;
	(pc) =	sbr.abs _section_cstart, $3  }
0xc0: {  	[dreg:$0x1] =	wrdreg $0xFFFFFFFF  }
0xc1: {  	_ =	task.clear_ibuf [dreg:s6], $0x2FFFF;
	_ =	strace $0x9FFFFFFF  }
0xc2: {  	(tm) =	ssettm $0x7FFFFFFF  }
0xc3: {  	_ =	shalt  }
tec
execute0_lowered:
.L_overlay_start_1:
0x0: {  	(tag) =	ssettag $0x1  }
0x1: {  	s0 =	rddreg [dreg:$0x0]  }
0x2: {  	s1 =	rddreg [dreg:$0x1]  }
0x3: {  	s3 =	simm.s32 $0x0;
	s2 =	srdreg.scid;
	s14 =	stileid.u32  }
0x4: {  	s28 =	simm.s32 $0x4300;
	s29 =	simm.s32 $0x3;
	s30 =	simm.s32 $0x8300  }
0x5: {  	s31 =	simm.s32 $0x4;
	[smem:$0x7FF] =	sst s3;
	s2 =	sand.u32 $0x1, s2  }
0x6: {  	s5 =	smul.u32 $0x13880, s14;
	s4 =	sadd.s32 $0x15600, s0;
	s8 =	sadd.s32 $0x1A00, s0  }
0x7: {  	s10 =	sadd.s32 $0xB800, s0;
	s25 =	sshll.u32 s14, $0x6;
	_ =	strace $0x8000004A  }
0x8: {  	s6 =	sshll.u32 s2, $0x4;
	s7 =	smul.u32 $0x27100, s2;
	s12 =	ssub.s32 $0x2, s2  }
0x9: {  	s2 =	smul.u32 $0xFFFF9C40, s2;
	s6 =	sor.u32 s14, s6;
	s9 =	sshrl.u32 s5, $0x3  }
0xa: {  	s22 =	sshrl.u32 s12, $0x1;
	s5 =	sadd.s32 s5, s1;
	s6 =	smul.u32 $0x9C4, s6  }
0xb: {  	s11 =	sadd.s32 s9, s0;
	s0 =	sadd.s32 s7, s0;
	s12 =	ssub.s32 s12, s22  }
0xc: {  	[dreg:$0x6] =	wrdreg s5;
	s7 =	sor.u32 $0x1C08, s25;
	s2 =	sand.u32 $0xFFC0, s2  }
0xd: {  	s24 =	sadd.s32 $0x3C800, s11;
	s0 =	sadd.s32 $0x63A00, s0;
	s13 =	sadd.s32 $0x9C4, s6  }
0xe: {  	s23 =	sshrl.u32 s6, $0x5;
	[dreg:$0x7] =	wrdreg s24;
	s6 =	sshrl.u32 s6, $0x1  }
0xf: {  	s0 =	sadd.s32 s9, s0;
	s13 =	sshrl.u32 s13, $0x5;
	s16 =	sand.u32 $0xFFF0, s6  }
0x10: {  	s26 =	sshll.u32 s23, $0x4;
	[dreg:$0xf] =	wrdreg s0;
	s15 =	sadd.s32 s8, s16  }
0x11: {  	s17 =	sadd.s32 $0x10, s26;
	s5 =	sadd.s32 s10, s16;
	[dreg:$0x8] =	wrdreg s15  }
0x12: {  	s20 =	sadd.s32 $0x20, s26;
	s26 =	smax.u32 s12, $0x1;
	[dreg:$0x9] =	wrdreg s5  }
0x13: {  	s0 =	simm.s32 $0x5;
	s18 =	sadd.s32 s8, s17;
	[dreg:$0xe] =	wrdreg s26  }
0x14: {  	s6 =	simm.s32 $0x0;
	s19 =	sadd.s32 s10, s17;
	[dreg:$0xa] =	wrdreg s18  }
0x15: {  	s13 =	ssub.s32 s13, s23;
	s21 =	sadd.s32 s8, s20;
	[dreg:$0xb] =	wrdreg s19  }
0x16: {  	s23 =	smul.u32 $0x9C4, s14;
	s22 =	sadd.s32 $0xFFFFFFFD, s13;
	[dreg:$0xc] =	wrdreg s21  }
0x17: {  	s24 =	sadd.s32 $0xFFFFFFFC, s13;
	s25 =	sadd.s32 $0xFFFFFFFB, s13;
	[dreg:$0x3] =	wrdreg s22  }
0x18: {  	s5 =	sadd.s32 s10, s20;
	s17 =	simm.s32 $0x8;
	[dreg:$0x4] =	wrdreg s24  }
0x19: {  	s20 =	simm.s32 $0x200;
	p0 =	slt.s32 s13, $0x4F;
	[dreg:$0xd] =	wrdreg s5  }
0x1a: {  	s26 =	simm.s32 $0x2;
	s2 =	sadd.s32 s23, s2;
	[dreg:$0x5] =	wrdreg s25  }
0x1b: {  	s18 =	simm.s32 $0x180;
	s19 =	simm.s32 $0x80;
	s21 =	simm.s32 $0x100  }
0x1c: {  	s22 =	simm.s32 $0x280;
	s23 =	simm.s32 $0x1;
	s2 =	sshrl.u32 s2, $0x1  }
0x1d: {  	s25 =	simm.s32 $0x300;
	s5 =	simm.s32 $0x6;
	s2 =	sand.u32 $0xFFF0, s2  }
0x1e: {  	s15 =	sadd.s32 s2, s8;
	s16 =	sadd.s32 s2, s10;
	s2 =	simm.s32 $0x7  }
.LBB2_1:
0x1f: {  	s8 =	rddreg [dreg:$0x6]  }
0x20: {  	s9 =	rddreg [dreg:$0x7];
	s8 =	sshrl.u32 s8, $0x3  }
0x21: {  	[spmem:s8], [sflag:s7] =	dma.local [hbm:s9], $0x2710  }
0x22: {  	_ =	swait.ge [sflag:s17], $0x2710  }
0x23: {  	[sflag:s17] =	ssyncset.done $0x0  }
0x24: {  	[sflag:s17] =	ssyncadd.s32 $0xFFFFD8F0  }
0x25: {  	[bflag:$0x0] =	sbarrier.arrive $0xFFFF  }
0x26: {  	s13 =	rddreg [dreg:$0x8]  }
0x27: {  	[tilespmem:s3], [sflag:$0x1] =	stream.linear.gather [hbm4b:s13+s3], $0x80, $0x38;
	[tilespmem:$0x1FB80] =	vst v63  }
0x28: {  	s14 =	rddreg [dreg:$0x9]  }
0x29: {  	[tilespmem:s18], [sflag:$0x1] =	stream.linear.gather [hbm4b:s14+s3], $0x80, $0x38;
	[tilespmem:$0x1FB80] =	vst v63  }
0x2a: {  	s24 =	rddreg [dreg:$0xa]  }
0x2b: {  	[tilespmem:s19], [sflag:$0x2] =	stream.linear.gather [hbm4b:s24+s3], $0x80, $0x38;
	[tilespmem:$0x1FB80] =	vst v63  }
0x2c: {  	s10 =	rddreg [dreg:$0xb]  }
0x2d: {  	[tilespmem:s20], [sflag:$0x2] =	stream.linear.gather [hbm4b:s10+s3], $0x80, $0x38;
	[tilespmem:$0x1FB80] =	vst v63  }
0x2e: {  	s11 =	rddreg [dreg:$0xc]  }
0x2f: {  	[tilespmem:s21], [sflag:$0x3] =	stream.linear.gather [hbm4b:s11+s3], $0x80, $0x38;
	[tilespmem:$0x1FB80] =	vst v63  }
0x30: {  	s12 =	rddreg [dreg:$0xd]  }
0x31: {  	[tilespmem:s22], [sflag:$0x3] =	stream.linear.gather [hbm4b:s12+s3], $0x80, $0x38;
	[tilespmem:$0x1FB80] =	vst v63  }
0x32: {  	_ =	swait.ge [sflag:s23], $0x80  }
0x33: {  	[sflag:s23] =	ssyncset.done $0x0  }
0x34: {  	[sflag:s23] =	ssyncadd.s32 $0xFFFFFF80  }
0x35: {  	_ =	swait.ge [sflag:s23], $0x80  }
0x36: {  	[sflag:s23] =	ssyncset.done $0x0  }
0x37: {  	[sflag:s23] =	ssyncadd.s32 $0xFFFFFF80  }
0x38: {  	[tilespmem:s25], [sflag:$0x4] =	stream.indirect.gather [hbm4b:s4+s19], $0x80, s3, s19, $0xb8;
	[tilespmem:$0x1FB80] =	vst v63  }
0x39: {  	_ =	swait.ge [sflag:s26], $0x80  }
0x3a: {  	[sflag:s26] =	ssyncset.done $0x0  }
0x3b: {  	[sflag:s26] =	ssyncadd.s32 $0xFFFFFF80  }
0x3c: {  	_ =	swait.ge [sflag:s26], $0x80  }
0x3d: {  	[sflag:s26] =	ssyncset.done $0x0  }
0x3e: {  	[sflag:s26] =	ssyncadd.s32 $0xFFFFFF80  }
0x3f: {  	[tilespmem:s28], [sflag:$0x5] =	stream.indirect.gather [hbm4b:s4+s19], $0x80, s19, s19, $0xb8;
	[tilespmem:$0x1FB80] =	vst v63  }
0x40: {  	_ =	swait.ge [sflag:s29], $0x80  }
0x41: {  	[sflag:s29] =	ssyncset.done $0x0  }
0x42: {  	[sflag:s29] =	ssyncadd.s32 $0xFFFFFF80  }
0x43: {  	_ =	swait.ge [sflag:s29], $0x80  }
0x44: {  	[sflag:s29] =	ssyncset.done $0x0  }
0x45: {  	[sflag:s29] =	ssyncadd.s32 $0xFFFFFF80  }
0x46: {  	[tilespmem:s30], [sflag:$0x6] =	stream.indirect.gather [hbm4b:s4+s19], $0x80, s21, s19, $0xb8;
	[tilespmem:$0x1FB80] =	vst v63  }
0x47: {  	_ =	swait.ge [sflag:s31], $0x4000  }
0x48: {  	[sflag:s31] =	ssyncset.done $0x0  }
0x49: {  	[sflag:s31] =	ssyncadd.s32 $0xFFFFC000  }
0x4a: {  	[spmem:s1] =	stream.indirect.scatter.add.f32 [tilespmem:s25], [sflag:$0x7], $0x80, s18, s19, $0xb8;
	[tilespmem:$0x1FB80] =	vst v63  }
0x4b: {  	_ =	swait.ge [sflag:s0], $0x4000  }
0x4c: {  	[sflag:s0] =	ssyncset.done $0x0  }
0x4d: {  	[sflag:s0] =	ssyncadd.s32 $0xFFFFC000  }
0x4e: {  	_ =	swait.ge [sflag:s2], $0x4000  }
0x4f: {  	s13 =	rddreg [dreg:$0x3]  }
0x50: {  	[sflag:s2] =	ssyncset.done $0x0;
	p1 =	sle.s32 s13, $0x0  }
0x51: {  	[sflag:s2] =	ssyncadd.s32 $0xFFFFC000;
	s9 =	sadd.s32 @!p1 $0x0, s15  }
0x52: {  	s10 =	sadd.s32 @!p1 $0x0, s16;
	s11 =	simm.s32 @!p1 $0x0;
	s9 =	sadd.s32 @!p1 $0x30, s9  }
0x53: {  	[tilespmem:s11], [sflag:$0x1] =	stream.linear.gather @!p1 [hbm4b:s9+s11], $0x80, $0x38;
	[tilespmem:$0x1FB80] =	vst v63  }
0x54: {  	s9 =	sadd.s32 @!p1 $0x30, s10;
	s10 =	simm.s32 @!p1 $0x180  }
0x55: {  	[tilespmem:s10], [sflag:$0x1] =	stream.linear.gather @!p1 [hbm4b:s9+s11], $0x80, $0x38;
	[tilespmem:$0x1FB80] =	vst v63  }
0x56: {  	_ = 	snop  }
0x57: {  	[spmem:s1] =	stream.indirect.scatter.add.f32 [tilespmem:s28], [sflag:$0x7], $0x80, s20, s19, $0xb8;
	[tilespmem:$0x1FB80] =	vst v63  }
0x58: {  	_ =	swait.ge [sflag:s5], $0x4000  }
0x59: {  	[sflag:s5] =	ssyncset.done $0x0  }
0x5a: {  	[sflag:s5] =	ssyncadd.s32 $0xFFFFC000  }
0x5b: {  	_ =	swait.ge [sflag:s2], $0x4000  }
0x5c: {  	s14 =	rddreg [dreg:$0x4]  }
0x5d: {  	[sflag:s2] =	ssyncset.done $0x0;
	p1 =	sle.s32 s14, $0x0  }
0x5e: {  	[sflag:s2] =	ssyncadd.s32 $0xFFFFC000;
	s9 =	sadd.s32 @!p1 $0x0, s15;
	s10 =	simm.s32 @!p1 $0x80  }
0x5f: {  	s11 =	sadd.s32 @!p1 $0x0, s16;
	s12 =	simm.s32 @!p1 $0x0;
	s9 =	sadd.s32 @!p1 $0x40, s9  }
0x60: {  	[tilespmem:s10], [sflag:$0x2] =	stream.linear.gather @!p1 [hbm4b:s9+s12], $0x80, $0x38;
	[tilespmem:$0x1FB80] =	vst v63  }
0x61: {  	s9 =	sadd.s32 @!p1 $0x40, s11;
	s10 =	simm.s32 @!p1 $0x200  }
0x62: {  	[tilespmem:s10], [sflag:$0x2] =	stream.linear.gather @!p1 [hbm4b:s9+s12], $0x80, $0x38;
	[tilespmem:$0x1FB80] =	vst v63  }
0x63: {  	_ = 	snop  }
0x64: {  	[spmem:s1] =	stream.indirect.scatter.add.f32 [tilespmem:s30], [sflag:$0x7], $0x80, s22, s19, $0xb8;
	[tilespmem:$0x1FB80] =	vst v63  }
0x65: {  	_ =	swait.ge [sflag:s2], $0x4000  }
0x66: {  	s24 =	rddreg [dreg:$0x5]  }
0x67: {  	[sflag:s2] =	ssyncset.done $0x0;
	p2 =	sle.s32 s24, $0x0  }
0x68: {  	[sflag:s2] =	ssyncadd.s32 $0xFFFFC000;
	s9 =	sadd.s32 @!p2 $0x0, s15  }
0x69: {  	s10 =	simm.s32 @!p2 $0x100;
	s11 =	simm.s32 @!p2 $0x0;
	s9 =	sadd.s32 @!p2 $0x50, s9  }
0x6a: {  	[tilespmem:s10], [sflag:$0x3] =	stream.linear.gather @!p2 [hbm4b:s9+s11], $0x80, $0x38;
	[tilespmem:$0x1FB80] =	vst v63  }
0x6b: {  	s13 =	simm.s32 @!p2 $0x280;
	s10 =	sadd.s32 @!p2 $0x0, s16  }
0x6c: {  	s9 =	simm.s32 $0x30;
	s12 =	sadd.s32 @!p2 $0x50, s10;
	s10 =	simm.s32 $0x3  }
.LBB2_2:
0x6d: {  	[tilespmem:s13], [sflag:$0x3] =	stream.linear.gather @!p2 [hbm4b:s12+s11], $0x80, $0x38;
	[tilespmem:$0x1FB80] =	vst v63  }
0x6e: {  	_ =	swait.ge [sflag:s23], $0x80  }
0x6f: {  	[sflag:s23] =	ssyncset.done $0x0  }
0x70: {  	[sflag:s23] =	ssyncadd.s32 $0xFFFFFF80  }
0x71: {  	_ =	swait.ge [sflag:s23], $0x80  }
0x72: {  	[sflag:s23] =	ssyncset.done $0x0  }
0x73: {  	[sflag:s23] =	ssyncadd.s32 $0xFFFFFF80  }
0x74: {  	[tilespmem:s25], [sflag:$0x4] =	stream.indirect.gather [hbm4b:s4+s19], $0x80, s3, s19, $0xb8;
	[tilespmem:$0x1FB80] =	vst v63  }
0x75: {  	_ =	swait.ge [sflag:s26], $0x80  }
0x76: {  	[sflag:s26] =	ssyncset.done $0x0  }
0x77: {  	[sflag:s26] =	ssyncadd.s32 $0xFFFFFF80  }
0x78: {  	_ =	swait.ge [sflag:s26], $0x80  }
0x79: {  	[sflag:s26] =	ssyncset.done $0x0  }
0x7a: {  	[sflag:s26] =	ssyncadd.s32 $0xFFFFFF80  }
0x7b: {  	[tilespmem:s28], [sflag:$0x5] =	stream.indirect.gather [hbm4b:s4+s19], $0x80, s19, s19, $0xb8;
	[tilespmem:$0x1FB80] =	vst v63  }
0x7c: {  	_ =	swait.ge [sflag:s29], $0x80  }
0x7d: {  	[sflag:s29] =	ssyncset.done $0x0  }
0x7e: {  	[sflag:s29] =	ssyncadd.s32 $0xFFFFFF80  }
0x7f: {  	_ =	swait.ge [sflag:s29], $0x80  }
0x80: {  	[sflag:s29] =	ssyncset.done $0x0  }
0x81: {  	[sflag:s29] =	ssyncadd.s32 $0xFFFFFF80  }
0x82: {  	[tilespmem:s30], [sflag:$0x6] =	stream.indirect.gather [hbm4b:s4+s19], $0x80, s21, s19, $0xb8;
	[tilespmem:$0x1FB80] =	vst v63  }
0x83: {  	_ =	swait.ge [sflag:s31], $0x4000  }
0x84: {  	[sflag:s31] =	ssyncset.done $0x0  }
0x85: {  	[sflag:s31] =	ssyncadd.s32 $0xFFFFC000  }
0x86: {  	[spmem:s1] =	stream.indirect.scatter.add.f32 [tilespmem:s25], [sflag:$0x7], $0x80, s18, s19, $0xb8;
	[tilespmem:$0x1FB80] =	vst v63  }
0x87: {  	_ =	swait.ge [sflag:s0], $0x4000  }
0x88: {  	[sflag:s0] =	ssyncset.done $0x0  }
0x89: {  	[sflag:s0] =	ssyncadd.s32 $0xFFFFC000  }
0x8a: {  	_ =	swait.ge [sflag:s2], $0x4000  }
0x8b: {  	s13 =	rddreg [dreg:$0x3]  }
0x8c: {  	s11 =	smov.u32 s9;
	[sflag:s2] =	ssyncset.done $0x0;
	p2 =	sge.s32 s10, s13  }
0x8d: {  	[sflag:s2] =	ssyncadd.s32 $0xFFFFC000;
	s12 =	sadd.s32 @!p2 s11, s15  }
0x8e: {  	s13 =	sadd.s32 @!p2 s11, s16;
	s14 =	simm.s32 @!p2 $0x0;
	s12 =	sadd.s32 @!p2 $0x30, s12  }
0x8f: {  	[tilespmem:s14], [sflag:$0x1] =	stream.linear.gather @!p2 [hbm4b:s12+s14], $0x80, $0x38;
	[tilespmem:$0x1FB80] =	vst v63  }
0x90: {  	s12 =	sadd.s32 @!p2 $0x30, s13;
	s13 =	simm.s32 @!p2 $0x180  }
0x91: {  	[tilespmem:s13], [sflag:$0x1] =	stream.linear.gather @!p2 [hbm4b:s12+s14], $0x80, $0x38;
	[tilespmem:$0x1FB80] =	vst v63  }
0x92: {  	_ = 	snop  }
0x93: {  	[spmem:s1] =	stream.indirect.scatter.add.f32 [tilespmem:s28], [sflag:$0x7], $0x80, s20, s19, $0xb8;
	[tilespmem:$0x1FB80] =	vst v63  }
0x94: {  	_ =	swait.ge [sflag:s5], $0x4000  }
0x95: {  	[sflag:s5] =	ssyncset.done $0x0  }
0x96: {  	[sflag:s5] =	ssyncadd.s32 $0xFFFFC000  }
0x97: {  	_ =	swait.ge [sflag:s2], $0x4000  }
0x98: {  	s14 =	rddreg [dreg:$0x4]  }
0x99: {  	[sflag:s2] =	ssyncset.done $0x0;
	p2 =	sge.s32 s10, s14  }
0x9a: {  	[sflag:s2] =	ssyncadd.s32 $0xFFFFC000;
	s12 =	sadd.s32 @!p2 s11, s15;
	s13 =	simm.s32 @!p2 $0x80  }
0x9b: {  	s14 =	sadd.s32 @!p2 s11, s16;
	s24 =	simm.s32 @!p2 $0x0;
	s12 =	sadd.s32 @!p2 $0x40, s12  }
0x9c: {  	[tilespmem:s13], [sflag:$0x2] =	stream.linear.gather @!p2 [hbm4b:s12+s24], $0x80, $0x38;
	[tilespmem:$0x1FB80] =	vst v63  }
0x9d: {  	s12 =	sadd.s32 @!p2 $0x40, s14;
	s13 =	simm.s32 @!p2 $0x200  }
0x9e: {  	[tilespmem:s13], [sflag:$0x2] =	stream.linear.gather @!p2 [hbm4b:s12+s24], $0x80, $0x38;
	[tilespmem:$0x1FB80] =	vst v63  }
0x9f: {  	_ = 	snop  }
0xa0: {  	[spmem:s1] =	stream.indirect.scatter.add.f32 [tilespmem:s30], [sflag:$0x7], $0x80, s22, s19, $0xb8;
	[tilespmem:$0x1FB80] =	vst v63  }
0xa1: {  	s9 =	sadd.s32 $0x30, s9;
	_ =	swait.ge [sflag:s2], $0x4000  }
0xa2: {  	p1 =	sne.s32 s9, $0x4E0;
	s24 =	rddreg [dreg:$0x5]  }
.Ltmp0:
0xa3: {  	[sflag:s2] =	ssyncset.done $0x0;
	p2 =	sge.s32 s10, s24;
	(pc) =	sbr.rel @p1 .LBB2_2-.Ltmp0, $4  }
0xa4: {  	[sflag:s2] =	ssyncadd.s32 $0xFFFFC000;
	s12 =	sadd.s32 @!p2 s11, s15;
	s13 =	simm.s32 @!p2 $0x100  }
0xa5: {  	s14 =	sadd.s32 @!p2 s11, s16;
	s11 =	simm.s32 @!p2 $0x0;
	s12 =	sadd.s32 @!p2 $0x50, s12  }
0xa6: {  	[tilespmem:s13], [sflag:$0x3] =	stream.linear.gather @!p2 [hbm4b:s12+s11], $0x80, $0x38;
	[tilespmem:$0x1FB80] =	vst v63  }
0xa7: {  	s10 =	sadd.s32 $0x3, s10;
	s12 =	sadd.s32 @!p2 $0x50, s14;
	s13 =	simm.s32 @!p2 $0x280  }
0xa8: {  	[tilespmem:s13], [sflag:$0x3] =	stream.linear.gather @!p2 [hbm4b:s12+s11], $0x80, $0x38;
	[tilespmem:$0x1FB80] =	vst v63  }
0xa9: {  	s9 =	simm.s32 @!p0 $0x1  }
0xaa: {  	_ =	swait.ge @!p0 [sflag:s9], $0x80  }
0xab: {  	[sflag:s9] =	ssyncset.done @!p0 $0x0  }
0xac: {  	[sflag:s9] =	ssyncadd.s32 @!p0 $0xFFFFFF80  }
0xad: {  	_ =	swait.ge @!p0 [sflag:s9], $0x80  }
0xae: {  	s10 =	simm.s32 @!p0 $0x0;
	[sflag:s9] =	ssyncset.done @!p0 $0x0  }
0xaf: {  	s11 =	simm.s32 @!p0 $0x300;
	[sflag:s9] =	ssyncadd.s32 @!p0 $0xFFFFFF80;
	s9 =	simm.s32 @!p0 $0x80  }
0xb0: {  	[tilespmem:s11], [sflag:$0x4] =	stream.indirect.gather @!p0 [hbm4b:s4+s9], $0x80, s10, s9, $0xb8;
	[tilespmem:$0x1FB80] =	vst v63  }
0xb1: {  	s10 =	simm.s32 @!p0 $0x4  }
0xb2: {  	_ =	swait.ge @!p0 [sflag:s10], $0x4000  }
0xb3: {  	[sflag:s10] =	ssyncset.done @!p0 $0x0  }
0xb4: {  	[sflag:s10] =	ssyncadd.s32 @!p0 $0xFFFFC000;
	s10 =	simm.s32 @!p0 $0x180  }
0xb5: {  	[spmem:s1] =	stream.indirect.scatter.add.f32 @!p0 [tilespmem:s11], [sflag:$0x7], $0x80, s10, s9, $0xb8;
	[tilespmem:$0x1FB80] =	vst v63  }
0xb6: {  	s9 =	simm.s32 @!p0 $0x7  }
0xb7: {  	_ =	swait.ge @!p0 [sflag:s9], $0x4000  }
0xb8: {  	[sflag:s9] =	ssyncset.done @!p0 $0x0  }
0xb9: {  	[sflag:s9] =	ssyncadd.s32 @!p0 $0xFFFFC000  }
0xba: {  	[bflag:$0x0] =	sbarrier.arrive $0xFFFF  }
0xbb: {  	s14 =	rddreg [dreg:$0xf]  }
0xbc: {  	[hbm:s14], [sflag:s7] =	dma.local [spmem:s8], $0x2710  }
0xbd: {  	_ =	swait.ge [sflag:s17], $0x2710  }
0xbe: {  	s6 =	sadd.s32 $0x1, s6;
	s24 =	rddreg [dreg:$0xe]  }
0xbf: {  	p1 =	sne.s32 s6, s24  }
.Ltmp1:
0xc0: {  	_ = 	snop;
	(pc) =	sbr.rel @p1 .LBB2_1-.Ltmp1, $3  }
0xc1: {  	_ =	sdelay $0x1  }
0xc2: {  	[sflag:s17] =	ssyncset.done $0x0  }
0xc3: {  	[sflag:s17] =	ssyncadd.s32 $0xFFFFD8F0  }
0xc4: {  	_ =	sfence.sel $0x180000  }
0xc5: {  	[bflag:$0x0] =	sbarrier.arrive $0xFFFF  }
0xc6: {  	_ =	strace $0x9000004A  }
0xc7: {  	s0 =	stileid.u32;
	[bflag:$0x2] =	sbarrier.arrive $0xFFFF  }
0xc8: {  	p0 =	sne.s32 s0, $0x0;
	s0 =	rddreg [dreg:$0x2]  }
0xc9: {  	s0 =	sadd.s32 @!p0 $0x100000, s0  }
0xca: {  	[sflag:s0] =	ssyncadd.tile.s32 @!p0 $0x1;
	_ =	shalt  }
.Lfunc_end2:
_tile_overlayer_lowered:
.L_overlay_start_2:
0xcb: {  	(tag) =	ssettag $0x2  }
0xcc: {  	s0 =	rddreg [dreg:$0x0];
	s2 =	stileid.u32  }
0xcd: {  	s1 =	rddreg [dreg:$0x1];
	p0 =	sne.s32 s2, $0x0  }
0xce: {  	s3 =	rddreg [dreg:$0x2];
	[bflag:$0x3] =	sbarrier.arrive $0xFFFF;
	s2 =	simm.s32 @!p0 $0x1C08  }
0xcf: {  	[timem:s3], [sflag:s2] =	dma.local @!p0 [hbm:s0], s1  }
0xd0: {  	s0 =	simm.s32 @!p0 $0x8  }
0xd1: {  	_ =	swait.ge @!p0 [sflag:s0], s1  }
0xd2: {  	s1 =	ssub.s32 @!p0 $0x0, s1;
	[sflag:s0] =	ssyncset.done @!p0 $0x0  }
0xd3: {  	[sflag:s0] =	ssyncadd.s32 @!p0 s1  }
0xd4: {  	[bflag:$0x3] =	sbarrier.arrive $0xFFFF  }
0xd5: {  	_ =	shalt  }

// kernel: kernel.15.cloned.1.call-start
scs
__scs_entry_jumppad:
0x0: {  	(pc) =	sbr.rel $0x88, $3  }
0x1: {  	(tag) =	ssettag $0x0;
	lr =	simm.s32 $0x1  }
0x2: {  	[smem:$0x3F9B] =	sst lr;
	_ =	strace $0xD0000000  }
0x3: {  	_ = 	snop  }
0x4: {  	_ = 	snop  }
0x5: {  	_ = 	snop  }
0x6: {  	_ = 	snop  }
0x7: {  	_ = 	snop  }
__scs_overlays_trampoline_lowered:
0x8: {  	[smem:$0x3FAA] =	sst s0  }
0x9: {  	[smem:$0x3FAB] =	sst s1  }
0xa: {  	[smem:$0x3FAC] =	sst s2  }
0xb: {  	[smem:$0x3FAD] =	sst s3  }
0xc: {  	[smem:$0x3FAE] =	sst s4  }
0xd: {  	[smem:$0x3FAF] =	sst s5  }
0xe: {  	[smem:$0x3FB0] =	sst s6  }
0xf: {  	[smem:$0x3FB1] =	sst s7  }
0x10: {  	[smem:$0x3FB2] =	sst s8  }
0x11: {  	[smem:$0x3FB3] =	sst s9;
	s0 =	simm.s32 @!p0 $0x0  }
0x12: {  	s1 =	sld [smem:$0x3F99];
	s0 =	simm.s32 @p0 $0x1  }
0x13: {  	[smem:$0x3FB4] =	sst s0;
	s0 =	simm.s32 @!p1 $0x0  }
0x14: {  	s2 =	sld [smem:$0x3F98];
	s0 =	simm.s32 @p1 $0x1  }
0x15: {  	[smem:$0x3FB5] =	sst s0;
	s0 =	simm.s32 @!p2 $0x0  }
0x16: {  	s3 =	sld [smem:$0x3FDB];
	s0 =	simm.s32 @p2 $0x1  }
0x17: {  	s4 =	simm.s32 $0x1BF5;
	[smem:$0x3FB7] =	sst s0  }
0x18: {  	s0 =	sld [smem:$0x3F9A];
	_ =	swait.ge [sflag:s4], $0x0  }
0x19: {  	s7 =	sld [smem:$0x3F9B]  }
0x1a: {  	s8 =	sadd.s32 $0xFFFFE003, lr  }
0x1b: {  	s9 =	sadd.s32 $0xFFFFFEF7, lr;
	s5 =	simm.s32 $0xFFFFFFFF;
	p2 =	slt.u32 s8, $0xFFFFF086  }
0x1c: {  	p1 =	slt.u32 s9, $0xF7A;
	s5 =	simm.s32 @!p2 $0x0  }
0x1d: {  	s5 =	simm.s32 @p1 $0x1;
	p0 =	seq.s32 s7, s2  }
0x1e: {  	s7 =	smul.u32 @!p0 $0xF7A, s2;
	p2 =	seq.s32 @!p0 s5, $0x0  }
0x1f: {  	s9 =	smul.u32 $0xF7A, s1;
	s8 =	simm.s32 @!p0 $0x1BF5;
	p2 =	por !p2, p0  }
0x20: {  	[sflag:s8] =	ssyncset.s32 @!p0 $0xFFFFF086;
	s6 =	sadd.s32 @!p0 s3, s7;
	s7 =	simm.s32 @!p0 $0x108  }
0x21: {  	s3 =	sadd.s32 s3, s9;
	s6 =	sadd.s32 @!p0 $0x88, s6;
	s7 =	simm.s32 @p2 $0x1082  }
0x22: {  	[simem:s7], [sflag:s8] =	dma.local @!p0 [hbm:s6], $0xF7A  }
0x23: {  	s9 =	sor.u32 $0xD0000000, s2;
	s6 =	simm.s32 $0x108;
	_ =	swait.ge @!p0 [sflag:s8], $0x0  }
0x24: {  	s3 =	sadd.s32 $0x88, s3;
	s6 =	simm.s32 @!p1 $0x1082;
	[sflag:s4] =	ssyncset.s32 $0xFFFFF086  }
0x25: {  	[simem:s6], [sflag:s4] =	dma.local [hbm:s3], $0xF7A  }
0x26: {  	[smem:$0x3F9B] =	sst s1;
	(tag) =	ssettag s2;
	_ =	strace s9  }
0x27: {  	s1 =	sld [smem:$0x3FAB]  }
0x28: {  	s2 =	sld [smem:$0x3FAC]  }
0x29: {  	s4 =	sld [smem:$0x3FAE]  }
0x2a: {  	p0 =	seq.s32 s5, $0x0;
	s5 =	sld [smem:$0x3FAF]  }
0x2b: {  	s6 =	sld [smem:$0x3FB0]  }
0x2c: {  	s7 =	sld [smem:$0x3FB1]  }
0x2d: {  	s3 =	simm.s32 $0x108;
	s8 =	sld [smem:$0x3FB2]  }
0x2e: {  	s3 =	simm.s32 @!p0 $0x1082;
	s9 =	sld [smem:$0x3FB3]  }
0x2f: {  	lr =	sadd.s32 s0, s3;
	s0 =	sld [smem:$0x3FAA]  }
0x30: {  	s3 =	sld [smem:$0x3FAD]  }
0x31: {  	[smem:$0x3FB6] =	sst s10  }
0x32: {  	s10 =	sld [smem:$0x3FB4];
	_ =	sdelay $0x3  }
0x33: {  	p0 =	seq.s32 s10, $0x1;
	s10 =	sld [smem:$0x3FB6];
	_ =	sdelay $0x3  }
0x34: {  	[smem:$0x3FB6] =	sst s10  }
0x35: {  	s10 =	sld [smem:$0x3FB5];
	_ =	sdelay $0x3  }
0x36: {  	p1 =	seq.s32 s10, $0x1;
	s10 =	sld [smem:$0x3FB6];
	_ =	sdelay $0x3  }
0x37: {  	[smem:$0x3FB6] =	sst s10  }
0x38: {  	s10 =	sld [smem:$0x3FB7]  }
0x39: {  	_ = 	snop;
	(pc) =	sbr.ind lr, $3  }
0x3a: {  	_ = 	snop  }
0x3b: {  	_ = 	snop  }
0x3c: {  	p2 =	seq.s32 s10, $0x1;
	s10 =	sld [smem:$0x3FB6]  }
0x3d: {  	_ =	shalt  }
0x3e: {  	_ =	shalt  }
0x3f: {  	_ =	shalt  }
0x40: {  	_ =	shalt  }
0x41: {  	_ =	shalt  }
0x42: {  	_ =	shalt  }
0x43: {  	_ =	shalt  }
0x44: {  	_ =	shalt  }
0x45: {  	_ =	shalt  }
0x46: {  	_ =	shalt  }
0x47: {  	_ =	shalt  }
0x48: {  	_ =	shalt  }
0x49: {  	_ =	shalt  }
0x4a: {  	_ =	shalt  }
0x4b: {  	_ =	shalt  }
0x4c: {  	_ =	shalt  }
0x4d: {  	_ =	shalt  }
0x4e: {  	_ =	shalt  }
0x4f: {  	_ =	shalt  }
0x50: {  	_ =	shalt  }
0x51: {  	_ =	shalt  }
0x52: {  	_ =	shalt  }
0x53: {  	_ =	shalt  }
0x54: {  	_ =	shalt  }
0x55: {  	_ =	shalt  }
0x56: {  	_ =	shalt  }
0x57: {  	_ =	shalt  }
0x58: {  	_ =	shalt  }
0x59: {  	_ =	shalt  }
0x5a: {  	_ =	shalt  }
0x5b: {  	_ =	shalt  }
0x5c: {  	_ =	shalt  }
0x5d: {  	_ =	shalt  }
0x5e: {  	_ =	shalt  }
0x5f: {  	_ =	shalt  }
0x60: {  	_ =	shalt  }
0x61: {  	_ =	shalt  }
0x62: {  	_ =	shalt  }
0x63: {  	_ =	shalt  }
0x64: {  	_ =	shalt  }
0x65: {  	_ =	shalt  }
0x66: {  	_ =	shalt  }
0x67: {  	_ =	shalt  }
0x68: {  	_ =	shalt  }
0x69: {  	_ =	shalt  }
0x6a: {  	_ =	shalt  }
0x6b: {  	_ =	shalt  }
0x6c: {  	_ =	shalt  }
0x6d: {  	_ =	shalt  }
0x6e: {  	_ =	shalt  }
0x6f: {  	_ =	shalt  }
0x70: {  	_ =	shalt  }
0x71: {  	_ =	shalt  }
0x72: {  	_ =	shalt  }
0x73: {  	_ =	shalt  }
0x74: {  	_ =	shalt  }
0x75: {  	_ =	shalt  }
0x76: {  	_ =	shalt  }
0x77: {  	_ =	shalt  }
0x78: {  	_ =	shalt  }
0x79: {  	_ =	shalt  }
0x7a: {  	_ =	shalt  }
0x7b: {  	_ =	shalt  }
0x7c: {  	_ =	shalt  }
0x7d: {  	_ =	shalt  }
0x7e: {  	_ =	shalt  }
0x7f: {  	_ =	shalt  }
0x80: {  	_ =	shalt  }
0x81: {  	_ =	shalt  }
0x82: {  	_ =	shalt  }
0x83: {  	_ =	shalt  }
0x84: {  	_ =	shalt  }
0x85: {  	_ =	shalt  }
0x86: {  	_ =	shalt  }
0x87: {  	_ =	shalt  }
.Lfunc_end0:
.L_simem_size_0:
called_computation.2_lowered:
.L_overlay_start_0:
0x88: {  	s2 =	sld [smem:$0x3FD9]  }
0x89: {  	s3 =	sld [smem:$0x3FFE];
	_ =	sdelay $0x1  }
0x8a: {  	s1 =	srdreg.scid  }
0x8b: {  	s0 =	sand.u32 $0x1, s1  }
0x8c: {  	s17 =	sshll.u32 s0, $0xA;
	s2 =	sadd.s32 s3, s2  }
0x8d: {  	s2 =	sadd.s32 s2, s17  }
0x8e: {  	[smem:$0x3FC2] =	sst s2  }
0x8f: {  	_ = 	snop  }
0x90: {  	s2 =	sld [smem:$0x3FD0];
	(tm) =	ssettm $0x1  }
0x91: {  	s18 =	sld [smem:$0x3FFB];
	_ =	sdelay $0x3  }
0x92: {  	_ =	strace s18  }
0x93: {  	s3 =	sld [smem:$0x3FFC];
	_ =	sdelay $0x3  }
0x94: {  	_ =	strace s3  }
0x95: {  	s3 =	sld [smem:$0x3FFD];
	_ =	sdelay $0x3  }
0x96: {  	_ =	strace s3  }
0x97: {  	_ =	strace $0x8FFFFFFF  }
0x98: {  	s19 =	sld [smem:$0x3FDB];
	_ =	sdelay $0x1  }
0x99: {  	s4 =	simm.s32 $_scs_section_size  }
0x9a: {  	s5 =	simm.s32 $_size__tile_overlayer_lowered;
	s6 =	simm.s32 $_tile_overlayer_lowered  }
0x9b: {  	s22 =	simm.s32 $0x1BFF;
	s21 =	sshll.u32 s6, $0x1;
	s3 =	sadd.s32 s4, s19  }
0x9c: {  	s7 =	simm.s32 $0x0;
	s20 =	sshll.u32 s5, $0x1;
	s5 =	sadd.s32 s21, s3  }
0x9d: {  	[timem:s7], [sflag:s22] =	dma.local [hbm:s5], s20  }
0x9e: {  	_ =	swait.ge [sflag:s22], s20  }
0x9f: {  	s4 =	ssub.s32 $0x0, s20;
	[sflag:s22] =	ssyncset.done $0x0  }
0xa0: {  	[sflag:s22] =	ssyncadd.s32 s4;
	_ =	sdelay $0x1  }
0xa1: {  	s23 =	simm.s32 $0x1B8B  }
0xa2: {  	_ =	swait.ge [sflag:s23], $0x1  }
0xa3: {  	[sflag:s23] =	ssyncset.done $0x0  }
0xa4: {  	s25 =	simm.s32 $0x1B8E;
	s24 =	sld [smem:$0x3FFE];
	[sflag:s23] =	ssyncadd.s32 $0xFFFFFFFF  }
0xa5: {  	s26 =	simm.s32 $execute0_lowered;
	[smem:$0x3FD2] =	sst s25  }
0xa6: {  	s5 =	sshll.u32 s26, $0x1;
	_ =	strace $0x8000004C;
	[dreg:$0x1] =	wrdreg $0xFFFFFFFF  }
0xa7: {  	s28 =	simm.s32 $_size_execute0_lowered;
	s3 =	sadd.s32 s3, s5;
	[dreg:$0x0] =	wrdreg $0x0  }
0xa8: {  	s5 =	sshll.u32 s28, $0x1;
	[dreg:$0x2] =	wrdreg s3  }
0xa9: {  	[dreg:$0x3] =	wrdreg s5  }
0xaa: {  	[dreg:$0x4] =	wrdreg $0xC0  }
0xab: {  	_ =	task [dreg:s7], $0x5FFFF  }
0xac: {  	[dreg:$0x1] =	wrdreg $0xFFFFFFFF  }
0xad: {  	[dreg:$0x0] =	wrdreg $0x60  }
0xae: {  	[dreg:$0x2] =	wrdreg s2  }
0xaf: {  	[dreg:$0x3] =	wrdreg s24  }
0xb0: {  	[dreg:$0x4] =	wrdreg $0x63000  }
0xb1: {  	[dreg:$0x5] =	wrdreg $0x9  }
0xb2: {  	_ =	task.clear_ibuf [dreg:s7], $0x6FFFF;
	_ =	strace $0x9000004C  }
0xb3: {  	s29 =	simm.s32 $0x9;
	_ =	strace $0x8000004E  }
0xb4: {  	_ =	swait.ge [sflag:s29], $0x1  }
0xb5: {  	[sflag:s29] =	ssyncadd.s32 $0xFFFFFFFF  }
0xb6: {  	_ =	strace $0x9000004E  }
0xb7: {  	_ =	sfence  }
0xb8: {  	s30 =	sld [smem:$0x0];
	_ =	sdelay $0x2  }
0xb9: {  	s31 =	sshll.u32 s1, $0xD;
	s1 =	sshrl.u32 s1, $0x2  }
0xba: {  	s3 =	sand.u32 $0x4000, s31;
	s1 =	sadd.s32 s1, s30  }
0xbb: {  	s0 =	sor.u32 s3, s0;
	s1 =	sshll.u32 s1, $0x11  }
0xbc: {  	s0 =	sor.u32 s1, s0  }
0xbd: {  	s0 =	sadd.s32 $0x8F2B, s0  }
0xbe: {  	[sflag:s0] =	ssyncadd.remote.s32 $0x1  }
0xbf: {  	_ =	sfence.sel $0xFFFF  }
0xc0: {  	[dreg:$0x0] =	wrdreg $0xFFFFFFFF;
	(pc) =	sbr.abs _section_cstart, $3  }
0xc1: {  	[dreg:$0x1] =	wrdreg $0xFFFFFFFF  }
0xc2: {  	_ =	task.clear_ibuf [dreg:s7], $0x2FFFF;
	_ =	strace $0x9FFFFFFF  }
0xc3: {  	(tm) =	ssettm $0x7FFFFFFF  }
tec
execute0_lowered:
.L_overlay_start_1:
0x0: {  	(tag) =	ssettag $0x1  }
0x1: {  	s1 =	rddreg [dreg:$0x0]  }
0x2: {  	s0 =	rddreg [dreg:$0x1]  }
0x3: {  	s3 =	rddreg [dreg:$0x2];
	s2 =	srdreg.scid;
	s4 =	simm.s32 $0x0  }
0x4: {  	s14 =	stileid.u32;
	s28 =	simm.s32 $0x2300;
	s29 =	simm.s32 $0x3  }
0x5: {  	s30 =	simm.s32 $0x4300;
	s31 =	simm.s32 $0x4;
	s2 =	sand.u32 $0x1, s2  }
0x6: {  	[smem:$0x7FF] =	sst s4;
	s5 =	smul.u32 $0x9C40, s14;
	s8 =	sadd.s32 $0x1A00, s0  }
0x7: {  	s10 =	sadd.s32 $0xB800, s0;
	s25 =	sshll.u32 s14, $0x6;
	s6 =	sshll.u32 s2, $0x4  }
0x8: {  	_ =	strace $0x8000004D;
	s7 =	smul.u32 $0x13880, s2;
	s12 =	ssub.s32 $0x2, s2  }
0x9: {  	s2 =	smul.u32 $0xFFFF9C40, s2;
	s6 =	sor.u32 s14, s6;
	s9 =	sshrl.u32 s5, $0x3  }
0xa: {  	s22 =	sshrl.u32 s12, $0x1;
	s5 =	sadd.s32 s5, s3;
	s6 =	smul.u32 $0x9C4, s6  }
0xb: {  	s11 =	sadd.s32 s9, s0;
	s0 =	sadd.s32 s7, s0;
	s12 =	ssub.s32 s12, s22  }
0xc: {  	[dreg:$0x7] =	wrdreg s5;
	s7 =	sor.u32 $0x1C08, s25;
	s2 =	sand.u32 $0xFFC0, s2  }
0xd: {  	s24 =	sadd.s32 $0x15600, s11;
	s0 =	sadd.s32 $0x29000, s0;
	s13 =	sadd.s32 $0x9C4, s6  }
0xe: {  	s23 =	sshrl.u32 s6, $0x5;
	[dreg:$0x8] =	wrdreg s24;
	s6 =	sshrl.u32 s6, $0x1  }
0xf: {  	s0 =	sadd.s32 s9, s0;
	s13 =	sshrl.u32 s13, $0x5;
	s16 =	sand.u32 $0xFFF0, s6  }
0x10: {  	s26 =	sshll.u32 s23, $0x4;
	[dreg:$0x10] =	wrdreg s0;
	s15 =	sadd.s32 s8, s16  }
0x11: {  	s17 =	sadd.s32 $0x10, s26;
	s5 =	sadd.s32 s10, s16;
	[dreg:$0x9] =	wrdreg s15  }
0x12: {  	s20 =	sadd.s32 $0x20, s26;
	s26 =	smax.u32 s12, $0x1;
	[dreg:$0xa] =	wrdreg s5  }
0x13: {  	s0 =	simm.s32 $0x5;
	s18 =	sadd.s32 s8, s17;
	[dreg:$0xf] =	wrdreg s26  }
0x14: {  	s6 =	simm.s32 $0x0;
	s19 =	sadd.s32 s10, s17;
	[dreg:$0xb] =	wrdreg s18  }
0x15: {  	s13 =	ssub.s32 s13, s23;
	s21 =	sadd.s32 s8, s20;
	[dreg:$0xc] =	wrdreg s19  }
0x16: {  	s23 =	smul.u32 $0x9C4, s14;
	s22 =	sadd.s32 $0xFFFFFFFD, s13;
	[dreg:$0xd] =	wrdreg s21  }
0x17: {  	s24 =	sadd.s32 $0xFFFFFFFC, s13;
	s25 =	sadd.s32 $0xFFFFFFFB, s13;
	[dreg:$0x4] =	wrdreg s22  }
0x18: {  	s5 =	sadd.s32 s10, s20;
	s17 =	simm.s32 $0x8;
	[dreg:$0x5] =	wrdreg s24  }
0x19: {  	s20 =	simm.s32 $0x200;
	p0 =	slt.s32 s13, $0x4F;
	[dreg:$0xe] =	wrdreg s5  }
0x1a: {  	s26 =	simm.s32 $0x2;
	s2 =	sadd.s32 s23, s2;
	[dreg:$0x6] =	wrdreg s25  }
0x1b: {  	s18 =	simm.s32 $0x180;
	s19 =	simm.s32 $0x80;
	s21 =	simm.s32 $0x100  }
0x1c: {  	s22 =	simm.s32 $0x280;
	s23 =	simm.s32 $0x1;
	s2 =	sshrl.u32 s2, $0x1  }
0x1d: {  	s25 =	simm.s32 $0x300;
	s5 =	simm.s32 $0x6;
	s2 =	sand.u32 $0xFFF0, s2  }
0x1e: {  	s15 =	sadd.s32 s2, s8;
	s16 =	sadd.s32 s2, s10;
	s2 =	simm.s32 $0x7  }
.LBB2_1:
0x1f: {  	s8 =	rddreg [dreg:$0x7]  }
0x20: {  	s9 =	rddreg [dreg:$0x8];
	s8 =	sshrl.u32 s8, $0x3  }
0x21: {  	[spmem:s8], [sflag:s7] =	dma.local [hbm:s9], $0x1388  }
0x22: {  	_ =	swait.ge [sflag:s17], $0x1388  }
0x23: {  	[sflag:s17] =	ssyncset.done $0x0  }
0x24: {  	[sflag:s17] =	ssyncadd.s32 $0xFFFFEC78  }
0x25: {  	[bflag:$0x0] =	sbarrier.arrive $0xFFFF  }
0x26: {  	s13 =	rddreg [dreg:$0x9]  }
0x27: {  	[tilespmem:s4], [sflag:$0x1] =	stream.linear.gather [hbm4b:s13+s4], $0x80, $0x38;
	[tilespmem:$0xFF40] =	vst v63  }
0x28: {  	s14 =	rddreg [dreg:$0xa]  }
0x29: {  	[tilespmem:s18], [sflag:$0x1] =	stream.linear.gather [hbm4b:s14+s4], $0x80, $0x38;
	[tilespmem:$0xFF40] =	vst v63  }
0x2a: {  	s24 =	rddreg [dreg:$0xb]  }
0x2b: {  	[tilespmem:s19], [sflag:$0x2] =	stream.linear.gather [hbm4b:s24+s4], $0x80, $0x38;
	[tilespmem:$0xFF40] =	vst v63  }
0x2c: {  	s10 =	rddreg [dreg:$0xc]  }
0x2d: {  	[tilespmem:s20], [sflag:$0x2] =	stream.linear.gather [hbm4b:s10+s4], $0x80, $0x38;
	[tilespmem:$0xFF40] =	vst v63  }
0x2e: {  	s11 =	rddreg [dreg:$0xd]  }
0x2f: {  	[tilespmem:s21], [sflag:$0x3] =	stream.linear.gather [hbm4b:s11+s4], $0x80, $0x38;
	[tilespmem:$0xFF40] =	vst v63  }
0x30: {  	s12 =	rddreg [dreg:$0xe]  }
0x31: {  	[tilespmem:s22], [sflag:$0x3] =	stream.linear.gather [hbm4b:s12+s4], $0x80, $0x38;
	[tilespmem:$0xFF40] =	vst v63  }
0x32: {  	_ =	swait.ge [sflag:s23], $0x80  }
0x33: {  	[sflag:s23] =	ssyncset.done $0x0  }
0x34: {  	[sflag:s23] =	ssyncadd.s32 $0xFFFFFF80  }
0x35: {  	_ =	swait.ge [sflag:s23], $0x80  }
0x36: {  	[sflag:s23] =	ssyncset.done $0x0  }
0x37: {  	[sflag:s23] =	ssyncadd.s32 $0xFFFFFF80  }
0x38: {  	[tilespmem:s25], [sflag:$0x4] =	stream.indirect.gather [hbm4b:s1+s19], $0x40, s4, s19, $0xb8;
	[tilespmem:$0xFF40] =	vst v63  }
0x39: {  	_ =	swait.ge [sflag:s26], $0x80  }
0x3a: {  	[sflag:s26] =	ssyncset.done $0x0  }
0x3b: {  	[sflag:s26] =	ssyncadd.s32 $0xFFFFFF80  }
0x3c: {  	_ =	swait.ge [sflag:s26], $0x80  }
0x3d: {  	[sflag:s26] =	ssyncset.done $0x0  }
0x3e: {  	[sflag:s26] =	ssyncadd.s32 $0xFFFFFF80  }
0x3f: {  	[tilespmem:s28], [sflag:$0x5] =	stream.indirect.gather [hbm4b:s1+s19], $0x40, s19, s19, $0xb8;
	[tilespmem:$0xFF40] =	vst v63  }
0x40: {  	_ =	swait.ge [sflag:s29], $0x80  }
0x41: {  	[sflag:s29] =	ssyncset.done $0x0  }
0x42: {  	[sflag:s29] =	ssyncadd.s32 $0xFFFFFF80  }
0x43: {  	_ =	swait.ge [sflag:s29], $0x80  }
0x44: {  	[sflag:s29] =	ssyncset.done $0x0  }
0x45: {  	[sflag:s29] =	ssyncadd.s32 $0xFFFFFF80  }
0x46: {  	[tilespmem:s30], [sflag:$0x6] =	stream.indirect.gather [hbm4b:s1+s19], $0x40, s21, s19, $0xb8;
	[tilespmem:$0xFF40] =	vst v63  }
0x47: {  	_ =	swait.ge [sflag:s31], $0x2000  }
0x48: {  	[sflag:s31] =	ssyncset.done $0x0  }
0x49: {  	[sflag:s31] =	ssyncadd.s32 $0xFFFFE000  }
0x4a: {  	[spmem:s3] =	stream.indirect.scatter.add.f32 [tilespmem:s25], [sflag:$0x7], $0x40, s18, s19, $0xb8;
	[tilespmem:$0xFF40] =	vst v63  }
0x4b: {  	_ =	swait.ge [sflag:s0], $0x2000  }
0x4c: {  	[sflag:s0] =	ssyncset.done $0x0  }
0x4d: {  	[sflag:s0] =	ssyncadd.s32 $0xFFFFE000  }
0x4e: {  	_ =	swait.ge [sflag:s2], $0x2000  }
0x4f: {  	s13 =	rddreg [dreg:$0x4]  }
0x50: {  	[sflag:s2] =	ssyncset.done $0x0;
	p1 =	sle.s32 s13, $0x0  }
0x51: {  	[sflag:s2] =	ssyncadd.s32 $0xFFFFE000;
	s9 =	sadd.s32 @!p1 $0x0, s15  }
0x52: {  	s10 =	sadd.s32 @!p1 $0x0, s16;
	s11 =	simm.s32 @!p1 $0x0;
	s9 =	sadd.s32 @!p1 $0x30, s9  }
0x53: {  	[tilespmem:s11], [sflag:$0x1] =	stream.linear.gather @!p1 [hbm4b:s9+s11], $0x80, $0x38;
	[tilespmem:$0xFF40] =	vst v63  }
0x54: {  	s9 =	sadd.s32 @!p1 $0x30, s10;
	s10 =	simm.s32 @!p1 $0x180  }
0x55: {  	[tilespmem:s10], [sflag:$0x1] =	stream.linear.gather @!p1 [hbm4b:s9+s11], $0x80, $0x38;
	[tilespmem:$0xFF40] =	vst v63  }
0x56: {  	_ = 	snop  }
0x57: {  	[spmem:s3] =	stream.indirect.scatter.add.f32 [tilespmem:s28], [sflag:$0x7], $0x40, s20, s19, $0xb8;
	[tilespmem:$0xFF40] =	vst v63  }
0x58: {  	_ =	swait.ge [sflag:s5], $0x2000  }
0x59: {  	[sflag:s5] =	ssyncset.done $0x0  }
0x5a: {  	[sflag:s5] =	ssyncadd.s32 $0xFFFFE000  }
0x5b: {  	_ =	swait.ge [sflag:s2], $0x2000  }
0x5c: {  	s14 =	rddreg [dreg:$0x5]  }
0x5d: {  	[sflag:s2] =	ssyncset.done $0x0;
	p1 =	sle.s32 s14, $0x0  }
0x5e: {  	[sflag:s2] =	ssyncadd.s32 $0xFFFFE000;
	s9 =	sadd.s32 @!p1 $0x0, s15;
	s10 =	simm.s32 @!p1 $0x80  }
0x5f: {  	s11 =	sadd.s32 @!p1 $0x0, s16;
	s12 =	simm.s32 @!p1 $0x0;
	s9 =	sadd.s32 @!p1 $0x40, s9  }
0x60: {  	[tilespmem:s10], [sflag:$0x2] =	stream.linear.gather @!p1 [hbm4b:s9+s12], $0x80, $0x38;
	[tilespmem:$0xFF40] =	vst v63  }
0x61: {  	s9 =	sadd.s32 @!p1 $0x40, s11;
	s10 =	simm.s32 @!p1 $0x200  }
0x62: {  	[tilespmem:s10], [sflag:$0x2] =	stream.linear.gather @!p1 [hbm4b:s9+s12], $0x80, $0x38;
	[tilespmem:$0xFF40] =	vst v63  }
0x63: {  	_ = 	snop  }
0x64: {  	[spmem:s3] =	stream.indirect.scatter.add.f32 [tilespmem:s30], [sflag:$0x7], $0x40, s22, s19, $0xb8;
	[tilespmem:$0xFF40] =	vst v63  }
0x65: {  	_ =	swait.ge [sflag:s2], $0x2000  }
0x66: {  	s24 =	rddreg [dreg:$0x6]  }
0x67: {  	[sflag:s2] =	ssyncset.done $0x0;
	p2 =	sle.s32 s24, $0x0  }
0x68: {  	[sflag:s2] =	ssyncadd.s32 $0xFFFFE000;
	s9 =	sadd.s32 @!p2 $0x0, s15  }
0x69: {  	s10 =	simm.s32 @!p2 $0x100;
	s11 =	simm.s32 @!p2 $0x0;
	s9 =	sadd.s32 @!p2 $0x50, s9  }
0x6a: {  	[tilespmem:s10], [sflag:$0x3] =	stream.linear.gather @!p2 [hbm4b:s9+s11], $0x80, $0x38;
	[tilespmem:$0xFF40] =	vst v63  }
0x6b: {  	s13 =	simm.s32 @!p2 $0x280;
	s10 =	sadd.s32 @!p2 $0x0, s16  }
0x6c: {  	s9 =	simm.s32 $0x30;
	s12 =	sadd.s32 @!p2 $0x50, s10;
	s10 =	simm.s32 $0x3  }
.LBB2_2:
0x6d: {  	[tilespmem:s13], [sflag:$0x3] =	stream.linear.gather @!p2 [hbm4b:s12+s11], $0x80, $0x38;
	[tilespmem:$0xFF40] =	vst v63  }
0x6e: {  	_ =	swait.ge [sflag:s23], $0x80  }
0x6f: {  	[sflag:s23] =	ssyncset.done $0x0  }
0x70: {  	[sflag:s23] =	ssyncadd.s32 $0xFFFFFF80  }
0x71: {  	_ =	swait.ge [sflag:s23], $0x80  }
0x72: {  	[sflag:s23] =	ssyncset.done $0x0  }
0x73: {  	[sflag:s23] =	ssyncadd.s32 $0xFFFFFF80  }
0x74: {  	[tilespmem:s25], [sflag:$0x4] =	stream.indirect.gather [hbm4b:s1+s19], $0x40, s4, s19, $0xb8;
	[tilespmem:$0xFF40] =	vst v63  }
0x75: {  	_ =	swait.ge [sflag:s26], $0x80  }
0x76: {  	[sflag:s26] =	ssyncset.done $0x0  }
0x77: {  	[sflag:s26] =	ssyncadd.s32 $0xFFFFFF80  }
0x78: {  	_ =	swait.ge [sflag:s26], $0x80  }
0x79: {  	[sflag:s26] =	ssyncset.done $0x0  }
0x7a: {  	[sflag:s26] =	ssyncadd.s32 $0xFFFFFF80  }
0x7b: {  	[tilespmem:s28], [sflag:$0x5] =	stream.indirect.gather [hbm4b:s1+s19], $0x40, s19, s19, $0xb8;
	[tilespmem:$0xFF40] =	vst v63  }
0x7c: {  	_ =	swait.ge [sflag:s29], $0x80  }
0x7d: {  	[sflag:s29] =	ssyncset.done $0x0  }
0x7e: {  	[sflag:s29] =	ssyncadd.s32 $0xFFFFFF80  }
0x7f: {  	_ =	swait.ge [sflag:s29], $0x80  }
0x80: {  	[sflag:s29] =	ssyncset.done $0x0  }
0x81: {  	[sflag:s29] =	ssyncadd.s32 $0xFFFFFF80  }
0x82: {  	[tilespmem:s30], [sflag:$0x6] =	stream.indirect.gather [hbm4b:s1+s19], $0x40, s21, s19, $0xb8;
	[tilespmem:$0xFF40] =	vst v63  }
0x83: {  	_ =	swait.ge [sflag:s31], $0x2000  }
0x84: {  	[sflag:s31] =	ssyncset.done $0x0  }
0x85: {  	[sflag:s31] =	ssyncadd.s32 $0xFFFFE000  }
0x86: {  	[spmem:s3] =	stream.indirect.scatter.add.f32 [tilespmem:s25], [sflag:$0x7], $0x40, s18, s19, $0xb8;
	[tilespmem:$0xFF40] =	vst v63  }
0x87: {  	_ =	swait.ge [sflag:s0], $0x2000  }
0x88: {  	[sflag:s0] =	ssyncset.done $0x0  }
0x89: {  	[sflag:s0] =	ssyncadd.s32 $0xFFFFE000  }
0x8a: {  	_ =	swait.ge [sflag:s2], $0x2000  }
0x8b: {  	s13 =	rddreg [dreg:$0x4]  }
0x8c: {  	s11 =	smov.u32 s9;
	[sflag:s2] =	ssyncset.done $0x0;
	p2 =	sge.s32 s10, s13  }
0x8d: {  	[sflag:s2] =	ssyncadd.s32 $0xFFFFE000;
	s12 =	sadd.s32 @!p2 s11, s15  }
0x8e: {  	s13 =	sadd.s32 @!p2 s11, s16;
	s14 =	simm.s32 @!p2 $0x0;
	s12 =	sadd.s32 @!p2 $0x30, s12  }
0x8f: {  	[tilespmem:s14], [sflag:$0x1] =	stream.linear.gather @!p2 [hbm4b:s12+s14], $0x80, $0x38;
	[tilespmem:$0xFF40] =	vst v63  }
0x90: {  	s12 =	sadd.s32 @!p2 $0x30, s13;
	s13 =	simm.s32 @!p2 $0x180  }
0x91: {  	[tilespmem:s13], [sflag:$0x1] =	stream.linear.gather @!p2 [hbm4b:s12+s14], $0x80, $0x38;
	[tilespmem:$0xFF40] =	vst v63  }
0x92: {  	_ = 	snop  }
0x93: {  	[spmem:s3] =	stream.indirect.scatter.add.f32 [tilespmem:s28], [sflag:$0x7], $0x40, s20, s19, $0xb8;
	[tilespmem:$0xFF40] =	vst v63  }
0x94: {  	_ =	swait.ge [sflag:s5], $0x2000  }
0x95: {  	[sflag:s5] =	ssyncset.done $0x0  }
0x96: {  	[sflag:s5] =	ssyncadd.s32 $0xFFFFE000  }
0x97: {  	_ =	swait.ge [sflag:s2], $0x2000  }
0x98: {  	s14 =	rddreg [dreg:$0x5]  }
0x99: {  	[sflag:s2] =	ssyncset.done $0x0;
	p2 =	sge.s32 s10, s14  }
0x9a: {  	[sflag:s2] =	ssyncadd.s32 $0xFFFFE000;
	s12 =	sadd.s32 @!p2 s11, s15;
	s13 =	simm.s32 @!p2 $0x80  }
0x9b: {  	s14 =	sadd.s32 @!p2 s11, s16;
	s24 =	simm.s32 @!p2 $0x0;
	s12 =	sadd.s32 @!p2 $0x40, s12  }
0x9c: {  	[tilespmem:s13], [sflag:$0x2] =	stream.linear.gather @!p2 [hbm4b:s12+s24], $0x80, $0x38;
	[tilespmem:$0xFF40] =	vst v63  }
0x9d: {  	s12 =	sadd.s32 @!p2 $0x40, s14;
	s13 =	simm.s32 @!p2 $0x200  }
0x9e: {  	[tilespmem:s13], [sflag:$0x2] =	stream.linear.gather @!p2 [hbm4b:s12+s24], $0x80, $0x38;
	[tilespmem:$0xFF40] =	vst v63  }
0x9f: {  	_ = 	snop  }
0xa0: {  	[spmem:s3] =	stream.indirect.scatter.add.f32 [tilespmem:s30], [sflag:$0x7], $0x40, s22, s19, $0xb8;
	[tilespmem:$0xFF40] =	vst v63  }
0xa1: {  	s9 =	sadd.s32 $0x30, s9;
	_ =	swait.ge [sflag:s2], $0x2000  }
0xa2: {  	p1 =	sne.s32 s9, $0x4E0;
	s24 =	rddreg [dreg:$0x6]  }
.Ltmp0:
0xa3: {  	[sflag:s2] =	ssyncset.done $0x0;
	p2 =	sge.s32 s10, s24;
	(pc) =	sbr.rel @p1 .LBB2_2-.Ltmp0, $4  }
0xa4: {  	[sflag:s2] =	ssyncadd.s32 $0xFFFFE000;
	s12 =	sadd.s32 @!p2 s11, s15;
	s13 =	simm.s32 @!p2 $0x100  }
0xa5: {  	s14 =	sadd.s32 @!p2 s11, s16;
	s11 =	simm.s32 @!p2 $0x0;
	s12 =	sadd.s32 @!p2 $0x50, s12  }
0xa6: {  	[tilespmem:s13], [sflag:$0x3] =	stream.linear.gather @!p2 [hbm4b:s12+s11], $0x80, $0x38;
	[tilespmem:$0xFF40] =	vst v63  }
0xa7: {  	s10 =	sadd.s32 $0x3, s10;
	s12 =	sadd.s32 @!p2 $0x50, s14;
	s13 =	simm.s32 @!p2 $0x280  }
0xa8: {  	[tilespmem:s13], [sflag:$0x3] =	stream.linear.gather @!p2 [hbm4b:s12+s11], $0x80, $0x38;
	[tilespmem:$0xFF40] =	vst v63  }
0xa9: {  	s9 =	simm.s32 @!p0 $0x1  }
0xaa: {  	_ =	swait.ge @!p0 [sflag:s9], $0x80  }
0xab: {  	[sflag:s9] =	ssyncset.done @!p0 $0x0  }
0xac: {  	[sflag:s9] =	ssyncadd.s32 @!p0 $0xFFFFFF80  }
0xad: {  	_ =	swait.ge @!p0 [sflag:s9], $0x80  }
0xae: {  	s10 =	simm.s32 @!p0 $0x0;
	[sflag:s9] =	ssyncset.done @!p0 $0x0  }
0xaf: {  	s11 =	simm.s32 @!p0 $0x300;
	[sflag:s9] =	ssyncadd.s32 @!p0 $0xFFFFFF80;
	s9 =	simm.s32 @!p0 $0x80  }
0xb0: {  	[tilespmem:s11], [sflag:$0x4] =	stream.indirect.gather @!p0 [hbm4b:s1+s9], $0x40, s10, s9, $0xb8;
	[tilespmem:$0xFF40] =	vst v63  }
0xb1: {  	s10 =	simm.s32 @!p0 $0x4  }
0xb2: {  	_ =	swait.ge @!p0 [sflag:s10], $0x2000  }
0xb3: {  	[sflag:s10] =	ssyncset.done @!p0 $0x0  }
0xb4: {  	[sflag:s10] =	ssyncadd.s32 @!p0 $0xFFFFE000;
	s10 =	simm.s32 @!p0 $0x180  }
0xb5: {  	[spmem:s3] =	stream.indirect.scatter.add.f32 @!p0 [tilespmem:s11], [sflag:$0x7], $0x40, s10, s9, $0xb8;
	[tilespmem:$0xFF40] =	vst v63  }
0xb6: {  	s9 =	simm.s32 @!p0 $0x7  }
0xb7: {  	_ =	swait.ge @!p0 [sflag:s9], $0x2000  }
0xb8: {  	[sflag:s9] =	ssyncset.done @!p0 $0x0  }
0xb9: {  	[sflag:s9] =	ssyncadd.s32 @!p0 $0xFFFFE000  }
0xba: {  	[bflag:$0x0] =	sbarrier.arrive $0xFFFF  }
0xbb: {  	s14 =	rddreg [dreg:$0x10]  }
0xbc: {  	[hbm:s14], [sflag:s7] =	dma.local [spmem:s8], $0x1388  }
0xbd: {  	_ =	swait.ge [sflag:s17], $0x1388  }
0xbe: {  	s6 =	sadd.s32 $0x1, s6;
	s24 =	rddreg [dreg:$0xf]  }
0xbf: {  	p1 =	sne.s32 s6, s24  }
.Ltmp1:
0xc0: {  	_ = 	snop;
	(pc) =	sbr.rel @p1 .LBB2_1-.Ltmp1, $3  }
0xc1: {  	_ =	sdelay $0x1  }
0xc2: {  	[sflag:s17] =	ssyncset.done $0x0  }
0xc3: {  	[sflag:s17] =	ssyncadd.s32 $0xFFFFEC78  }
0xc4: {  	_ =	sfence.sel $0x180000  }
0xc5: {  	[bflag:$0x0] =	sbarrier.arrive $0xFFFF  }
0xc6: {  	_ =	strace $0x9000004D  }
0xc7: {  	s0 =	stileid.u32;
	[bflag:$0x2] =	sbarrier.arrive $0xFFFF  }
0xc8: {  	p0 =	sne.s32 s0, $0x0;
	s0 =	rddreg [dreg:$0x3]  }
0xc9: {  	s0 =	sadd.s32 @!p0 $0x100000, s0  }
0xca: {  	[sflag:s0] =	ssyncadd.tile.s32 @!p0 $0x1;
	_ =	shalt  }
.Lfunc_end2:
_tile_overlayer_lowered:
.L_overlay_start_2:
0xcb: {  	(tag) =	ssettag $0x2  }
0xcc: {  	s0 =	rddreg [dreg:$0x0];
	s2 =	stileid.u32  }
0xcd: {  	s1 =	rddreg [dreg:$0x1];
	p0 =	sne.s32 s2, $0x0  }
0xce: {  	s3 =	rddreg [dreg:$0x2];
	[bflag:$0x3] =	sbarrier.arrive $0xFFFF;
	s2 =	simm.s32 @!p0 $0x1C08  }
0xcf: {  	[timem:s3], [sflag:s2] =	dma.local @!p0 [hbm:s0], s1  }
0xd0: {  	s0 =	simm.s32 @!p0 $0x8  }
0xd1: {  	_ =	swait.ge @!p0 [sflag:s0], s1  }
0xd2: {  	s1 =	ssub.s32 @!p0 $0x0, s1;
	[sflag:s0] =	ssyncset.done @!p0 $0x0  }
0xd3: {  	[sflag:s0] =	ssyncadd.s32 @!p0 s1  }
0xd4: {  	[bflag:$0x3] =	sbarrier.arrive $0xFFFF  }
0xd5: {  	_ =	shalt  }

// kernel: kernel.9.cloned.1.call-start
scs
__scs_entry_jumppad:
0x0: {  	(pc) =	sbr.rel $0x88, $3  }
0x1: {  	(tag) =	ssettag $0x0;
	lr =	simm.s32 $0x1  }
0x2: {  	[smem:$0x3F9B] =	sst lr;
	_ =	strace $0xD0000000  }
0x3: {  	_ = 	snop  }
0x4: {  	_ = 	snop  }
0x5: {  	_ = 	snop  }
0x6: {  	_ = 	snop  }
0x7: {  	_ = 	snop  }
__scs_overlays_trampoline_lowered:
0x8: {  	[smem:$0x3FAA] =	sst s0  }
0x9: {  	[smem:$0x3FAB] =	sst s1  }
0xa: {  	[smem:$0x3FAC] =	sst s2  }
0xb: {  	[smem:$0x3FAD] =	sst s3  }
0xc: {  	[smem:$0x3FAE] =	sst s4  }
0xd: {  	[smem:$0x3FAF] =	sst s5  }
0xe: {  	[smem:$0x3FB0] =	sst s6  }
0xf: {  	[smem:$0x3FB1] =	sst s7  }
0x10: {  	[smem:$0x3FB2] =	sst s8  }
0x11: {  	[smem:$0x3FB3] =	sst s9;
	s0 =	simm.s32 @!p0 $0x0  }
0x12: {  	s1 =	sld [smem:$0x3F99];
	s0 =	simm.s32 @p0 $0x1  }
0x13: {  	[smem:$0x3FB4] =	sst s0;
	s0 =	simm.s32 @!p1 $0x0  }
0x14: {  	s2 =	sld [smem:$0x3F98];
	s0 =	simm.s32 @p1 $0x1  }
0x15: {  	[smem:$0x3FB5] =	sst s0;
	s0 =	simm.s32 @!p2 $0x0  }
0x16: {  	s3 =	sld [smem:$0x3FDB];
	s0 =	simm.s32 @p2 $0x1  }
0x17: {  	s4 =	simm.s32 $0x1BF5;
	[smem:$0x3FB7] =	sst s0  }
0x18: {  	s0 =	sld [smem:$0x3F9A];
	_ =	swait.ge [sflag:s4], $0x0  }
0x19: {  	s7 =	sld [smem:$0x3F9B]  }
0x1a: {  	s8 =	sadd.s32 $0xFFFFE003, lr  }
0x1b: {  	s9 =	sadd.s32 $0xFFFFFEF7, lr;
	s5 =	simm.s32 $0xFFFFFFFF;
	p2 =	slt.u32 s8, $0xFFFFF086  }
0x1c: {  	p1 =	slt.u32 s9, $0xF7A;
	s5 =	simm.s32 @!p2 $0x0  }
0x1d: {  	s5 =	simm.s32 @p1 $0x1;
	p0 =	seq.s32 s7, s2  }
0x1e: {  	s7 =	smul.u32 @!p0 $0xF7A, s2;
	p2 =	seq.s32 @!p0 s5, $0x0  }
0x1f: {  	s9 =	smul.u32 $0xF7A, s1;
	s8 =	simm.s32 @!p0 $0x1BF5;
	p2 =	por !p2, p0  }
0x20: {  	[sflag:s8] =	ssyncset.s32 @!p0 $0xFFFFF086;
	s6 =	sadd.s32 @!p0 s3, s7;
	s7 =	simm.s32 @!p0 $0x108  }
0x21: {  	s3 =	sadd.s32 s3, s9;
	s6 =	sadd.s32 @!p0 $0x88, s6;
	s7 =	simm.s32 @p2 $0x1082  }
0x22: {  	[simem:s7], [sflag:s8] =	dma.local @!p0 [hbm:s6], $0xF7A  }
0x23: {  	s9 =	sor.u32 $0xD0000000, s2;
	s6 =	simm.s32 $0x108;
	_ =	swait.ge @!p0 [sflag:s8], $0x0  }
0x24: {  	s3 =	sadd.s32 $0x88, s3;
	s6 =	simm.s32 @!p1 $0x1082;
	[sflag:s4] =	ssyncset.s32 $0xFFFFF086  }
0x25: {  	[simem:s6], [sflag:s4] =	dma.local [hbm:s3], $0xF7A  }
0x26: {  	[smem:$0x3F9B] =	sst s1;
	(tag) =	ssettag s2;
	_ =	strace s9  }
0x27: {  	s1 =	sld [smem:$0x3FAB]  }
0x28: {  	s2 =	sld [smem:$0x3FAC]  }
0x29: {  	s4 =	sld [smem:$0x3FAE]  }
0x2a: {  	p0 =	seq.s32 s5, $0x0;
	s5 =	sld [smem:$0x3FAF]  }
0x2b: {  	s6 =	sld [smem:$0x3FB0]  }
0x2c: {  	s7 =	sld [smem:$0x3FB1]  }
0x2d: {  	s3 =	simm.s32 $0x108;
	s8 =	sld [smem:$0x3FB2]  }
0x2e: {  	s3 =	simm.s32 @!p0 $0x1082;
	s9 =	sld [smem:$0x3FB3]  }
0x2f: {  	lr =	sadd.s32 s0, s3;
	s0 =	sld [smem:$0x3FAA]  }
0x30: {  	s3 =	sld [smem:$0x3FAD]  }
0x31: {  	[smem:$0x3FB6] =	sst s10  }
0x32: {  	s10 =	sld [smem:$0x3FB4];
	_ =	sdelay $0x3  }
0x33: {  	p0 =	seq.s32 s10, $0x1;
	s10 =	sld [smem:$0x3FB6];
	_ =	sdelay $0x3  }
0x34: {  	[smem:$0x3FB6] =	sst s10  }
0x35: {  	s10 =	sld [smem:$0x3FB5];
	_ =	sdelay $0x3  }
0x36: {  	p1 =	seq.s32 s10, $0x1;
	s10 =	sld [smem:$0x3FB6];
	_ =	sdelay $0x3  }
0x37: {  	[smem:$0x3FB6] =	sst s10  }
0x38: {  	s10 =	sld [smem:$0x3FB7]  }
0x39: {  	_ = 	snop;
	(pc) =	sbr.ind lr, $3  }
0x3a: {  	_ = 	snop  }
0x3b: {  	_ = 	snop  }
0x3c: {  	p2 =	seq.s32 s10, $0x1;
	s10 =	sld [smem:$0x3FB6]  }
0x3d: {  	_ =	shalt  }
0x3e: {  	_ =	shalt  }
0x3f: {  	_ =	shalt  }
0x40: {  	_ =	shalt  }
0x41: {  	_ =	shalt  }
0x42: {  	_ =	shalt  }
0x43: {  	_ =	shalt  }
0x44: {  	_ =	shalt  }
0x45: {  	_ =	shalt  }
0x46: {  	_ =	shalt  }
0x47: {  	_ =	shalt  }
0x48: {  	_ =	shalt  }
0x49: {  	_ =	shalt  }
0x4a: {  	_ =	shalt  }
0x4b: {  	_ =	shalt  }
0x4c: {  	_ =	shalt  }
0x4d: {  	_ =	shalt  }
0x4e: {  	_ =	shalt  }
0x4f: {  	_ =	shalt  }
0x50: {  	_ =	shalt  }
0x51: {  	_ =	shalt  }
0x52: {  	_ =	shalt  }
0x53: {  	_ =	shalt  }
0x54: {  	_ =	shalt  }
0x55: {  	_ =	shalt  }
0x56: {  	_ =	shalt  }
0x57: {  	_ =	shalt  }
0x58: {  	_ =	shalt  }
0x59: {  	_ =	shalt  }
0x5a: {  	_ =	shalt  }
0x5b: {  	_ =	shalt  }
0x5c: {  	_ =	shalt  }
0x5d: {  	_ =	shalt  }
0x5e: {  	_ =	shalt  }
0x5f: {  	_ =	shalt  }
0x60: {  	_ =	shalt  }
0x61: {  	_ =	shalt  }
0x62: {  	_ =	shalt  }
0x63: {  	_ =	shalt  }
0x64: {  	_ =	shalt  }
0x65: {  	_ =	shalt  }
0x66: {  	_ =	shalt  }
0x67: {  	_ =	shalt  }
0x68: {  	_ =	shalt  }
0x69: {  	_ =	shalt  }
0x6a: {  	_ =	shalt  }
0x6b: {  	_ =	shalt  }
0x6c: {  	_ =	shalt  }
0x6d: {  	_ =	shalt  }
0x6e: {  	_ =	shalt  }
0x6f: {  	_ =	shalt  }
0x70: {  	_ =	shalt  }
0x71: {  	_ =	shalt  }
0x72: {  	_ =	shalt  }
0x73: {  	_ =	shalt  }
0x74: {  	_ =	shalt  }
0x75: {  	_ =	shalt  }
0x76: {  	_ =	shalt  }
0x77: {  	_ =	shalt  }
0x78: {  	_ =	shalt  }
0x79: {  	_ =	shalt  }
0x7a: {  	_ =	shalt  }
0x7b: {  	_ =	shalt  }
0x7c: {  	_ =	shalt  }
0x7d: {  	_ =	shalt  }
0x7e: {  	_ =	shalt  }
0x7f: {  	_ =	shalt  }
0x80: {  	_ =	shalt  }
0x81: {  	_ =	shalt  }
0x82: {  	_ =	shalt  }
0x83: {  	_ =	shalt  }
0x84: {  	_ =	shalt  }
0x85: {  	_ =	shalt  }
0x86: {  	_ =	shalt  }
0x87: {  	_ =	shalt  }
.Lfunc_end0:
.L_simem_size_0:
called_computation_lowered:
.L_overlay_start_0:
0x88: {  	s2 =	sld [smem:$0x3FD9]  }
0x89: {  	s3 =	sld [smem:$0x3FFE];
	_ =	sdelay $0x1  }
0x8a: {  	s1 =	srdreg.scid  }
0x8b: {  	s0 =	sand.u32 $0x1, s1  }
0x8c: {  	s17 =	sshll.u32 s0, $0xA;
	s2 =	sadd.s32 s3, s2  }
0x8d: {  	s2 =	sadd.s32 s2, s17  }
0x8e: {  	[smem:$0x3FC2] =	sst s2  }
0x8f: {  	_ = 	snop  }
0x90: {  	s2 =	sld [smem:$0x3FD0];
	(tm) =	ssettm $0x1  }
0x91: {  	s18 =	sld [smem:$0x3FFB];
	_ =	sdelay $0x3  }
0x92: {  	_ =	strace s18  }
0x93: {  	s3 =	sld [smem:$0x3FFC];
	_ =	sdelay $0x3  }
0x94: {  	_ =	strace s3  }
0x95: {  	s3 =	sld [smem:$0x3FFD];
	_ =	sdelay $0x3  }
0x96: {  	_ =	strace s3  }
0x97: {  	_ =	strace $0x8FFFFFFF  }
0x98: {  	s19 =	sld [smem:$0x3FDB];
	_ =	sdelay $0x1  }
0x99: {  	s4 =	simm.s32 $_scs_section_size  }
0x9a: {  	s5 =	simm.s32 $_size__tile_overlayer_lowered;
	s6 =	simm.s32 $_tile_overlayer_lowered  }
0x9b: {  	s22 =	simm.s32 $0x1BFF;
	s21 =	sshll.u32 s6, $0x1;
	s3 =	sadd.s32 s4, s19  }
0x9c: {  	s7 =	simm.s32 $0x0;
	s20 =	sshll.u32 s5, $0x1;
	s5 =	sadd.s32 s21, s3  }
0x9d: {  	[timem:s7], [sflag:s22] =	dma.local [hbm:s5], s20  }
0x9e: {  	_ =	swait.ge [sflag:s22], s20  }
0x9f: {  	s4 =	ssub.s32 $0x0, s20;
	[sflag:s22] =	ssyncset.done $0x0  }
0xa0: {  	[sflag:s22] =	ssyncadd.s32 s4;
	_ =	sdelay $0x1  }
0xa1: {  	s23 =	simm.s32 $0x1B8B  }
0xa2: {  	_ =	swait.ge [sflag:s23], $0x1  }
0xa3: {  	[sflag:s23] =	ssyncset.done $0x0  }
0xa4: {  	s25 =	simm.s32 $0x1B8E;
	s24 =	sld [smem:$0x3FFE];
	[sflag:s23] =	ssyncadd.s32 $0xFFFFFFFF  }
0xa5: {  	s26 =	simm.s32 $execute0_lowered;
	[smem:$0x3FD2] =	sst s25  }
0xa6: {  	s5 =	sshll.u32 s26, $0x1;
	_ =	strace $0x80000046;
	[dreg:$0x1] =	wrdreg $0xFFFFFFFF  }
0xa7: {  	s28 =	simm.s32 $_size_execute0_lowered;
	s3 =	sadd.s32 s3, s5;
	[dreg:$0x0] =	wrdreg $0x0  }
0xa8: {  	s5 =	sshll.u32 s28, $0x1;
	[dreg:$0x2] =	wrdreg s3  }
0xa9: {  	[dreg:$0x3] =	wrdreg s5  }
0xaa: {  	[dreg:$0x4] =	wrdreg $0xC0  }
0xab: {  	_ =	task [dreg:s7], $0x5FFFF  }
0xac: {  	[dreg:$0x1] =	wrdreg $0xFFFFFFFF  }
0xad: {  	[dreg:$0x0] =	wrdreg $0x60  }
0xae: {  	[dreg:$0x2] =	wrdreg s24  }
0xaf: {  	[dreg:$0x3] =	wrdreg s2  }
0xb0: {  	[dreg:$0x4] =	wrdreg $0x2F800  }
0xb1: {  	[dreg:$0x5] =	wrdreg $0x9  }
0xb2: {  	_ =	task.clear_ibuf [dreg:s7], $0x6FFFF;
	_ =	strace $0x90000046  }
0xb3: {  	s29 =	simm.s32 $0x9;
	_ =	strace $0x80000048  }
0xb4: {  	_ =	swait.ge [sflag:s29], $0x1  }
0xb5: {  	[sflag:s29] =	ssyncadd.s32 $0xFFFFFFFF  }
0xb6: {  	_ =	strace $0x90000048  }
0xb7: {  	_ =	sfence  }
0xb8: {  	s30 =	sld [smem:$0x0];
	_ =	sdelay $0x2  }
0xb9: {  	s31 =	sshll.u32 s1, $0xD;
	s1 =	sshrl.u32 s1, $0x2  }
0xba: {  	s3 =	sand.u32 $0x4000, s31;
	s1 =	sadd.s32 s1, s30  }
0xbb: {  	s0 =	sor.u32 s3, s0;
	s1 =	sshll.u32 s1, $0x11  }
0xbc: {  	s0 =	sor.u32 s1, s0  }
0xbd: {  	s0 =	sadd.s32 $0x8F2B, s0  }
0xbe: {  	[sflag:s0] =	ssyncadd.remote.s32 $0x1  }
0xbf: {  	_ =	sfence.sel $0xFFFF  }
0xc0: {  	[dreg:$0x0] =	wrdreg $0xFFFFFFFF;
	(pc) =	sbr.abs _section_cstart, $3  }
0xc1: {  	[dreg:$0x1] =	wrdreg $0xFFFFFFFF  }
0xc2: {  	_ =	task.clear_ibuf [dreg:s7], $0x2FFFF;
	_ =	strace $0x9FFFFFFF  }
0xc3: {  	(tm) =	ssettm $0x7FFFFFFF  }
tec
execute0_lowered:
.L_overlay_start_1:
0x0: {  	(tag) =	ssettag $0x1  }
0x1: {  	s5 =	rddreg [dreg:$0x0]  }
0x2: {  	s9 =	rddreg [dreg:$0x1]  }
0x3: {  	s0 =	srdreg.scid;
	s2 =	rddreg [dreg:$0x2]  }
0x4: {  	s3 =	simm.s32 $0x0;
	s6 =	sand.u32 $0x1, s0;
	s0 =	stileid.u32  }
0x5: {  	[smem:$0x7FF] =	sst s3;
	s1 =	sshll.u32 s6, $0x4;
	s8 =	smul.u32 $0x2710, s0  }
0x6: {  	s29 =	ssub.s32 $0x2, s6;
	s30 =	smul.u32 $0x4E20, s6;
	s1 =	sor.u32 s0, s1  }
0x7: {  	s31 =	sshll.u32 s0, $0x6;
	s14 =	sshrl.u32 s29, $0x1;
	s7 =	smul.u32 $0x9C4, s1  }
0x8: {  	s1 =	rddreg [dreg:$0x3];
	_ =	strace $0x80000047;
	s13 =	sshrl.u32 s8, $0x3  }
0x9: {  	s14 =	ssub.s32 s29, s14;
	s15 =	sadd.s32 s8, s2;
	s16 =	sadd.s32 s9, s30  }
0xa: {  	s11 =	sadd.s32 s13, s5;
	s9 =	smax.u32 s14, $0x1;
	s13 =	sadd.s32 s13, s16  }
0xb: {  	s14 =	simm.s32 $0x0;
	s4 =	sshrl.u32 s7, $0x1;
	s12 =	sadd.s32 $0x9C4, s7  }
0xc: {  	s7 =	sshrl.u32 s7, $0x5;
	s6 =	sadd.s32 $0x15600, s11;
	s4 =	sand.u32 $0xFFF0, s4  }
0xd: {  	s11 =	simm.s32 $0x2;
	s12 =	sshrl.u32 s12, $0x5;
	s10 =	sadd.s32 s4, s5  }
0xe: {  	s4 =	sadd.s32 $0x1A600, s5;
	s5 =	ssub.s32 s12, s7;
	s7 =	sor.u32 $0x1C02, s31  }
0xf: {  	s12 =	simm.s32 $0x2780;
	s8 =	sadd.s32 $0xB800, s10;
	s10 =	sshrl.u32 s15, $0x3  }
.LBB2_1:
0x10: {  	[spmem:s10], [sflag:s7] =	dma.local [hbm:s6], $0x4E2  }
0x11: {  	_ =	swait.ge [sflag:s11], $0x4E2  }
0x12: {  	[sflag:s11] =	ssyncset.done $0x0  }
0x13: {  	[sflag:s11] =	ssyncadd.s32 $0xFFFFFB1E  }
0x14: {  	[tilespmem:s3], [sflag:$0x2] =	stream.linear.gather [hbm4b:s8+s3], $0x2780, $0x38;
	[tilespmem:$0x5690] =	vst v63  }
0x15: {  	_ =	swait.ge [sflag:s11], $0x2780  }
0x16: {  	[sflag:s11] =	ssyncset.done $0x0  }
0x17: {  	[sflag:s11] =	ssyncadd.s32 $0xFFFFD880  }
0x18: {  	[tilespmem:s12], [sflag:$0x2] =	stream.linear.gather [hbm4b:s4+s3], $0x800, $0x38;
	[tilespmem:$0x5690] =	vst v63  }
0x19: {  	_ =	swait.ge [sflag:s11], $0x800  }
0x1a: {  	p0 =	sle.s32 s5, $0x0;
	[sflag:s11] =	ssyncset.done $0x0  }
0x1b: {  	s15 =	simm.s32 @!p0 $0x80;
	[sflag:s11] =	ssyncadd.s32 $0xFFFFF800  }
0x1c: {  	s16 =	simm.s32 @!p0 $0x2780;
	s17 =	simm.s32 @!p0 $0x1;
	[bflag:$0x0] =	sbarrier.arrive $0xFFFF  }
0x1d: {  	[spmem:s2] =	stream.indirect.scatter.add.f32 @!p0 [tilespmem:s16], [sflag:$0x1], $0x10, s3, s15, $0xb8;
	[tilespmem:$0x5690] =	vst v63  }
0x1e: {  	_ =	swait.ge @!p0 [sflag:s17], $0x800  }
0x1f: {  	s15 =	simm.s32 $0x1;
	s16 =	simm.s32 $0x0;
	[sflag:s17] =	ssyncset.done @!p0 $0x0  }
.LBB2_2:
0x20: {  	[sflag:s17] =	ssyncadd.s32 @!p0 $0xFFFFF800;
	s17 =	smov.u32 s15;
	s15 =	sadd.s32 $0x1, s15  }
0x21: {  	s16 =	sadd.s32 $0x80, s16;
	p1 =	sne.s32 s15, $0x4F  }
.Ltmp0:
0x22: {  	p0 =	sge.s32 s17, s5;
	(pc) =	sbr.rel @p1 .LBB2_2-.Ltmp0, $4  }
0x23: {  	s18 =	simm.s32 @!p0 $0x80;
	s19 =	simm.s32 @!p0 $0x2780;
	s17 =	simm.s32 @!p0 $0x1  }
0x24: {  	[spmem:s2] =	stream.indirect.scatter.add.f32 @!p0 [tilespmem:s19], [sflag:$0x1], $0x10, s16, s18, $0xb8;
	[tilespmem:$0x5690] =	vst v63  }
0x25: {  	_ =	swait.ge @!p0 [sflag:s17], $0x800  }
0x26: {  	[sflag:s17] =	ssyncset.done @!p0 $0x0  }
0x27: {  	s14 =	sadd.s32 $0x1, s14  }
0x28: {  	[sflag:s17] =	ssyncadd.s32 @!p0 $0xFFFFF800;
	p0 =	sne.s32 s14, s9  }
.Ltmp1:
0x29: {  	[bflag:$0x0] =	sbarrier.arrive $0xFFFF;
	(pc) =	sbr.rel @p0 .LBB2_1-.Ltmp1, $4  }
0x2a: {  	[hbm:s13], [sflag:s7] =	dma.local [spmem:s10], $0x4E2  }
0x2b: {  	_ =	swait.ge [sflag:s11], $0x4E2  }
0x2c: {  	[sflag:s11] =	ssyncset.done $0x0  }
0x2d: {  	[sflag:s11] =	ssyncadd.s32 $0xFFFFFB1E  }
0x2e: {  	_ =	sfence.sel $0x180000  }
0x2f: {  	[bflag:$0x0] =	sbarrier.arrive $0xFFFF  }
0x30: {  	p0 =	sne.s32 s0, $0x0;
	_ =	strace $0x90000047  }
0x31: {  	s0 =	sadd.s32 @!p0 $0x100000, s1;
	[bflag:$0x2] =	sbarrier.arrive $0xFFFF  }
0x32: {  	[sflag:s0] =	ssyncadd.tile.s32 @!p0 $0x1;
	_ =	shalt  }
.Lfunc_end2:
_tile_overlayer_lowered:
.L_overlay_start_2:
0x33: {  	(tag) =	ssettag $0x2  }
0x34: {  	s0 =	rddreg [dreg:$0x0];
	s2 =	stileid.u32  }
0x35: {  	s1 =	rddreg [dreg:$0x1];
	p0 =	sne.s32 s2, $0x0  }
0x36: {  	s3 =	rddreg [dreg:$0x2];
	[bflag:$0x3] =	sbarrier.arrive $0xFFFF;
	s2 =	simm.s32 @!p0 $0x1C02  }
0x37: {  	[timem:s3], [sflag:s2] =	dma.local @!p0 [hbm:s0], s1  }
0x38: {  	s0 =	simm.s32 @!p0 $0x2  }
0x39: {  	_ =	swait.ge @!p0 [sflag:s0], s1  }
0x3a: {  	s1 =	ssub.s32 @!p0 $0x0, s1;
	[sflag:s0] =	ssyncset.done @!p0 $0x0  }
0x3b: {  	[sflag:s0] =	ssyncadd.s32 @!p0 s1  }
0x3c: {  	[bflag:$0x3] =	sbarrier.arrive $0xFFFF  }
0x3d: {  	_ =	shalt  }

</sc_bundles>
